<compile_context>
chip_gen: v7x
topology: tpu7x:2x2x1
jax: 0.10.2.dev20260603
libtpu: 0.0.44.dev20260713+nightly
codegen_flags: <defaults>
</compile_context>

<pallas_src>
import functools

import jax
import jax.numpy as jnp
from jax import lax
from jax.experimental import pallas as pl
from jax.experimental.pallas import tpu as pltpu
from jax.experimental.pallas import tpu_sc as plsc

NC = 2
NS = 16
NW = NC * NS

NN = 100000
NN_PAD = 100352
ROWS = 784
NE = 6400000
EPT = NE // NW

C1 = 10000
NCH1 = EPT // C1
PPT = NN_PAD // NW

C3 = 4000
NCH3 = EPT // C3

NPS = NN_PAD // NS
APS = NPS // 2
NHALF = 2
WIN = 3200
IDXT = 112

_mesh = plsc.VectorSubcoreMesh(core_axis_name="c", subcore_axis_name="s")
_sc_params = pltpu.CompilerParams(needs_layout_passes=False)


@functools.partial(
    pl.kernel,
    out_type=(
        jax.ShapeDtypeStruct((NW, ROWS, 128), jnp.int32),
        jax.ShapeDtypeStruct((NN_PAD,), jnp.int32),
    ),
    mesh=_mesh,
    scratch_types=[
        pltpu.VMEM((ROWS, 128), jnp.int32),
        pltpu.VMEM((C1,), jnp.int32),
        pltpu.VMEM((C1,), jnp.int32),
        pltpu.VMEM((PPT,), jnp.int32),
        pltpu.VMEM((PPT,), jnp.int32),
        pltpu.SemaphoreType.DMA,
        pltpu.SemaphoreType.DMA,
        pltpu.SemaphoreType.DMA,
    ],
    compiler_params=_sc_params,
)
def _presence(dst_hbm, lu_hbm, out_hbm, mid_hbm,
              map_v, dst_b0, dst_b1, pfx_b, val_b, sem0, sem1, semM):
    wid = lax.axis_index("s") * NC + lax.axis_index("c")
    base = wid * EPT
    sems = (sem0, sem1)
    bufs = (dst_b0, dst_b1)

    pltpu.async_copy(dst_hbm.at[pl.ds(base, C1)], bufs[0], sems[0])
    pltpu.async_copy(dst_hbm.at[pl.ds(base + C1, C1)], bufs[1], sems[1])

    pbase = wid * PPT
    pfx_h = pltpu.async_copy(dst_hbm.at[pl.ds(pbase, PPT)], pfx_b, semM)

    @plsc.parallel_loop(0, ROWS, unroll=8)
    def _zero(i):
        map_v[i, pl.ds(0, 16)] = jnp.zeros((16,), jnp.int32)
        map_v[i, pl.ds(16, 16)] = jnp.zeros((16,), jnp.int32)
        map_v[i, pl.ds(32, 16)] = jnp.zeros((16,), jnp.int32)
        map_v[i, pl.ds(48, 16)] = jnp.zeros((16,), jnp.int32)
        map_v[i, pl.ds(64, 16)] = jnp.zeros((16,), jnp.int32)
        map_v[i, pl.ds(80, 16)] = jnp.zeros((16,), jnp.int32)
        map_v[i, pl.ds(96, 16)] = jnp.zeros((16,), jnp.int32)
        map_v[i, pl.ds(112, 16)] = jnp.zeros((16,), jnp.int32)

    pfx_h.wait()
    mid_hs = [pltpu.async_copy(
                  lu_hbm.at[pfx_b.at[pl.ds(q * IDXT, IDXT)]],
                  val_b.at[pl.ds(q * IDXT, IDXT)], semM)
              for q in range(PPT // IDXT)]

    ones = jnp.ones((16,), jnp.int32)

    @pl.loop(0, NCH1, step=2)
    def _chunks(j0):
        for b in range(2):
            jj = j0 + b
            pltpu.make_async_copy(
                dst_hbm.at[pl.ds(base + jj * C1, C1)], bufs[b], sems[b]).wait()

            @plsc.parallel_loop(0, C1 // 16, unroll=5)
            def _scatter(k, _ref=bufs[b]):
                idx = _ref[pl.ds(k * 16, 16)]
                row = lax.shift_right_logical(idx, 7)
                col = lax.bitwise_and(idx, jnp.int32(127))
                plsc.store_scatter(map_v, [row, col], ones)

            @pl.when(jj + 2 < NCH1)
            def _prefetch(_b=b, _jj=jj):
                pltpu.async_copy(
                    dst_hbm.at[pl.ds(base + (_jj + 2) * C1, C1)],
                    bufs[_b], sems[_b])

    map_h = pltpu.async_copy(map_v, out_hbm.at[wid], sem0)

    for h in mid_hs:
        h.wait()

    @plsc.parallel_loop(0, PPT // 16, unroll=4)
    def _conv(k):
        v = val_b[pl.ds(k * 16, 16)]
        val_b[pl.ds(k * 16, 16)] = plsc.bitcast(v.astype(jnp.float32),
                                                jnp.int32)

    pltpu.sync_copy(val_b, mid_hbm.at[pl.ds(pbase, PPT)])
    map_h.wait()


def _rank_body(maps_ref, rank_ref):
    acc = maps_ref[0]
    for i in range(1, NW):
        acc = acc | maps_ref[i]
    present = acc.astype(jnp.float32)

    r = lax.broadcasted_iota(jnp.int32, (128, 128), 0)
    c = lax.broadcasted_iota(jnp.int32, (128, 128), 1)
    upper = (r <= c).astype(jnp.float32)
    incl = jnp.dot(present, upper, preferred_element_type=jnp.float32)

    tot = jnp.broadcast_to(incl[:, 127:128], (ROWS, 128))
    ri = lax.broadcasted_iota(jnp.int32, (ROWS, ROWS), 0)
    ci = lax.broadcasted_iota(jnp.int32, (ROWS, ROWS), 1)
    strict_lower = (ci < ri).astype(jnp.float32)
    off = jnp.dot(strict_lower, tot, preferred_element_type=jnp.float32)

    rank_ref[...] = (incl + off - present).astype(jnp.int32)


_rank_tc = pl.pallas_call(
    _rank_body,
    out_shape=jax.ShapeDtypeStruct((ROWS, 128), jnp.int32),
)


@functools.partial(
    pl.kernel,
    out_type=jax.ShapeDtypeStruct((NE,), jnp.float32),
    mesh=_mesh,
    scratch_types=[
        pltpu.VMEM((NN,), jnp.float32),
        pltpu.VMEM((C3,), jnp.int32),
        pltpu.VMEM((C3,), jnp.int32),
        pltpu.VMEM((C3,), jnp.float32),
        pltpu.VMEM((C3,), jnp.float32),
        pltpu.VMEM((C3,), jnp.float32),
        pltpu.VMEM((C3,), jnp.float32),
        pltpu.VMEM_SHARED((NN_PAD,), jnp.float32),
        pltpu.SemaphoreType.DMA,
        pltpu.SemaphoreType.DMA,
        pltpu.SemaphoreType.DMA,
        pltpu.SemaphoreType.DMA,
        pltpu.SemaphoreType.DMA,
        pltpu.SemaphoreType.DMA,
    ],
    compiler_params=_sc_params,
)
def _main(rank_hbm, dst_hbm, times_hbm, mid_hbm, out_hbm,
          tbl_v, dst_b0, dst_b1, t_b0, t_b1, o_b0, o_b1, tbl_sh,
          semd0, semd1, semt0, semt1, semo0, semo1):
    cid = lax.axis_index("c")
    sid = lax.axis_index("s")
    wid = sid * NC + cid
    base = wid * EPT
    dst_b = (dst_b0, dst_b1)
    t_b = (t_b0, t_b1)
    o_b = (o_b0, o_b1)
    semd = (semd0, semd1)
    semt = (semt0, semt1)
    semo = (semo0, semo1)

    pltpu.async_copy(times_hbm.at[pl.ds(base, C3)], t_b[0], semt[0])
    pltpu.async_copy(times_hbm.at[pl.ds(base + C3, C3)], t_b[1], semt[1])

    with jax.named_scope("phaseA"):
        nbase = sid * NPS
        for half in range(NHALF):
            off = nbase + half * APS
            pltpu.sync_copy(rank_hbm.at[pl.ds(off, APS)],
                            dst_b0.at[pl.ds(0, APS)])
            r0 = dst_b0[pl.ds(0, 16)][0]
            r0a = pl.multiple_of(jnp.minimum(
                lax.bitwise_and(r0, jnp.int32(~7)),
                jnp.int32(NN_PAD - WIN)), 8)
            pltpu.sync_copy(mid_hbm.at[pl.ds(r0a, WIN)],
                            dst_b1.at[pl.ds(0, WIN)])

            @plsc.parallel_loop(0, APS // 16, unroll=4)
            def _tblgather(k):
                s = pl.ds(k * 16, 16)
                w = dst_b0[s] - r0a
                o_b0[s] = plsc.bitcast(
                    plsc.load_gather(dst_b1, [w]), jnp.float32)

            pltpu.sync_copy(o_b0.at[pl.ds(0, APS)],
                            tbl_sh.at[pl.ds(off, APS)])

    plsc.subcore_barrier()

    pltpu.async_copy(dst_hbm.at[pl.ds(base, C3)], dst_b[0], semd[0])
    pltpu.async_copy(dst_hbm.at[pl.ds(base + C3, C3)], dst_b[1], semd[1])

    with jax.named_scope("broadcast"):
        pltpu.sync_copy(tbl_sh.at[pl.ds(0, NN)], tbl_v)


    @pl.loop(0, NCH3, step=2)
    def _chunks(j0):
        for b in range(2):
            jj = j0 + b
            pltpu.make_async_copy(
                dst_hbm.at[pl.ds(base + jj * C3, C3)], dst_b[b], semd[b]).wait()
            pltpu.make_async_copy(
                times_hbm.at[pl.ds(base + jj * C3, C3)], t_b[b], semt[b]).wait()

            @pl.when(jj >= 2)
            def _drain_out(_b=b, _jj=jj):
                pltpu.make_async_copy(
                    o_b[_b], out_hbm.at[pl.ds(base + (_jj - 2) * C3, C3)],
                    semo[_b]).wait()

            @plsc.parallel_loop(0, C3 // 16, unroll=10)
            def _ev(k, _d=dst_b[b], _t=t_b[b], _o=o_b[b]):
                s = pl.ds(k * 16, 16)
                idx = _d[s]
                _o[s] = plsc.load_gather(tbl_v, [idx]) - _t[s]
            pltpu.async_copy(
                o_b[b], out_hbm.at[pl.ds(base + jj * C3, C3)], semo[b])

            @pl.when(jj + 2 < NCH3)
            def _prefetch(_b=b, _jj=jj):
                pltpu.async_copy(
                    dst_hbm.at[pl.ds(base + (_jj + 2) * C3, C3)],
                    dst_b[_b], semd[_b])
                pltpu.async_copy(
                    times_hbm.at[pl.ds(base + (_jj + 2) * C3, C3)],
                    t_b[_b], semt[_b])

    pltpu.make_async_copy(
        o_b[0], out_hbm.at[pl.ds(base + (NCH3 - 2) * C3, C3)], semo[0]).wait()
    pltpu.make_async_copy(
        o_b[1], out_hbm.at[pl.ds(base + (NCH3 - 1) * C3, C3)], semo[1]).wait()


def kernel(dst_ids, times, last_update):
    maps, mid = _presence(dst_ids, last_update)
    rank = _rank_tc(maps).reshape(NN_PAD)
    return _main(rank, dst_ids, times, mid)

# --- scband reference (transcript-rebuilt; emitter-appended) ---
"""Pipeline reference for scband-last-update-store-26843545600141 (READ-ONLY COPY).

The authoritative reference and input builder live on the scoring server;
editing this copy changes nothing except your own understanding.
"""

import jax, jax.numpy as jnp
import numpy as np

NUM_NODES = 100000
NUM_EVENTS = 6400000

def setup_inputs(seed: int = 0) -> dict:
    key = jax.random.key(seed)
    k1, k2, k3 = jax.random.split(key, 3)
    dst_ids = jax.random.randint(k1, (NUM_EVENTS,), 0, NUM_NODES, dtype=jnp.int32)
    times = jax.random.uniform(k2, (NUM_EVENTS,), dtype=jnp.float32)
    # buffer: last recorded update timestamp per node (long in torch)
    last_update = jax.random.randint(k3, (NUM_NODES,), 0, 1000, dtype=jnp.int32)
    return {"dst_ids": dst_ids, "times": times, "last_update": last_update}

def reference(dst_ids, times, last_update):
    # Faithful translation of LastUpdateStore.calc_relative_time:
    #   last_update_gathered = self.last_update[dst_ids]
    #   unique, index = dst_ids.unique(return_inverse=True)
    #   return last_update_gathered[index] - times
    gathered = jnp.take(last_update, dst_ids, axis=0)
    unique, index = jnp.unique(dst_ids, return_inverse=True,
                               size=last_update.shape[0])
    rel = gathered[index].astype(times.dtype) - times
    return rel

if __name__ == "__main__":
    import jax
    _d = setup_inputs()
    print(jax.jit(kernel)(*tuple(_d.values())))

</pallas_src>

<mosaic_0001>
#map = affine_map<(d0, d1) -> (0)>
module attributes {stable_mosaic.version = 14 : i64} {
  func.func @_main(%arg0: i32, %arg1: i32, %arg2: memref<100352xi32, #tpu.memory_space<hbm>>, %arg3: memref<6400000xi32, #tpu.memory_space<hbm>>, %arg4: memref<6400000xf32, #tpu.memory_space<hbm>>, %arg5: memref<100352xi32, #tpu.memory_space<hbm>>, %arg6: memref<6400000xf32, #tpu.memory_space<hbm>>, %arg7: memref<100000xf32, #tpu.memory_space<vmem>>, %arg8: memref<4000xi32, #tpu.memory_space<vmem>>, %arg9: memref<4000xi32, #tpu.memory_space<vmem>>, %arg10: memref<4000xf32, #tpu.memory_space<vmem>>, %arg11: memref<4000xf32, #tpu.memory_space<vmem>>, %arg12: memref<4000xf32, #tpu.memory_space<vmem>>, %arg13: memref<4000xf32, #tpu.memory_space<vmem>>, %arg14: memref<100352xf32, #tpu.memory_space<vmem_shared>>, %arg15: memref<!tpu.dma_semaphore, #tpu.memory_space<semaphore_mem>>, %arg16: memref<!tpu.dma_semaphore, #tpu.memory_space<semaphore_mem>>, %arg17: memref<!tpu.dma_semaphore, #tpu.memory_space<semaphore_mem>>, %arg18: memref<!tpu.dma_semaphore, #tpu.memory_space<semaphore_mem>>, %arg19: memref<!tpu.dma_semaphore, #tpu.memory_space<semaphore_mem>>, %arg20: memref<!tpu.dma_semaphore, #tpu.memory_space<semaphore_mem>>) attributes {dimension_semantics = [#tpu.dimension_semantics<core_parallel>, #tpu.dimension_semantics<subcore_parallel>], iteration_bounds = array<i64: 2, 16>, scalar_prefetch = 0 : i64, scratch_operands = 14 : i64, tpu.core_type = #tpu.core_type<sc_vector_subcore>, window_params = [{transform_indices = #map}, {transform_indices = #map}, {transform_indices = #map}, {transform_indices = #map}, {transform_indices = #map}]} {
    %mul3A = arith.constant 2 : i32
    %mul3A_0 = arith.muli %arg1, %mul3A : i32
    %add3A = arith.addi %mul3A_0, %arg0 : i32
    %mul3A_1 = arith.constant 200000 : i32
    %mul3A_2 = arith.muli %add3A, %mul3A_1 : i32
    %dma_start3A = tpu.memref_slice %arg4[%mul3A_2] : memref<6400000xf32, #tpu.memory_space<hbm>> -> memref<4000xf32, #tpu.memory_space<hbm>>
    %dma_start3A_3 = tpu.memref_slice %arg4[%mul3A_2] : memref<6400000xf32, #tpu.memory_space<hbm>> -> memref<4000xf32, #tpu.memory_space<hbm>>
    tpu.enqueue_dma source(%dma_start3A_3 : memref<4000xf32, #tpu.memory_space<hbm>>) target(%arg10 : memref<4000xf32, #tpu.memory_space<vmem>>) target_semaphore(%arg17 : memref<!tpu.dma_semaphore, #tpu.memory_space<semaphore_mem>>)
    %add3A_4 = arith.constant 4000 : i32
    %add3A_5 = arith.addi %mul3A_2, %add3A_4 : i32
    %dma_start3A_6 = tpu.memref_slice %arg4[%add3A_5] : memref<6400000xf32, #tpu.memory_space<hbm>> -> memref<4000xf32, #tpu.memory_space<hbm>>
    %dma_start3A_7 = tpu.memref_slice %arg4[%add3A_5] : memref<6400000xf32, #tpu.memory_space<hbm>> -> memref<4000xf32, #tpu.memory_space<hbm>>
    tpu.enqueue_dma source(%dma_start3A_7 : memref<4000xf32, #tpu.memory_space<hbm>>) target(%arg11 : memref<4000xf32, #tpu.memory_space<vmem>>) target_semaphore(%arg18 : memref<!tpu.dma_semaphore, #tpu.memory_space<semaphore_mem>>)
    "tpu.trace_start"() <{level = 10 : i32, message = "phaseA"}> : () -> ()
    %mul3A_8 = arith.constant 6272 : i32
    %mul3A_9 = arith.muli %arg1, %mul3A_8 : i32
    %add3A_10 = arith.constant 0 : i32
    %add3A_11 = arith.addi %mul3A_9, %add3A_10 : i32
    "tpu.region"() ({
      %run_scoped3A = tpu.sem_alloc : memref<!tpu.dma_semaphore, #tpu.memory_space<semaphore_mem>>
      %dma_start3A_48 = arith.constant 0 : i32
      %dma_start3A_49 = tpu.memref_slice %arg8[%dma_start3A_48] : memref<4000xi32, #tpu.memory_space<vmem>> -> memref<3136xi32, #tpu.memory_space<vmem>>
      %dma_start3A_50 = tpu.memref_slice %arg2[%add3A_11] : memref<100352xi32, #tpu.memory_space<hbm>> -> memref<3136xi32, #tpu.memory_space<hbm>>
      %dma_start3A_51 = arith.constant 0 : i32
      %dma_start3A_52 = tpu.memref_slice %arg8[%dma_start3A_51] : memref<4000xi32, #tpu.memory_space<vmem>> -> memref<3136xi32, #tpu.memory_space<vmem>>
      %dma_start3A_53 = tpu.memref_slice %arg2[%add3A_11] : memref<100352xi32, #tpu.memory_space<hbm>> -> memref<3136xi32, #tpu.memory_space<hbm>>
      tpu.enqueue_dma source(%dma_start3A_53 : memref<3136xi32, #tpu.memory_space<hbm>>) target(%dma_start3A_52 : memref<3136xi32, #tpu.memory_space<vmem>>) target_semaphore(%run_scoped3A : memref<!tpu.dma_semaphore, #tpu.memory_space<semaphore_mem>>)
      %dma_wait3A_54 = arith.constant 0 : i32
      %dma_wait3A_55 = tpu.memref_slice %arg8[%dma_wait3A_54] : memref<4000xi32, #tpu.memory_space<vmem>> -> memref<3136xi32, #tpu.memory_space<vmem>>
      %dma_wait3A_56 = tpu.memref_slice %arg2[%add3A_11] : memref<100352xi32, #tpu.memory_space<hbm>> -> memref<3136xi32, #tpu.memory_space<hbm>>
      %dma_wait3A_57 = arith.constant 0 : i32
      %dma_wait3A_58 = tpu.memref_slice %arg8[%dma_wait3A_57] : memref<4000xi32, #tpu.memory_space<vmem>> -> memref<3136xi32, #tpu.memory_space<vmem>>
      %dma_wait3A_59 = tpu.memref_slice %arg2[%add3A_11] : memref<100352xi32, #tpu.memory_space<hbm>> -> memref<3136xi32, #tpu.memory_space<hbm>>
      tpu.wait_dma2 semaphore(%run_scoped3A : memref<!tpu.dma_semaphore, #tpu.memory_space<semaphore_mem>>) src(%dma_wait3A_59 : memref<3136xi32, #tpu.memory_space<hbm>>) dst(%dma_wait3A_58 : memref<3136xi32, #tpu.memory_space<vmem>>)
      tpu.yield
    }) : () -> ()
    %get3A = arith.constant 0 : index
    %get3A_12 = tpu.vector_load %arg8[%get3A] {strides = array<i32>} : memref<4000xi32, #tpu.memory_space<vmem>>, vector<16xi32>,
    %slice3A = vector.extract_strided_slice %get3A_12 {offsets = [0], sizes = [1], strides = [1]} : vector<16xi32> to vector<1xi32>
    %squeeze3A = vector.extract %slice3A[0] : i32 from vector<1xi32>
    %and3A = arith.constant -8 : i32
    %and3A_13 = arith.andi %squeeze3A, %and3A : i32
    %min3A = arith.constant 97152 : i32
    %min3A_14 = arith.minsi %and3A_13, %min3A : i32
    %multiple_of3A = tpu.assume_multiple %min3A_14, 8 : i32
    "tpu.region"() ({
      %run_scoped3A = tpu.sem_alloc : memref<!tpu.dma_semaphore, #tpu.memory_space<semaphore_mem>>
      %dma_start3A_48 = arith.constant 0 : i32
      %dma_start3A_49 = tpu.memref_slice %arg9[%dma_start3A_48] : memref<4000xi32, #tpu.memory_space<vmem>> -> memref<3200xi32, #tpu.memory_space<vmem>>
      %dma_start3A_50 = tpu.memref_slice %arg5[%multiple_of3A] : memref<100352xi32, #tpu.memory_space<hbm>> -> memref<3200xi32, #tpu.memory_space<hbm>>
      %dma_start3A_51 = arith.constant 0 : i32
      %dma_start3A_52 = tpu.memref_slice %arg9[%dma_start3A_51] : memref<4000xi32, #tpu.memory_space<vmem>> -> memref<3200xi32, #tpu.memory_space<vmem>>
      %dma_start3A_53 = tpu.memref_slice %arg5[%multiple_of3A] : memref<100352xi32, #tpu.memory_space<hbm>> -> memref<3200xi32, #tpu.memory_space<hbm>>
      tpu.enqueue_dma source(%dma_start3A_53 : memref<3200xi32, #tpu.memory_space<hbm>>) target(%dma_start3A_52 : memref<3200xi32, #tpu.memory_space<vmem>>) target_semaphore(%run_scoped3A : memref<!tpu.dma_semaphore, #tpu.memory_space<semaphore_mem>>)
      %dma_wait3A_54 = arith.constant 0 : i32
      %dma_wait3A_55 = tpu.memref_slice %arg9[%dma_wait3A_54] : memref<4000xi32, #tpu.memory_space<vmem>> -> memref<3200xi32, #tpu.memory_space<vmem>>
      %dma_wait3A_56 = tpu.memref_slice %arg5[%multiple_of3A] : memref<100352xi32, #tpu.memory_space<hbm>> -> memref<3200xi32, #tpu.memory_space<hbm>>
      %dma_wait3A_57 = arith.constant 0 : i32
      %dma_wait3A_58 = tpu.memref_slice %arg9[%dma_wait3A_57] : memref<4000xi32, #tpu.memory_space<vmem>> -> memref<3200xi32, #tpu.memory_space<vmem>>
      %dma_wait3A_59 = tpu.memref_slice %arg5[%multiple_of3A] : memref<100352xi32, #tpu.memory_space<hbm>> -> memref<3200xi32, #tpu.memory_space<hbm>>
      tpu.wait_dma2 semaphore(%run_scoped3A : memref<!tpu.dma_semaphore, #tpu.memory_space<semaphore_mem>>) src(%dma_wait3A_59 : memref<3200xi32, #tpu.memory_space<hbm>>) dst(%dma_wait3A_58 : memref<3200xi32, #tpu.memory_space<vmem>>)
      tpu.yield
    }) : () -> ()
    %parallel_loop3A = arith.constant 0 : i32
    %parallel_loop3A_15 = arith.constant 196 : i32
    %parallel_loop3A_16 = arith.constant 1 : i32
    scf.for %parallel_loop3A_48 = %parallel_loop3A to %parallel_loop3A_15 step %parallel_loop3A_16  : i32 {
      %parallel_loop3A_49 = arith.constant 16 : i32
      %parallel_loop3A_50 = arith.muli %parallel_loop3A_48, %parallel_loop3A_49 : i32
      %parallel_loop3A_51 = arith.index_cast %parallel_loop3A_50 : i32 to index
      %parallel_loop3A_52 = tpu.vector_load %arg8[%parallel_loop3A_51] {strides = array<i32>} : memref<4000xi32, #tpu.memory_space<vmem>>, vector<16xi32>,
      %parallel_loop3A_53 = vector.broadcast %multiple_of3A : i32 to vector<16xi32>
      %parallel_loop3A_54 = arith.subi %parallel_loop3A_52, %parallel_loop3A_53 : vector<16xi32>
      %parallel_loop3A_55 = tpu.vector_load_idx %arg9[%parallel_loop3A_54] : memref<4000xi32, #tpu.memory_space<vmem>>[vector<16xi32>], vector<16xi32>,
      %parallel_loop3A_56 = vector.bitcast %parallel_loop3A_55 : vector<16xi32> to vector<16xf32>
      %parallel_loop3A_57 = arith.index_cast %parallel_loop3A_50 : i32 to index
      %parallel_loop3A_58 = tpu.vector_load %arg12[%parallel_loop3A_57] {strides = array<i32>} : memref<4000xf32, #tpu.memory_space<vmem>>, vector<16xf32>,
      tpu.vector_store %arg12[%parallel_loop3A_57], %parallel_loop3A_56 {strides = array<i32>} : memref<4000xf32, #tpu.memory_space<vmem>>, vector<16xf32>,
    } {sc.loop_unroll_factor = 4 : i64, sc.parallel_access}
    "tpu.region"() ({
      %run_scoped3A = tpu.sem_alloc : memref<!tpu.dma_semaphore, #tpu.memory_space<semaphore_mem>>
      %dma_start3A_48 = arith.constant 0 : i32
      %dma_start3A_49 = tpu.memref_slice %arg12[%dma_start3A_48] : memref<4000xf32, #tpu.memory_space<vmem>> -> memref<3136xf32, #tpu.memory_space<vmem>>
      %dma_start3A_50 = tpu.memref_slice %arg14[%add3A_11] : memref<100352xf32, #tpu.memory_space<vmem_shared>> -> memref<3136xf32, #tpu.memory_space<vmem_shared>>
      %dma_start3A_51 = tpu.memref_slice %arg14[%add3A_11] : memref<100352xf32, #tpu.memory_space<vmem_shared>> -> memref<3136xf32, #tpu.memory_space<vmem_shared>>
      %dma_start3A_52 = arith.constant 0 : i32
      %dma_start3A_53 = tpu.memref_slice %arg12[%dma_start3A_52] : memref<4000xf32, #tpu.memory_space<vmem>> -> memref<3136xf32, #tpu.memory_space<vmem>>
      tpu.enqueue_dma source(%dma_start3A_53 : memref<3136xf32, #tpu.memory_space<vmem>>) target(%dma_start3A_51 : memref<3136xf32, #tpu.memory_space<vmem_shared>>) target_semaphore(%run_scoped3A : memref<!tpu.dma_semaphore, #tpu.memory_space<semaphore_mem>>)
      %dma_wait3A_54 = arith.constant 0 : i32
      %dma_wait3A_55 = tpu.memref_slice %arg12[%dma_wait3A_54] : memref<4000xf32, #tpu.memory_space<vmem>> -> memref<3136xf32, #tpu.memory_space<vmem>>
      %dma_wait3A_56 = tpu.memref_slice %arg14[%add3A_11] : memref<100352xf32, #tpu.memory_space<vmem_shared>> -> memref<3136xf32, #tpu.memory_space<vmem_shared>>
      %dma_wait3A_57 = tpu.memref_slice %arg14[%add3A_11] : memref<100352xf32, #tpu.memory_space<vmem_shared>> -> memref<3136xf32, #tpu.memory_space<vmem_shared>>
      %dma_wait3A_58 = arith.constant 0 : i32
      %dma_wait3A_59 = tpu.memref_slice %arg12[%dma_wait3A_58] : memref<4000xf32, #tpu.memory_space<vmem>> -> memref<3136xf32, #tpu.memory_space<vmem>>
      tpu.wait_dma2 semaphore(%run_scoped3A : memref<!tpu.dma_semaphore, #tpu.memory_space<semaphore_mem>>) src(%dma_wait3A_59 : memref<3136xf32, #tpu.memory_space<vmem>>) dst(%dma_wait3A_57 : memref<3136xf32, #tpu.memory_space<vmem_shared>>)
      tpu.yield
    }) : () -> ()
    %add3A_17 = arith.constant 3136 : i32
    %add3A_18 = arith.addi %mul3A_9, %add3A_17 : i32
    "tpu.region"() ({
      %run_scoped3A = tpu.sem_alloc : memref<!tpu.dma_semaphore, #tpu.memory_space<semaphore_mem>>
      %dma_start3A_48 = arith.constant 0 : i32
      %dma_start3A_49 = tpu.memref_slice %arg8[%dma_start3A_48] : memref<4000xi32, #tpu.memory_space<vmem>> -> memref<3136xi32, #tpu.memory_space<vmem>>
      %dma_start3A_50 = tpu.memref_slice %arg2[%add3A_18] : memref<100352xi32, #tpu.memory_space<hbm>> -> memref<3136xi32, #tpu.memory_space<hbm>>
      %dma_start3A_51 = arith.constant 0 : i32
      %dma_start3A_52 = tpu.memref_slice %arg8[%dma_start3A_51] : memref<4000xi32, #tpu.memory_space<vmem>> -> memref<3136xi32, #tpu.memory_space<vmem>>
      %dma_start3A_53 = tpu.memref_slice %arg2[%add3A_18] : memref<100352xi32, #tpu.memory_space<hbm>> -> memref<3136xi32, #tpu.memory_space<hbm>>
      tpu.enqueue_dma source(%dma_start3A_53 : memref<3136xi32, #tpu.memory_space<hbm>>) target(%dma_start3A_52 : memref<3136xi32, #tpu.memory_space<vmem>>) target_semaphore(%run_scoped3A : memref<!tpu.dma_semaphore, #tpu.memory_space<semaphore_mem>>)
      %dma_wait3A_54 = arith.constant 0 : i32
      %dma_wait3A_55 = tpu.memref_slice %arg8[%dma_wait3A_54] : memref<4000xi32, #tpu.memory_space<vmem>> -> memref<3136xi32, #tpu.memory_space<vmem>>
      %dma_wait3A_56 = tpu.memref_slice %arg2[%add3A_18] : memref<100352xi32, #tpu.memory_space<hbm>> -> memref<3136xi32, #tpu.memory_space<hbm>>
      %dma_wait3A_57 = arith.constant 0 : i32
      %dma_wait3A_58 = tpu.memref_slice %arg8[%dma_wait3A_57] : memref<4000xi32, #tpu.memory_space<vmem>> -> memref<3136xi32, #tpu.memory_space<vmem>>
      %dma_wait3A_59 = tpu.memref_slice %arg2[%add3A_18] : memref<100352xi32, #tpu.memory_space<hbm>> -> memref<3136xi32, #tpu.memory_space<hbm>>
      tpu.wait_dma2 semaphore(%run_scoped3A : memref<!tpu.dma_semaphore, #tpu.memory_space<semaphore_mem>>) src(%dma_wait3A_59 : memref<3136xi32, #tpu.memory_space<hbm>>) dst(%dma_wait3A_58 : memref<3136xi32, #tpu.memory_space<vmem>>)
      tpu.yield
    }) : () -> ()
    %get3A_19 = arith.constant 0 : index
    %get3A_20 = tpu.vector_load %arg8[%get3A_19] {strides = array<i32>} : memref<4000xi32, #tpu.memory_space<vmem>>, vector<16xi32>,
    %slice3A_21 = vector.extract_strided_slice %get3A_20 {offsets = [0], sizes = [1], strides = [1]} : vector<16xi32> to vector<1xi32>
    %squeeze3A_22 = vector.extract %slice3A_21[0] : i32 from vector<1xi32>
    %and3A_23 = arith.constant -8 : i32
    %and3A_24 = arith.andi %squeeze3A_22, %and3A_23 : i32
    %min3A_25 = arith.constant 97152 : i32
    %min3A_26 = arith.minsi %and3A_24, %min3A_25 : i32
    %multiple_of3A_27 = tpu.assume_multiple %min3A_26, 8 : i32
    "tpu.region"() ({
      %run_scoped3A = tpu.sem_alloc : memref<!tpu.dma_semaphore, #tpu.memory_space<semaphore_mem>>
      %dma_start3A_48 = arith.constant 0 : i32
      %dma_start3A_49 = tpu.memref_slice %arg9[%dma_start3A_48] : memref<4000xi32, #tpu.memory_space<vmem>> -> memref<3200xi32, #tpu.memory_space<vmem>>
      %dma_start3A_50 = tpu.memref_slice %arg5[%multiple_of3A_27] : memref<100352xi32, #tpu.memory_space<hbm>> -> memref<3200xi32, #tpu.memory_space<hbm>>
      %dma_start3A_51 = arith.constant 0 : i32
      %dma_start3A_52 = tpu.memref_slice %arg9[%dma_start3A_51] : memref<4000xi32, #tpu.memory_space<vmem>> -> memref<3200xi32, #tpu.memory_space<vmem>>
      %dma_start3A_53 = tpu.memref_slice %arg5[%multiple_of3A_27] : memref<100352xi32, #tpu.memory_space<hbm>> -> memref<3200xi32, #tpu.memory_space<hbm>>
      tpu.enqueue_dma source(%dma_start3A_53 : memref<3200xi32, #tpu.memory_space<hbm>>) target(%dma_start3A_52 : memref<3200xi32, #tpu.memory_space<vmem>>) target_semaphore(%run_scoped3A : memref<!tpu.dma_semaphore, #tpu.memory_space<semaphore_mem>>)
      %dma_wait3A_54 = arith.constant 0 : i32
      %dma_wait3A_55 = tpu.memref_slice %arg9[%dma_wait3A_54] : memref<4000xi32, #tpu.memory_space<vmem>> -> memref<3200xi32, #tpu.memory_space<vmem>>
      %dma_wait3A_56 = tpu.memref_slice %arg5[%multiple_of3A_27] : memref<100352xi32, #tpu.memory_space<hbm>> -> memref<3200xi32, #tpu.memory_space<hbm>>
      %dma_wait3A_57 = arith.constant 0 : i32
      %dma_wait3A_58 = tpu.memref_slice %arg9[%dma_wait3A_57] : memref<4000xi32, #tpu.memory_space<vmem>> -> memref<3200xi32, #tpu.memory_space<vmem>>
      %dma_wait3A_59 = tpu.memref_slice %arg5[%multiple_of3A_27] : memref<100352xi32, #tpu.memory_space<hbm>> -> memref<3200xi32, #tpu.memory_space<hbm>>
      tpu.wait_dma2 semaphore(%run_scoped3A : memref<!tpu.dma_semaphore, #tpu.memory_space<semaphore_mem>>) src(%dma_wait3A_59 : memref<3200xi32, #tpu.memory_space<hbm>>) dst(%dma_wait3A_58 : memref<3200xi32, #tpu.memory_space<vmem>>)
      tpu.yield
    }) : () -> ()
    %parallel_loop3A_28 = arith.constant 0 : i32
    %parallel_loop3A_29 = arith.constant 196 : i32
    %parallel_loop3A_30 = arith.constant 1 : i32
    scf.for %parallel_loop3A_48 = %parallel_loop3A_28 to %parallel_loop3A_29 step %parallel_loop3A_30  : i32 {
      %parallel_loop3A_49 = arith.constant 16 : i32
      %parallel_loop3A_50 = arith.muli %parallel_loop3A_48, %parallel_loop3A_49 : i32
      %parallel_loop3A_51 = arith.index_cast %parallel_loop3A_50 : i32 to index
      %parallel_loop3A_52 = tpu.vector_load %arg8[%parallel_loop3A_51] {strides = array<i32>} : memref<4000xi32, #tpu.memory_space<vmem>>, vector<16xi32>,
      %parallel_loop3A_53 = vector.broadcast %multiple_of3A_27 : i32 to vector<16xi32>
      %parallel_loop3A_54 = arith.subi %parallel_loop3A_52, %parallel_loop3A_53 : vector<16xi32>
      %parallel_loop3A_55 = tpu.vector_load_idx %arg9[%parallel_loop3A_54] : memref<4000xi32, #tpu.memory_space<vmem>>[vector<16xi32>], vector<16xi32>,
      %parallel_loop3A_56 = vector.bitcast %parallel_loop3A_55 : vector<16xi32> to vector<16xf32>
      %parallel_loop3A_57 = arith.index_cast %parallel_loop3A_50 : i32 to index
      %parallel_loop3A_58 = tpu.vector_load %arg12[%parallel_loop3A_57] {strides = array<i32>} : memref<4000xf32, #tpu.memory_space<vmem>>, vector<16xf32>,
      tpu.vector_store %arg12[%parallel_loop3A_57], %parallel_loop3A_56 {strides = array<i32>} : memref<4000xf32, #tpu.memory_space<vmem>>, vector<16xf32>,
    } {sc.loop_unroll_factor = 4 : i64, sc.parallel_access}
    "tpu.region"() ({
      %run_scoped3A = tpu.sem_alloc : memref<!tpu.dma_semaphore, #tpu.memory_space<semaphore_mem>>
      %dma_start3A_48 = arith.constant 0 : i32
      %dma_start3A_49 = tpu.memref_slice %arg12[%dma_start3A_48] : memref<4000xf32, #tpu.memory_space<vmem>> -> memref<3136xf32, #tpu.memory_space<vmem>>
      %dma_start3A_50 = tpu.memref_slice %arg14[%add3A_18] : memref<100352xf32, #tpu.memory_space<vmem_shared>> -> memref<3136xf32, #tpu.memory_space<vmem_shared>>
      %dma_start3A_51 = tpu.memref_slice %arg14[%add3A_18] : memref<100352xf32, #tpu.memory_space<vmem_shared>> -> memref<3136xf32, #tpu.memory_space<vmem_shared>>
      %dma_start3A_52 = arith.constant 0 : i32
      %dma_start3A_53 = tpu.memref_slice %arg12[%dma_start3A_52] : memref<4000xf32, #tpu.memory_space<vmem>> -> memref<3136xf32, #tpu.memory_space<vmem>>
      tpu.enqueue_dma source(%dma_start3A_53 : memref<3136xf32, #tpu.memory_space<vmem>>) target(%dma_start3A_51 : memref<3136xf32, #tpu.memory_space<vmem_shared>>) target_semaphore(%run_scoped3A : memref<!tpu.dma_semaphore, #tpu.memory_space<semaphore_mem>>)
      %dma_wait3A_54 = arith.constant 0 : i32
      %dma_wait3A_55 = tpu.memref_slice %arg12[%dma_wait3A_54] : memref<4000xf32, #tpu.memory_space<vmem>> -> memref<3136xf32, #tpu.memory_space<vmem>>
      %dma_wait3A_56 = tpu.memref_slice %arg14[%add3A_18] : memref<100352xf32, #tpu.memory_space<vmem_shared>> -> memref<3136xf32, #tpu.memory_space<vmem_shared>>
      %dma_wait3A_57 = tpu.memref_slice %arg14[%add3A_18] : memref<100352xf32, #tpu.memory_space<vmem_shared>> -> memref<3136xf32, #tpu.memory_space<vmem_shared>>
      %dma_wait3A_58 = arith.constant 0 : i32
      %dma_wait3A_59 = tpu.memref_slice %arg12[%dma_wait3A_58] : memref<4000xf32, #tpu.memory_space<vmem>> -> memref<3136xf32, #tpu.memory_space<vmem>>
      tpu.wait_dma2 semaphore(%run_scoped3A : memref<!tpu.dma_semaphore, #tpu.memory_space<semaphore_mem>>) src(%dma_wait3A_59 : memref<3136xf32, #tpu.memory_space<vmem>>) dst(%dma_wait3A_57 : memref<3136xf32, #tpu.memory_space<vmem_shared>>)
      tpu.yield
    }) : () -> ()
    "tpu.trace_stop"() : () -> ()
    %barrier3A = arith.constant 0 : index
    tpu.barrier barrier_id(%barrier3A)
    %dma_start3A_31 = tpu.memref_slice %arg3[%mul3A_2] : memref<6400000xi32, #tpu.memory_space<hbm>> -> memref<4000xi32, #tpu.memory_space<hbm>>
    %dma_start3A_32 = tpu.memref_slice %arg3[%mul3A_2] : memref<6400000xi32, #tpu.memory_space<hbm>> -> memref<4000xi32, #tpu.memory_space<hbm>>
    tpu.enqueue_dma source(%dma_start3A_32 : memref<4000xi32, #tpu.memory_space<hbm>>) target(%arg8 : memref<4000xi32, #tpu.memory_space<vmem>>) target_semaphore(%arg15 : memref<!tpu.dma_semaphore, #tpu.memory_space<semaphore_mem>>)
    %add3A_33 = arith.constant 4000 : i32
    %add3A_34 = arith.addi %mul3A_2, %add3A_33 : i32
    %dma_start3A_35 = tpu.memref_slice %arg3[%add3A_34] : memref<6400000xi32, #tpu.memory_space<hbm>> -> memref<4000xi32, #tpu.memory_space<hbm>>
    %dma_start3A_36 = tpu.memref_slice %arg3[%add3A_34] : memref<6400000xi32, #tpu.memory_space<hbm>> -> memref<4000xi32, #tpu.memory_space<hbm>>
    tpu.enqueue_dma source(%dma_start3A_36 : memref<4000xi32, #tpu.memory_space<hbm>>) target(%arg9 : memref<4000xi32, #tpu.memory_space<vmem>>) target_semaphore(%arg16 : memref<!tpu.dma_semaphore, #tpu.memory_space<semaphore_mem>>)
    "tpu.trace_start"() <{level = 10 : i32, message = "broadcast"}> : () -> ()
    "tpu.region"() ({
      %run_scoped3A = tpu.sem_alloc : memref<!tpu.dma_semaphore, #tpu.memory_space<semaphore_mem>>
      %dma_start3A_48 = arith.constant 0 : i32
      %dma_start3A_49 = tpu.memref_slice %arg14[%dma_start3A_48] : memref<100352xf32, #tpu.memory_space<vmem_shared>> -> memref<100000xf32, #tpu.memory_space<vmem_shared>>
      %dma_start3A_50 = arith.constant 0 : i32
      %dma_start3A_51 = tpu.memref_slice %arg14[%dma_start3A_50] : memref<100352xf32, #tpu.memory_space<vmem_shared>> -> memref<100000xf32, #tpu.memory_space<vmem_shared>>
      tpu.enqueue_dma source(%dma_start3A_51 : memref<100000xf32, #tpu.memory_space<vmem_shared>>) target(%arg7 : memref<100000xf32, #tpu.memory_space<vmem>>) target_semaphore(%run_scoped3A : memref<!tpu.dma_semaphore, #tpu.memory_space<semaphore_mem>>)
      %dma_wait3A_52 = arith.constant 0 : i32
      %dma_wait3A_53 = tpu.memref_slice %arg14[%dma_wait3A_52] : memref<100352xf32, #tpu.memory_space<vmem_shared>> -> memref<100000xf32, #tpu.memory_space<vmem_shared>>
      %dma_wait3A_54 = arith.constant 0 : i32
      %dma_wait3A_55 = tpu.memref_slice %arg14[%dma_wait3A_54] : memref<100352xf32, #tpu.memory_space<vmem_shared>> -> memref<100000xf32, #tpu.memory_space<vmem_shared>>
      tpu.wait_dma2 semaphore(%run_scoped3A : memref<!tpu.dma_semaphore, #tpu.memory_space<semaphore_mem>>) src(%dma_wait3A_55 : memref<100000xf32, #tpu.memory_space<vmem_shared>>) dst(%arg7 : memref<100000xf32, #tpu.memory_space<vmem>>)
      tpu.yield
    }) : () -> ()
    "tpu.trace_stop"() : () -> ()
    %scan3A = arith.constant 0 : i32
    %scan3A_37 = arith.constant 25 : i32
    %scan3A_38 = arith.addi %scan3A, %scan3A_37 : i32
    %scan3A_39 = arith.constant 1 : i32
    scf.for %scan3A_48 = %scan3A to %scan3A_38 step %scan3A_39  : i32 {
      %mul3A_49 = arith.constant 2 : i32
      %mul3A_50 = arith.muli %scan3A_48, %mul3A_49 : i32
      %add3A_51 = arith.constant 0 : i32
      %add3A_52 = arith.addi %add3A_51, %mul3A_50 : i32
      %add3A_53 = arith.constant 0 : i32
      %add3A_54 = arith.addi %add3A_52, %add3A_53 : i32
      %mul3A_55 = arith.constant 4000 : i32
      %mul3A_56 = arith.muli %add3A_54, %mul3A_55 : i32
      %add3A_57 = arith.addi %mul3A_2, %mul3A_56 : i32
      %dma_wait3A_58 = tpu.memref_slice %arg3[%add3A_57] : memref<6400000xi32, #tpu.memory_space<hbm>> -> memref<4000xi32, #tpu.memory_space<hbm>>
      %dma_wait3A_59 = tpu.memref_slice %arg3[%add3A_57] : memref<6400000xi32, #tpu.memory_space<hbm>> -> memref<4000xi32, #tpu.memory_space<hbm>>
      tpu.wait_dma2 semaphore(%arg15 : memref<!tpu.dma_semaphore, #tpu.memory_space<semaphore_mem>>) src(%dma_wait3A_59 : memref<4000xi32, #tpu.memory_space<hbm>>) dst(%arg8 : memref<4000xi32, #tpu.memory_space<vmem>>)
      %mul3A_60 = arith.constant 4000 : i32
      %mul3A_61 = arith.muli %add3A_54, %mul3A_60 : i32
      %add3A_62 = arith.addi %mul3A_2, %mul3A_61 : i32
      %dma_wait3A_63 = tpu.memref_slice %arg4[%add3A_62] : memref<6400000xf32, #tpu.memory_space<hbm>> -> memref<4000xf32, #tpu.memory_space<hbm>>
      %dma_wait3A_64 = tpu.memref_slice %arg4[%add3A_62] : memref<6400000xf32, #tpu.memory_space<hbm>> -> memref<4000xf32, #tpu.memory_space<hbm>>
      tpu.wait_dma2 semaphore(%arg17 : memref<!tpu.dma_semaphore, #tpu.memory_space<semaphore_mem>>) src(%dma_wait3A_64 : memref<4000xf32, #tpu.memory_space<hbm>>) dst(%arg10 : memref<4000xf32, #tpu.memory_space<vmem>>)
      %ge3A = arith.constant 2 : i32
      %ge3A_65 = arith.cmpi sge, %add3A_54, %ge3A : i32
      %convert_element_type3A = arith.extui %ge3A_65 : i1 to i32
      %cond3A = arith.constant 0 : i32
      %cond3A_66 = arith.cmpi ne, %convert_element_type3A, %cond3A : i32
      scf.if %cond3A_66 {
        %sub3A = arith.constant 2 : i32
        %sub3A_113 = arith.subi %add3A_54, %sub3A : i32
        %mul3A_114 = arith.constant 4000 : i32
        %mul3A_115 = arith.muli %sub3A_113, %mul3A_114 : i32
        %add3A_116 = arith.addi %mul3A_2, %mul3A_115 : i32
        %dma_wait3A_117 = tpu.memref_slice %arg6[%add3A_116] : memref<6400000xf32, #tpu.memory_space<hbm>> -> memref<4000xf32, #tpu.memory_space<hbm>>
        %dma_wait3A_118 = tpu.memref_slice %arg6[%add3A_116] : memref<6400000xf32, #tpu.memory_space<hbm>> -> memref<4000xf32, #tpu.memory_space<hbm>>
        tpu.wait_dma2 semaphore(%arg19 : memref<!tpu.dma_semaphore, #tpu.memory_space<semaphore_mem>>) src(%arg12 : memref<4000xf32, #tpu.memory_space<vmem>>) dst(%dma_wait3A_118 : memref<4000xf32, #tpu.memory_space<hbm>>)
      } else {
      }
      %parallel_loop3A_67 = arith.constant 0 : i32
      %parallel_loop3A_68 = arith.constant 250 : i32
      %parallel_loop3A_69 = arith.constant 1 : i32
      scf.for %parallel_loop3A_113 = %parallel_loop3A_67 to %parallel_loop3A_68 step %parallel_loop3A_69  : i32 {
        %parallel_loop3A_114 = arith.constant 16 : i32
        %parallel_loop3A_115 = arith.muli %parallel_loop3A_113, %parallel_loop3A_114 : i32
        %parallel_loop3A_116 = arith.index_cast %parallel_loop3A_115 : i32 to index
        %parallel_loop3A_117 = tpu.vector_load %arg8[%parallel_loop3A_116] {strides = array<i32>} : memref<4000xi32, #tpu.memory_space<vmem>>, vector<16xi32>,
        %parallel_loop3A_118 = tpu.vector_load_idx %arg7[%parallel_loop3A_117] : memref<100000xf32, #tpu.memory_space<vmem>>[vector<16xi32>], vector<16xf32>,
        %parallel_loop3A_119 = arith.index_cast %parallel_loop3A_115 : i32 to index
        %parallel_loop3A_120 = tpu.vector_load %arg10[%parallel_loop3A_119] {strides = array<i32>} : memref<4000xf32, #tpu.memory_space<vmem>>, vector<16xf32>,
        %parallel_loop3A_121 = arith.subf %parallel_loop3A_118, %parallel_loop3A_120 : vector<16xf32>
        %parallel_loop3A_122 = arith.index_cast %parallel_loop3A_115 : i32 to index
        %parallel_loop3A_123 = tpu.vector_load %arg12[%parallel_loop3A_122] {strides = array<i32>} : memref<4000xf32, #tpu.memory_space<vmem>>, vector<16xf32>,
        tpu.vector_store %arg12[%parallel_loop3A_122], %parallel_loop3A_121 {strides = array<i32>} : memref<4000xf32, #tpu.memory_space<vmem>>, vector<16xf32>,
      } {sc.loop_unroll_factor = 10 : i64, sc.parallel_access}
      %mul3A_70 = arith.constant 4000 : i32
      %mul3A_71 = arith.muli %add3A_54, %mul3A_70 : i32
      %add3A_72 = arith.addi %mul3A_2, %mul3A_71 : i32
      %dma_start3A_73 = tpu.memref_slice %arg6[%add3A_72] : memref<6400000xf32, #tpu.memory_space<hbm>> -> memref<4000xf32, #tpu.memory_space<hbm>>
      %dma_start3A_74 = tpu.memref_slice %arg6[%add3A_72] : memref<6400000xf32, #tpu.memory_space<hbm>> -> memref<4000xf32, #tpu.memory_space<hbm>>
      tpu.enqueue_dma source(%arg12 : memref<4000xf32, #tpu.memory_space<vmem>>) target(%dma_start3A_74 : memref<4000xf32, #tpu.memory_space<hbm>>) target_semaphore(%arg19 : memref<!tpu.dma_semaphore, #tpu.memory_space<semaphore_mem>>)
      %add3A_75 = arith.constant 2 : i32
      %add3A_76 = arith.addi %add3A_54, %add3A_75 : i32
      %lt3A = arith.constant 50 : i32
      %lt3A_77 = arith.cmpi slt, %add3A_76, %lt3A : i32
      %convert_element_type3A_78 = arith.extui %lt3A_77 : i1 to i32
      %cond3A_79 = arith.constant 0 : i32
      %cond3A_80 = arith.cmpi ne, %convert_element_type3A_78, %cond3A_79 : i32
      scf.if %cond3A_80 {
        %add3A_113 = arith.constant 2 : i32
        %add3A_114 = arith.addi %add3A_54, %add3A_113 : i32
        %mul3A_115 = arith.constant 4000 : i32
        %mul3A_116 = arith.muli %add3A_114, %mul3A_115 : i32
        %add3A_117 = arith.addi %mul3A_2, %mul3A_116 : i32
        %dma_start3A_118 = tpu.memref_slice %arg3[%add3A_117] : memref<6400000xi32, #tpu.memory_space<hbm>> -> memref<4000xi32, #tpu.memory_space<hbm>>
        %dma_start3A_119 = tpu.memref_slice %arg3[%add3A_117] : memref<6400000xi32, #tpu.memory_space<hbm>> -> memref<4000xi32, #tpu.memory_space<hbm>>
        tpu.enqueue_dma source(%dma_start3A_119 : memref<4000xi32, #tpu.memory_space<hbm>>) target(%arg8 : memref<4000xi32, #tpu.memory_space<vmem>>) target_semaphore(%arg15 : memref<!tpu.dma_semaphore, #tpu.memory_space<semaphore_mem>>)
        %add3A_120 = arith.constant 2 : i32
        %add3A_121 = arith.addi %add3A_54, %add3A_120 : i32
        %mul3A_122 = arith.constant 4000 : i32
        %mul3A_123 = arith.muli %add3A_121, %mul3A_122 : i32
        %add3A_124 = arith.addi %mul3A_2, %mul3A_123 : i32
        %dma_start3A_125 = tpu.memref_slice %arg4[%add3A_124] : memref<6400000xf32, #tpu.memory_space<hbm>> -> memref<4000xf32, #tpu.memory_space<hbm>>
        %dma_start3A_126 = tpu.memref_slice %arg4[%add3A_124] : memref<6400000xf32, #tpu.memory_space<hbm>> -> memref<4000xf32, #tpu.memory_space<hbm>>
        tpu.enqueue_dma source(%dma_start3A_126 : memref<4000xf32, #tpu.memory_space<hbm>>) target(%arg10 : memref<4000xf32, #tpu.memory_space<vmem>>) target_semaphore(%arg17 : memref<!tpu.dma_semaphore, #tpu.memory_space<semaphore_mem>>)
      } else {
      }
      %add3A_81 = arith.constant 1 : i32
      %add3A_82 = arith.addi %add3A_52, %add3A_81 : i32
      %mul3A_83 = arith.constant 4000 : i32
      %mul3A_84 = arith.muli %add3A_82, %mul3A_83 : i32
      %add3A_85 = arith.addi %mul3A_2, %mul3A_84 : i32
      %dma_wait3A_86 = tpu.memref_slice %arg3[%add3A_85] : memref<6400000xi32, #tpu.memory_space<hbm>> -> memref<4000xi32, #tpu.memory_space<hbm>>
      %dma_wait3A_87 = tpu.memref_slice %arg3[%add3A_85] : memref<6400000xi32, #tpu.memory_space<hbm>> -> memref<4000xi32, #tpu.memory_space<hbm>>
      tpu.wait_dma2 semaphore(%arg16 : memref<!tpu.dma_semaphore, #tpu.memory_space<semaphore_mem>>) src(%dma_wait3A_87 : memref<4000xi32, #tpu.memory_space<hbm>>) dst(%arg9 : memref<4000xi32, #tpu.memory_space<vmem>>)
      %mul3A_88 = arith.constant 4000 : i32
      %mul3A_89 = arith.muli %add3A_82, %mul3A_88 : i32
      %add3A_90 = arith.addi %mul3A_2, %mul3A_89 : i32
      %dma_wait3A_91 = tpu.memref_slice %arg4[%add3A_90] : memref<6400000xf32, #tpu.memory_space<hbm>> -> memref<4000xf32, #tpu.memory_space<hbm>>
      %dma_wait3A_92 = tpu.memref_slice %arg4[%add3A_90] : memref<6400000xf32, #tpu.memory_space<hbm>> -> memref<4000xf32, #tpu.memory_space<hbm>>
      tpu.wait_dma2 semaphore(%arg18 : memref<!tpu.dma_semaphore, #tpu.memory_space<semaphore_mem>>) src(%dma_wait3A_92 : memref<4000xf32, #tpu.memory_space<hbm>>) dst(%arg11 : memref<4000xf32, #tpu.memory_space<vmem>>)
      %ge3A_93 = arith.constant 2 : i32
      %ge3A_94 = arith.cmpi sge, %add3A_82, %ge3A_93 : i32
      %convert_element_type3A_95 = arith.extui %ge3A_94 : i1 to i32
      %cond3A_96 = arith.constant 0 : i32
      %cond3A_97 = arith.cmpi ne, %convert_element_type3A_95, %cond3A_96 : i32
      scf.if %cond3A_97 {
        %sub3A = arith.constant 2 : i32
        %sub3A_113 = arith.subi %add3A_82, %sub3A : i32
        %mul3A_114 = arith.constant 4000 : i32
        %mul3A_115 = arith.muli %sub3A_113, %mul3A_114 : i32
        %add3A_116 = arith.addi %mul3A_2, %mul3A_115 : i32
        %dma_wait3A_117 = tpu.memref_slice %arg6[%add3A_116] : memref<6400000xf32, #tpu.memory_space<hbm>> -> memref<4000xf32, #tpu.memory_space<hbm>>
        %dma_wait3A_118 = tpu.memref_slice %arg6[%add3A_116] : memref<6400000xf32, #tpu.memory_space<hbm>> -> memref<4000xf32, #tpu.memory_space<hbm>>
        tpu.wait_dma2 semaphore(%arg20 : memref<!tpu.dma_semaphore, #tpu.memory_space<semaphore_mem>>) src(%arg13 : memref<4000xf32, #tpu.memory_space<vmem>>) dst(%dma_wait3A_118 : memref<4000xf32, #tpu.memory_space<hbm>>)
      } else {
      }
      %parallel_loop3A_98 = arith.constant 0 : i32
      %parallel_loop3A_99 = arith.constant 250 : i32
      %parallel_loop3A_100 = arith.constant 1 : i32
      scf.for %parallel_loop3A_113 = %parallel_loop3A_98 to %parallel_loop3A_99 step %parallel_loop3A_100  : i32 {
        %parallel_loop3A_114 = arith.constant 16 : i32
        %parallel_loop3A_115 = arith.muli %parallel_loop3A_113, %parallel_loop3A_114 : i32
        %parallel_loop3A_116 = arith.index_cast %parallel_loop3A_115 : i32 to index
        %parallel_loop3A_117 = tpu.vector_load %arg9[%parallel_loop3A_116] {strides = array<i32>} : memref<4000xi32, #tpu.memory_space<vmem>>, vector<16xi32>,
        %parallel_loop3A_118 = tpu.vector_load_idx %arg7[%parallel_loop3A_117] : memref<100000xf32, #tpu.memory_space<vmem>>[vector<16xi32>], vector<16xf32>,
        %parallel_loop3A_119 = arith.index_cast %parallel_loop3A_115 : i32 to index
        %parallel_loop3A_120 = tpu.vector_load %arg11[%parallel_loop3A_119] {strides = array<i32>} : memref<4000xf32, #tpu.memory_space<vmem>>, vector<16xf32>,
        %parallel_loop3A_121 = arith.subf %parallel_loop3A_118, %parallel_loop3A_120 : vector<16xf32>
        %parallel_loop3A_122 = arith.index_cast %parallel_loop3A_115 : i32 to index
        %parallel_loop3A_123 = tpu.vector_load %arg13[%parallel_loop3A_122] {strides = array<i32>} : memref<4000xf32, #tpu.memory_space<vmem>>, vector<16xf32>,
        tpu.vector_store %arg13[%parallel_loop3A_122], %parallel_loop3A_121 {strides = array<i32>} : memref<4000xf32, #tpu.memory_space<vmem>>, vector<16xf32>,
      } {sc.loop_unroll_factor = 10 : i64, sc.parallel_access}
      %mul3A_101 = arith.constant 4000 : i32
      %mul3A_102 = arith.muli %add3A_82, %mul3A_101 : i32
      %add3A_103 = arith.addi %mul3A_2, %mul3A_102 : i32
      %dma_start3A_104 = tpu.memref_slice %arg6[%add3A_103] : memref<6400000xf32, #tpu.memory_space<hbm>> -> memref<4000xf32, #tpu.memory_space<hbm>>
      %dma_start3A_105 = tpu.memref_slice %arg6[%add3A_103] : memref<6400000xf32, #tpu.memory_space<hbm>> -> memref<4000xf32, #tpu.memory_space<hbm>>
      tpu.enqueue_dma source(%arg13 : memref<4000xf32, #tpu.memory_space<vmem>>) target(%dma_start3A_105 : memref<4000xf32, #tpu.memory_space<hbm>>) target_semaphore(%arg20 : memref<!tpu.dma_semaphore, #tpu.memory_space<semaphore_mem>>)
      %add3A_106 = arith.constant 2 : i32
      %add3A_107 = arith.addi %add3A_82, %add3A_106 : i32
      %lt3A_108 = arith.constant 50 : i32
      %lt3A_109 = arith.cmpi slt, %add3A_107, %lt3A_108 : i32
      %convert_element_type3A_110 = arith.extui %lt3A_109 : i1 to i32
      %cond3A_111 = arith.constant 0 : i32
      %cond3A_112 = arith.cmpi ne, %convert_element_type3A_110, %cond3A_111 : i32
      scf.if %cond3A_112 {
        %add3A_113 = arith.constant 2 : i32
        %add3A_114 = arith.addi %add3A_82, %add3A_113 : i32
        %mul3A_115 = arith.constant 4000 : i32
        %mul3A_116 = arith.muli %add3A_114, %mul3A_115 : i32
        %add3A_117 = arith.addi %mul3A_2, %mul3A_116 : i32
        %dma_start3A_118 = tpu.memref_slice %arg3[%add3A_117] : memref<6400000xi32, #tpu.memory_space<hbm>> -> memref<4000xi32, #tpu.memory_space<hbm>>
        %dma_start3A_119 = tpu.memref_slice %arg3[%add3A_117] : memref<6400000xi32, #tpu.memory_space<hbm>> -> memref<4000xi32, #tpu.memory_space<hbm>>
        tpu.enqueue_dma source(%dma_start3A_119 : memref<4000xi32, #tpu.memory_space<hbm>>) target(%arg9 : memref<4000xi32, #tpu.memory_space<vmem>>) target_semaphore(%arg16 : memref<!tpu.dma_semaphore, #tpu.memory_space<semaphore_mem>>)
        %add3A_120 = arith.constant 2 : i32
        %add3A_121 = arith.addi %add3A_82, %add3A_120 : i32
        %mul3A_122 = arith.constant 4000 : i32
        %mul3A_123 = arith.muli %add3A_121, %mul3A_122 : i32
        %add3A_124 = arith.addi %mul3A_2, %mul3A_123 : i32
        %dma_start3A_125 = tpu.memref_slice %arg4[%add3A_124] : memref<6400000xf32, #tpu.memory_space<hbm>> -> memref<4000xf32, #tpu.memory_space<hbm>>
        %dma_start3A_126 = tpu.memref_slice %arg4[%add3A_124] : memref<6400000xf32, #tpu.memory_space<hbm>> -> memref<4000xf32, #tpu.memory_space<hbm>>
        tpu.enqueue_dma source(%dma_start3A_126 : memref<4000xf32, #tpu.memory_space<hbm>>) target(%arg11 : memref<4000xf32, #tpu.memory_space<vmem>>) target_semaphore(%arg18 : memref<!tpu.dma_semaphore, #tpu.memory_space<semaphore_mem>>)
      } else {
      }
    }
    %scan3A_40 = arith.constant 25 : i32
    %add3A_41 = arith.constant 192000 : i32
    %add3A_42 = arith.addi %mul3A_2, %add3A_41 : i32
    %dma_wait3A = tpu.memref_slice %arg6[%add3A_42] : memref<6400000xf32, #tpu.memory_space<hbm>> -> memref<4000xf32, #tpu.memory_space<hbm>>
    %dma_wait3A_43 = tpu.memref_slice %arg6[%add3A_42] : memref<6400000xf32, #tpu.memory_space<hbm>> -> memref<4000xf32, #tpu.memory_space<hbm>>
    tpu.wait_dma2 semaphore(%arg19 : memref<!tpu.dma_semaphore, #tpu.memory_space<semaphore_mem>>) src(%arg12 : memref<4000xf32, #tpu.memory_space<vmem>>) dst(%dma_wait3A_43 : memref<4000xf32, #tpu.memory_space<hbm>>)
    %add3A_44 = arith.constant 196000 : i32
    %add3A_45 = arith.addi %mul3A_2, %add3A_44 : i32
    %dma_wait3A_46 = tpu.memref_slice %arg6[%add3A_45] : memref<6400000xf32, #tpu.memory_space<hbm>> -> memref<4000xf32, #tpu.memory_space<hbm>>
    %dma_wait3A_47 = tpu.memref_slice %arg6[%add3A_45] : memref<6400000xf32, #tpu.memory_space<hbm>> -> memref<4000xf32, #tpu.memory_space<hbm>>
    tpu.wait_dma2 semaphore(%arg20 : memref<!tpu.dma_semaphore, #tpu.memory_space<semaphore_mem>>) src(%arg13 : memref<4000xf32, #tpu.memory_space<vmem>>) dst(%dma_wait3A_47 : memref<4000xf32, #tpu.memory_space<hbm>>)
    return
  }
}

#map = affine_map<(d0, d1) -> (0)>
#map1 = affine_map<(d0, d1) -> (0, 0, 0)>
module attributes {stable_mosaic.version = 14 : i64} {
  func.func @_presence(%arg0: i32, %arg1: i32, %arg2: memref<6400000xi32, #tpu.memory_space<hbm>>, %arg3: memref<100000xi32, #tpu.memory_space<hbm>>, %arg4: memref<32x784x128xi32, #tpu.memory_space<hbm>>, %arg5: memref<100352xi32, #tpu.memory_space<hbm>>, %arg6: memref<784x128xi32, #tpu.memory_space<vmem>>, %arg7: memref<10000xi32, #tpu.memory_space<vmem>>, %arg8: memref<10000xi32, #tpu.memory_space<vmem>>, %arg9: memref<3136xi32, #tpu.memory_space<vmem>>, %arg10: memref<3136xi32, #tpu.memory_space<vmem>>, %arg11: memref<!tpu.dma_semaphore, #tpu.memory_space<semaphore_mem>>, %arg12: memref<!tpu.dma_semaphore, #tpu.memory_space<semaphore_mem>>, %arg13: memref<!tpu.dma_semaphore, #tpu.memory_space<semaphore_mem>>) attributes {dimension_semantics = [#tpu.dimension_semantics<core_parallel>, #tpu.dimension_semantics<subcore_parallel>], iteration_bounds = array<i64: 2, 16>, scalar_prefetch = 0 : i64, scratch_operands = 8 : i64, tpu.core_type = #tpu.core_type<sc_vector_subcore>, window_params = [{transform_indices = #map}, {transform_indices = #map}, {transform_indices = #map1}, {transform_indices = #map}]} {
    %mul3A = arith.constant 2 : i32
    %mul3A_0 = arith.muli %arg1, %mul3A : i32
    %add3A = arith.addi %mul3A_0, %arg0 : i32
    %mul3A_1 = arith.constant 200000 : i32
    %mul3A_2 = arith.muli %add3A, %mul3A_1 : i32
    %dma_start3A = tpu.memref_slice %arg2[%mul3A_2] : memref<6400000xi32, #tpu.memory_space<hbm>> -> memref<10000xi32, #tpu.memory_space<hbm>>
    %dma_start3A_3 = tpu.memref_slice %arg2[%mul3A_2] : memref<6400000xi32, #tpu.memory_space<hbm>> -> memref<10000xi32, #tpu.memory_space<hbm>>
    tpu.enqueue_dma source(%dma_start3A_3 : memref<10000xi32, #tpu.memory_space<hbm>>) target(%arg7 : memref<10000xi32, #tpu.memory_space<vmem>>) target_semaphore(%arg11 : memref<!tpu.dma_semaphore, #tpu.memory_space<semaphore_mem>>)
    %add3A_4 = arith.constant 10000 : i32
    %add3A_5 = arith.addi %mul3A_2, %add3A_4 : i32
    %dma_start3A_6 = tpu.memref_slice %arg2[%add3A_5] : memref<6400000xi32, #tpu.memory_space<hbm>> -> memref<10000xi32, #tpu.memory_space<hbm>>
    %dma_start3A_7 = tpu.memref_slice %arg2[%add3A_5] : memref<6400000xi32, #tpu.memory_space<hbm>> -> memref<10000xi32, #tpu.memory_space<hbm>>
    tpu.enqueue_dma source(%dma_start3A_7 : memref<10000xi32, #tpu.memory_space<hbm>>) target(%arg8 : memref<10000xi32, #tpu.memory_space<vmem>>) target_semaphore(%arg12 : memref<!tpu.dma_semaphore, #tpu.memory_space<semaphore_mem>>)
    %mul3A_8 = arith.constant 3136 : i32
    %mul3A_9 = arith.muli %add3A, %mul3A_8 : i32
    %dma_start3A_10 = tpu.memref_slice %arg2[%mul3A_9] : memref<6400000xi32, #tpu.memory_space<hbm>> -> memref<3136xi32, #tpu.memory_space<hbm>>
    %dma_start3A_11 = tpu.memref_slice %arg2[%mul3A_9] : memref<6400000xi32, #tpu.memory_space<hbm>> -> memref<3136xi32, #tpu.memory_space<hbm>>
    tpu.enqueue_dma source(%dma_start3A_11 : memref<3136xi32, #tpu.memory_space<hbm>>) target(%arg9 : memref<3136xi32, #tpu.memory_space<vmem>>) target_semaphore(%arg13 : memref<!tpu.dma_semaphore, #tpu.memory_space<semaphore_mem>>)
    %parallel_loop3A = arith.constant 0 : i32
    %parallel_loop3A_12 = arith.constant 784 : i32
    %parallel_loop3A_13 = arith.constant 1 : i32
    scf.for %parallel_loop3A_375 = %parallel_loop3A to %parallel_loop3A_12 step %parallel_loop3A_13  : i32 {
      %parallel_loop3A_376 = arith.constant 0 : i32
      %parallel_loop3A_377 = vector.broadcast %parallel_loop3A_376 : i32 to vector<16xi32>
      %parallel_loop3A_378 = arith.index_cast %parallel_loop3A_375 : i32 to index
      %parallel_loop3A_379 = arith.constant 0 : index
      %parallel_loop3A_380 = tpu.vector_load %arg6[%parallel_loop3A_378, %parallel_loop3A_379] {strides = array<i32>} : memref<784x128xi32, #tpu.memory_space<vmem>>, vector<16xi32>,
      tpu.vector_store %arg6[%parallel_loop3A_378, %parallel_loop3A_379], %parallel_loop3A_377 {strides = array<i32>} : memref<784x128xi32, #tpu.memory_space<vmem>>, vector<16xi32>,
      %parallel_loop3A_381 = arith.constant 0 : i32
      %parallel_loop3A_382 = vector.broadcast %parallel_loop3A_381 : i32 to vector<16xi32>
      %parallel_loop3A_383 = arith.index_cast %parallel_loop3A_375 : i32 to index
      %parallel_loop3A_384 = arith.constant 16 : index
      %parallel_loop3A_385 = tpu.vector_load %arg6[%parallel_loop3A_383, %parallel_loop3A_384] {strides = array<i32>} : memref<784x128xi32, #tpu.memory_space<vmem>>, vector<16xi32>,
      tpu.vector_store %arg6[%parallel_loop3A_383, %parallel_loop3A_384], %parallel_loop3A_382 {strides = array<i32>} : memref<784x128xi32, #tpu.memory_space<vmem>>, vector<16xi32>,
      %parallel_loop3A_386 = arith.constant 0 : i32
      %parallel_loop3A_387 = vector.broadcast %parallel_loop3A_386 : i32 to vector<16xi32>
      %parallel_loop3A_388 = arith.index_cast %parallel_loop3A_375 : i32 to index
      %parallel_loop3A_389 = arith.constant 32 : index
      %parallel_loop3A_390 = tpu.vector_load %arg6[%parallel_loop3A_388, %parallel_loop3A_389] {strides = array<i32>} : memref<784x128xi32, #tpu.memory_space<vmem>>, vector<16xi32>,
      tpu.vector_store %arg6[%parallel_loop3A_388, %parallel_loop3A_389], %parallel_loop3A_387 {strides = array<i32>} : memref<784x128xi32, #tpu.memory_space<vmem>>, vector<16xi32>,
      %parallel_loop3A_391 = arith.constant 0 : i32
      %parallel_loop3A_392 = vector.broadcast %parallel_loop3A_391 : i32 to vector<16xi32>
      %parallel_loop3A_393 = arith.index_cast %parallel_loop3A_375 : i32 to index
      %parallel_loop3A_394 = arith.constant 48 : index
      %parallel_loop3A_395 = tpu.vector_load %arg6[%parallel_loop3A_393, %parallel_loop3A_394] {strides = array<i32>} : memref<784x128xi32, #tpu.memory_space<vmem>>, vector<16xi32>,
      tpu.vector_store %arg6[%parallel_loop3A_393, %parallel_loop3A_394], %parallel_loop3A_392 {strides = array<i32>} : memref<784x128xi32, #tpu.memory_space<vmem>>, vector<16xi32>,
      %parallel_loop3A_396 = arith.constant 0 : i32
      %parallel_loop3A_397 = vector.broadcast %parallel_loop3A_396 : i32 to vector<16xi32>
      %parallel_loop3A_398 = arith.index_cast %parallel_loop3A_375 : i32 to index
      %parallel_loop3A_399 = arith.constant 64 : index
      %parallel_loop3A_400 = tpu.vector_load %arg6[%parallel_loop3A_398, %parallel_loop3A_399] {strides = array<i32>} : memref<784x128xi32, #tpu.memory_space<vmem>>, vector<16xi32>,
      tpu.vector_store %arg6[%parallel_loop3A_398, %parallel_loop3A_399], %parallel_loop3A_397 {strides = array<i32>} : memref<784x128xi32, #tpu.memory_space<vmem>>, vector<16xi32>,
      %parallel_loop3A_401 = arith.constant 0 : i32
      %parallel_loop3A_402 = vector.broadcast %parallel_loop3A_401 : i32 to vector<16xi32>
      %parallel_loop3A_403 = arith.index_cast %parallel_loop3A_375 : i32 to index
      %parallel_loop3A_404 = arith.constant 80 : index
      %parallel_loop3A_405 = tpu.vector_load %arg6[%parallel_loop3A_403, %parallel_loop3A_404] {strides = array<i32>} : memref<784x128xi32, #tpu.memory_space<vmem>>, vector<16xi32>,
      tpu.vector_store %arg6[%parallel_loop3A_403, %parallel_loop3A_404], %parallel_loop3A_402 {strides = array<i32>} : memref<784x128xi32, #tpu.memory_space<vmem>>, vector<16xi32>,
      %parallel_loop3A_406 = arith.constant 0 : i32
      %parallel_loop3A_407 = vector.broadcast %parallel_loop3A_406 : i32 to vector<16xi32>
      %parallel_loop3A_408 = arith.index_cast %parallel_loop3A_375 : i32 to index
      %parallel_loop3A_409 = arith.constant 96 : index
      %parallel_loop3A_410 = tpu.vector_load %arg6[%parallel_loop3A_408, %parallel_loop3A_409] {strides = array<i32>} : memref<784x128xi32, #tpu.memory_space<vmem>>, vector<16xi32>,
      tpu.vector_store %arg6[%parallel_loop3A_408, %parallel_loop3A_409], %parallel_loop3A_407 {strides = array<i32>} : memref<784x128xi32, #tpu.memory_space<vmem>>, vector<16xi32>,
      %parallel_loop3A_411 = arith.constant 0 : i32
      %parallel_loop3A_412 = vector.broadcast %parallel_loop3A_411 : i32 to vector<16xi32>
      %parallel_loop3A_413 = arith.index_cast %parallel_loop3A_375 : i32 to index
      %parallel_loop3A_414 = arith.constant 112 : index
      %parallel_loop3A_415 = tpu.vector_load %arg6[%parallel_loop3A_413, %parallel_loop3A_414] {strides = array<i32>} : memref<784x128xi32, #tpu.memory_space<vmem>>, vector<16xi32>,
      tpu.vector_store %arg6[%parallel_loop3A_413, %parallel_loop3A_414], %parallel_loop3A_412 {strides = array<i32>} : memref<784x128xi32, #tpu.memory_space<vmem>>, vector<16xi32>,
    } {sc.loop_unroll_factor = 8 : i64, sc.parallel_access}
    %dma_wait3A = tpu.memref_slice %arg2[%mul3A_9] : memref<6400000xi32, #tpu.memory_space<hbm>> -> memref<3136xi32, #tpu.memory_space<hbm>>
    %dma_wait3A_14 = tpu.memref_slice %arg2[%mul3A_9] : memref<6400000xi32, #tpu.memory_space<hbm>> -> memref<3136xi32, #tpu.memory_space<hbm>>
    tpu.wait_dma2 semaphore(%arg13 : memref<!tpu.dma_semaphore, #tpu.memory_space<semaphore_mem>>) src(%dma_wait3A_14 : memref<3136xi32, #tpu.memory_space<hbm>>) dst(%arg9 : memref<3136xi32, #tpu.memory_space<vmem>>)
    %dma_start3A_15 = arith.constant 0 : i32
    %dma_start3A_16 = tpu.memref_slice %arg10[%dma_start3A_15] : memref<3136xi32, #tpu.memory_space<vmem>> -> memref<112xi32, #tpu.memory_space<vmem>>
    %dma_start3A_17 = arith.constant 0 : i32
    %dma_start3A_18 = tpu.memref_slice %arg9[%dma_start3A_17] : memref<3136xi32, #tpu.memory_space<vmem>> -> memref<112xi32, #tpu.memory_space<vmem>>
    %dma_start3A_19 = arith.constant 0 : i32
    %dma_start3A_20 = tpu.memref_slice %arg3[%dma_start3A_19] : memref<100000xi32, #tpu.memory_space<hbm>> -> memref<100000xi32, #tpu.memory_space<hbm>>
    tpu.enqueue_indirect_dma source(%dma_start3A_20 : memref<100000xi32, #tpu.memory_space<hbm>>) target(%dma_start3A_16 : memref<112xi32, #tpu.memory_space<vmem>>) offsets(%dma_start3A_18 : memref<112xi32, #tpu.memory_space<vmem>>) semaphore(%arg13 : memref<!tpu.dma_semaphore, #tpu.memory_space<semaphore_mem>>)
    %dma_start3A_21 = arith.constant 112 : i32
    %dma_start3A_22 = tpu.memref_slice %arg10[%dma_start3A_21] : memref<3136xi32, #tpu.memory_space<vmem>> -> memref<112xi32, #tpu.memory_space<vmem>>
    %dma_start3A_23 = arith.constant 112 : i32
    %dma_start3A_24 = tpu.memref_slice %arg9[%dma_start3A_23] : memref<3136xi32, #tpu.memory_space<vmem>> -> memref<112xi32, #tpu.memory_space<vmem>>
    %dma_start3A_25 = arith.constant 0 : i32
    %dma_start3A_26 = tpu.memref_slice %arg3[%dma_start3A_25] : memref<100000xi32, #tpu.memory_space<hbm>> -> memref<100000xi32, #tpu.memory_space<hbm>>
    tpu.enqueue_indirect_dma source(%dma_start3A_26 : memref<100000xi32, #tpu.memory_space<hbm>>) target(%dma_start3A_22 : memref<112xi32, #tpu.memory_space<vmem>>) offsets(%dma_start3A_24 : memref<112xi32, #tpu.memory_space<vmem>>) semaphore(%arg13 : memref<!tpu.dma_semaphore, #tpu.memory_space<semaphore_mem>>)
    %dma_start3A_27 = arith.constant 224 : i32
    %dma_start3A_28 = tpu.memref_slice %arg10[%dma_start3A_27] : memref<3136xi32, #tpu.memory_space<vmem>> -> memref<112xi32, #tpu.memory_space<vmem>>
    %dma_start3A_29 = arith.constant 224 : i32
    %dma_start3A_30 = tpu.memref_slice %arg9[%dma_start3A_29] : memref<3136xi32, #tpu.memory_space<vmem>> -> memref<112xi32, #tpu.memory_space<vmem>>
    %dma_start3A_31 = arith.constant 0 : i32
    %dma_start3A_32 = tpu.memref_slice %arg3[%dma_start3A_31] : memref<100000xi32, #tpu.memory_space<hbm>> -> memref<100000xi32, #tpu.memory_space<hbm>>
    tpu.enqueue_indirect_dma source(%dma_start3A_32 : memref<100000xi32, #tpu.memory_space<hbm>>) target(%dma_start3A_28 : memref<112xi32, #tpu.memory_space<vmem>>) offsets(%dma_start3A_30 : memref<112xi32, #tpu.memory_space<vmem>>) semaphore(%arg13 : memref<!tpu.dma_semaphore, #tpu.memory_space<semaphore_mem>>)
    %dma_start3A_33 = arith.constant 336 : i32
    %dma_start3A_34 = tpu.memref_slice %arg10[%dma_start3A_33] : memref<3136xi32, #tpu.memory_space<vmem>> -> memref<112xi32, #tpu.memory_space<vmem>>
    %dma_start3A_35 = arith.constant 336 : i32
    %dma_start3A_36 = tpu.memref_slice %arg9[%dma_start3A_35] : memref<3136xi32, #tpu.memory_space<vmem>> -> memref<112xi32, #tpu.memory_space<vmem>>
    %dma_start3A_37 = arith.constant 0 : i32
    %dma_start3A_38 = tpu.memref_slice %arg3[%dma_start3A_37] : memref<100000xi32, #tpu.memory_space<hbm>> -> memref<100000xi32, #tpu.memory_space<hbm>>
    tpu.enqueue_indirect_dma source(%dma_start3A_38 : memref<100000xi32, #tpu.memory_space<hbm>>) target(%dma_start3A_34 : memref<112xi32, #tpu.memory_space<vmem>>) offsets(%dma_start3A_36 : memref<112xi32, #tpu.memory_space<vmem>>) semaphore(%arg13 : memref<!tpu.dma_semaphore, #tpu.memory_space<semaphore_mem>>)
    %dma_start3A_39 = arith.constant 448 : i32
    %dma_start3A_40 = tpu.memref_slice %arg10[%dma_start3A_39] : memref<3136xi32, #tpu.memory_space<vmem>> -> memref<112xi32, #tpu.memory_space<vmem>>
    %dma_start3A_41 = arith.constant 448 : i32
    %dma_start3A_42 = tpu.memref_slice %arg9[%dma_start3A_41] : memref<3136xi32, #tpu.memory_space<vmem>> -> memref<112xi32, #tpu.memory_space<vmem>>
    %dma_start3A_43 = arith.constant 0 : i32
    %dma_start3A_44 = tpu.memref_slice %arg3[%dma_start3A_43] : memref<100000xi32, #tpu.memory_space<hbm>> -> memref<100000xi32, #tpu.memory_space<hbm>>
    tpu.enqueue_indirect_dma source(%dma_start3A_44 : memref<100000xi32, #tpu.memory_space<hbm>>) target(%dma_start3A_40 : memref<112xi32, #tpu.memory_space<vmem>>) offsets(%dma_start3A_42 : memref<112xi32, #tpu.memory_space<vmem>>) semaphore(%arg13 : memref<!tpu.dma_semaphore, #tpu.memory_space<semaphore_mem>>)
    %dma_start3A_45 = arith.constant 560 : i32
    %dma_start3A_46 = tpu.memref_slice %arg10[%dma_start3A_45] : memref<3136xi32, #tpu.memory_space<vmem>> -> memref<112xi32, #tpu.memory_space<vmem>>
    %dma_start3A_47 = arith.constant 560 : i32
    %dma_start3A_48 = tpu.memref_slice %arg9[%dma_start3A_47] : memref<3136xi32, #tpu.memory_space<vmem>> -> memref<112xi32, #tpu.memory_space<vmem>>
    %dma_start3A_49 = arith.constant 0 : i32
    %dma_start3A_50 = tpu.memref_slice %arg3[%dma_start3A_49] : memref<100000xi32, #tpu.memory_space<hbm>> -> memref<100000xi32, #tpu.memory_space<hbm>>
    tpu.enqueue_indirect_dma source(%dma_start3A_50 : memref<100000xi32, #tpu.memory_space<hbm>>) target(%dma_start3A_46 : memref<112xi32, #tpu.memory_space<vmem>>) offsets(%dma_start3A_48 : memref<112xi32, #tpu.memory_space<vmem>>) semaphore(%arg13 : memref<!tpu.dma_semaphore, #tpu.memory_space<semaphore_mem>>)
    %dma_start3A_51 = arith.constant 672 : i32
    %dma_start3A_52 = tpu.memref_slice %arg10[%dma_start3A_51] : memref<3136xi32, #tpu.memory_space<vmem>> -> memref<112xi32, #tpu.memory_space<vmem>>
    %dma_start3A_53 = arith.constant 672 : i32
    %dma_start3A_54 = tpu.memref_slice %arg9[%dma_start3A_53] : memref<3136xi32, #tpu.memory_space<vmem>> -> memref<112xi32, #tpu.memory_space<vmem>>
    %dma_start3A_55 = arith.constant 0 : i32
    %dma_start3A_56 = tpu.memref_slice %arg3[%dma_start3A_55] : memref<100000xi32, #tpu.memory_space<hbm>> -> memref<100000xi32, #tpu.memory_space<hbm>>
    tpu.enqueue_indirect_dma source(%dma_start3A_56 : memref<100000xi32, #tpu.memory_space<hbm>>) target(%dma_start3A_52 : memref<112xi32, #tpu.memory_space<vmem>>) offsets(%dma_start3A_54 : memref<112xi32, #tpu.memory_space<vmem>>) semaphore(%arg13 : memref<!tpu.dma_semaphore, #tpu.memory_space<semaphore_mem>>)
    %dma_start3A_57 = arith.constant 784 : i32
    %dma_start3A_58 = tpu.memref_slice %arg10[%dma_start3A_57] : memref<3136xi32, #tpu.memory_space<vmem>> -> memref<112xi32, #tpu.memory_space<vmem>>
    %dma_start3A_59 = arith.constant 784 : i32
    %dma_start3A_60 = tpu.memref_slice %arg9[%dma_start3A_59] : memref<3136xi32, #tpu.memory_space<vmem>> -> memref<112xi32, #tpu.memory_space<vmem>>
    %dma_start3A_61 = arith.constant 0 : i32
    %dma_start3A_62 = tpu.memref_slice %arg3[%dma_start3A_61] : memref<100000xi32, #tpu.memory_space<hbm>> -> memref<100000xi32, #tpu.memory_space<hbm>>
    tpu.enqueue_indirect_dma source(%dma_start3A_62 : memref<100000xi32, #tpu.memory_space<hbm>>) target(%dma_start3A_58 : memref<112xi32, #tpu.memory_space<vmem>>) offsets(%dma_start3A_60 : memref<112xi32, #tpu.memory_space<vmem>>) semaphore(%arg13 : memref<!tpu.dma_semaphore, #tpu.memory_space<semaphore_mem>>)
    %dma_start3A_63 = arith.constant 896 : i32
    %dma_start3A_64 = tpu.memref_slice %arg10[%dma_start3A_63] : memref<3136xi32, #tpu.memory_space<vmem>> -> memref<112xi32, #tpu.memory_space<vmem>>
    %dma_start3A_65 = arith.constant 896 : i32
    %dma_start3A_66 = tpu.memref_slice %arg9[%dma_start3A_65] : memref<3136xi32, #tpu.memory_space<vmem>> -> memref<112xi32, #tpu.memory_space<vmem>>
    %dma_start3A_67 = arith.constant 0 : i32
    %dma_start3A_68 = tpu.memref_slice %arg3[%dma_start3A_67] : memref<100000xi32, #tpu.memory_space<hbm>> -> memref<100000xi32, #tpu.memory_space<hbm>>
    tpu.enqueue_indirect_dma source(%dma_start3A_68 : memref<100000xi32, #tpu.memory_space<hbm>>) target(%dma_start3A_64 : memref<112xi32, #tpu.memory_space<vmem>>) offsets(%dma_start3A_66 : memref<112xi32, #tpu.memory_space<vmem>>) semaphore(%arg13 : memref<!tpu.dma_semaphore, #tpu.memory_space<semaphore_mem>>)
    %dma_start3A_69 = arith.constant 1008 : i32
    %dma_start3A_70 = tpu.memref_slice %arg10[%dma_start3A_69] : memref<3136xi32, #tpu.memory_space<vmem>> -> memref<112xi32, #tpu.memory_space<vmem>>
    %dma_start3A_71 = arith.constant 1008 : i32
    %dma_start3A_72 = tpu.memref_slice %arg9[%dma_start3A_71] : memref<3136xi32, #tpu.memory_space<vmem>> -> memref<112xi32, #tpu.memory_space<vmem>>
    %dma_start3A_73 = arith.constant 0 : i32
    %dma_start3A_74 = tpu.memref_slice %arg3[%dma_start3A_73] : memref<100000xi32, #tpu.memory_space<hbm>> -> memref<100000xi32, #tpu.memory_space<hbm>>
    tpu.enqueue_indirect_dma source(%dma_start3A_74 : memref<100000xi32, #tpu.memory_space<hbm>>) target(%dma_start3A_70 : memref<112xi32, #tpu.memory_space<vmem>>) offsets(%dma_start3A_72 : memref<112xi32, #tpu.memory_space<vmem>>) semaphore(%arg13 : memref<!tpu.dma_semaphore, #tpu.memory_space<semaphore_mem>>)
    %dma_start3A_75 = arith.constant 1120 : i32
    %dma_start3A_76 = tpu.memref_slice %arg10[%dma_start3A_75] : memref<3136xi32, #tpu.memory_space<vmem>> -> memref<112xi32, #tpu.memory_space<vmem>>
    %dma_start3A_77 = arith.constant 1120 : i32
    %dma_start3A_78 = tpu.memref_slice %arg9[%dma_start3A_77] : memref<3136xi32, #tpu.memory_space<vmem>> -> memref<112xi32, #tpu.memory_space<vmem>>
    %dma_start3A_79 = arith.constant 0 : i32
    %dma_start3A_80 = tpu.memref_slice %arg3[%dma_start3A_79] : memref<100000xi32, #tpu.memory_space<hbm>> -> memref<100000xi32, #tpu.memory_space<hbm>>
    tpu.enqueue_indirect_dma source(%dma_start3A_80 : memref<100000xi32, #tpu.memory_space<hbm>>) target(%dma_start3A_76 : memref<112xi32, #tpu.memory_space<vmem>>) offsets(%dma_start3A_78 : memref<112xi32, #tpu.memory_space<vmem>>) semaphore(%arg13 : memref<!tpu.dma_semaphore, #tpu.memory_space<semaphore_mem>>)
    %dma_start3A_81 = arith.constant 1232 : i32
    %dma_start3A_82 = tpu.memref_slice %arg10[%dma_start3A_81] : memref<3136xi32, #tpu.memory_space<vmem>> -> memref<112xi32, #tpu.memory_space<vmem>>
    %dma_start3A_83 = arith.constant 1232 : i32
    %dma_start3A_84 = tpu.memref_slice %arg9[%dma_start3A_83] : memref<3136xi32, #tpu.memory_space<vmem>> -> memref<112xi32, #tpu.memory_space<vmem>>
    %dma_start3A_85 = arith.constant 0 : i32
    %dma_start3A_86 = tpu.memref_slice %arg3[%dma_start3A_85] : memref<100000xi32, #tpu.memory_space<hbm>> -> memref<100000xi32, #tpu.memory_space<hbm>>
    tpu.enqueue_indirect_dma source(%dma_start3A_86 : memref<100000xi32, #tpu.memory_space<hbm>>) target(%dma_start3A_82 : memref<112xi32, #tpu.memory_space<vmem>>) offsets(%dma_start3A_84 : memref<112xi32, #tpu.memory_space<vmem>>) semaphore(%arg13 : memref<!tpu.dma_semaphore, #tpu.memory_space<semaphore_mem>>)
    %dma_start3A_87 = arith.constant 1344 : i32
    %dma_start3A_88 = tpu.memref_slice %arg10[%dma_start3A_87] : memref<3136xi32, #tpu.memory_space<vmem>> -> memref<112xi32, #tpu.memory_space<vmem>>
    %dma_start3A_89 = arith.constant 1344 : i32
    %dma_start3A_90 = tpu.memref_slice %arg9[%dma_start3A_89] : memref<3136xi32, #tpu.memory_space<vmem>> -> memref<112xi32, #tpu.memory_space<vmem>>
    %dma_start3A_91 = arith.constant 0 : i32
    %dma_start3A_92 = tpu.memref_slice %arg3[%dma_start3A_91] : memref<100000xi32, #tpu.memory_space<hbm>> -> memref<100000xi32, #tpu.memory_space<hbm>>
    tpu.enqueue_indirect_dma source(%dma_start3A_92 : memref<100000xi32, #tpu.memory_space<hbm>>) target(%dma_start3A_88 : memref<112xi32, #tpu.memory_space<vmem>>) offsets(%dma_start3A_90 : memref<112xi32, #tpu.memory_space<vmem>>) semaphore(%arg13 : memref<!tpu.dma_semaphore, #tpu.memory_space<semaphore_mem>>)
    %dma_start3A_93 = arith.constant 1456 : i32
    %dma_start3A_94 = tpu.memref_slice %arg10[%dma_start3A_93] : memref<3136xi32, #tpu.memory_space<vmem>> -> memref<112xi32, #tpu.memory_space<vmem>>
    %dma_start3A_95 = arith.constant 1456 : i32
    %dma_start3A_96 = tpu.memref_slice %arg9[%dma_start3A_95] : memref<3136xi32, #tpu.memory_space<vmem>> -> memref<112xi32, #tpu.memory_space<vmem>>
    %dma_start3A_97 = arith.constant 0 : i32
    %dma_start3A_98 = tpu.memref_slice %arg3[%dma_start3A_97] : memref<100000xi32, #tpu.memory_space<hbm>> -> memref<100000xi32, #tpu.memory_space<hbm>>
    tpu.enqueue_indirect_dma source(%dma_start3A_98 : memref<100000xi32, #tpu.memory_space<hbm>>) target(%dma_start3A_94 : memref<112xi32, #tpu.memory_space<vmem>>) offsets(%dma_start3A_96 : memref<112xi32, #tpu.memory_space<vmem>>) semaphore(%arg13 : memref<!tpu.dma_semaphore, #tpu.memory_space<semaphore_mem>>)
    %dma_start3A_99 = arith.constant 1568 : i32
    %dma_start3A_100 = tpu.memref_slice %arg10[%dma_start3A_99] : memref<3136xi32, #tpu.memory_space<vmem>> -> memref<112xi32, #tpu.memory_space<vmem>>
    %dma_start3A_101 = arith.constant 1568 : i32
    %dma_start3A_102 = tpu.memref_slice %arg9[%dma_start3A_101] : memref<3136xi32, #tpu.memory_space<vmem>> -> memref<112xi32, #tpu.memory_space<vmem>>
    %dma_start3A_103 = arith.constant 0 : i32
    %dma_start3A_104 = tpu.memref_slice %arg3[%dma_start3A_103] : memref<100000xi32, #tpu.memory_space<hbm>> -> memref<100000xi32, #tpu.memory_space<hbm>>
    tpu.enqueue_indirect_dma source(%dma_start3A_104 : memref<100000xi32, #tpu.memory_space<hbm>>) target(%dma_start3A_100 : memref<112xi32, #tpu.memory_space<vmem>>) offsets(%dma_start3A_102 : memref<112xi32, #tpu.memory_space<vmem>>) semaphore(%arg13 : memref<!tpu.dma_semaphore, #tpu.memory_space<semaphore_mem>>)
    %dma_start3A_105 = arith.constant 1680 : i32
    %dma_start3A_106 = tpu.memref_slice %arg10[%dma_start3A_105] : memref<3136xi32, #tpu.memory_space<vmem>> -> memref<112xi32, #tpu.memory_space<vmem>>
    %dma_start3A_107 = arith.constant 1680 : i32
    %dma_start3A_108 = tpu.memref_slice %arg9[%dma_start3A_107] : memref<3136xi32, #tpu.memory_space<vmem>> -> memref<112xi32, #tpu.memory_space<vmem>>
    %dma_start3A_109 = arith.constant 0 : i32
    %dma_start3A_110 = tpu.memref_slice %arg3[%dma_start3A_109] : memref<100000xi32, #tpu.memory_space<hbm>> -> memref<100000xi32, #tpu.memory_space<hbm>>
    tpu.enqueue_indirect_dma source(%dma_start3A_110 : memref<100000xi32, #tpu.memory_space<hbm>>) target(%dma_start3A_106 : memref<112xi32, #tpu.memory_space<vmem>>) offsets(%dma_start3A_108 : memref<112xi32, #tpu.memory_space<vmem>>) semaphore(%arg13 : memref<!tpu.dma_semaphore, #tpu.memory_space<semaphore_mem>>)
    %dma_start3A_111 = arith.constant 1792 : i32
    %dma_start3A_112 = tpu.memref_slice %arg10[%dma_start3A_111] : memref<3136xi32, #tpu.memory_space<vmem>> -> memref<112xi32, #tpu.memory_space<vmem>>
    %dma_start3A_113 = arith.constant 1792 : i32
    %dma_start3A_114 = tpu.memref_slice %arg9[%dma_start3A_113] : memref<3136xi32, #tpu.memory_space<vmem>> -> memref<112xi32, #tpu.memory_space<vmem>>
    %dma_start3A_115 = arith.constant 0 : i32
    %dma_start3A_116 = tpu.memref_slice %arg3[%dma_start3A_115] : memref<100000xi32, #tpu.memory_space<hbm>> -> memref<100000xi32, #tpu.memory_space<hbm>>
    tpu.enqueue_indirect_dma source(%dma_start3A_116 : memref<100000xi32, #tpu.memory_space<hbm>>) target(%dma_start3A_112 : memref<112xi32, #tpu.memory_space<vmem>>) offsets(%dma_start3A_114 : memref<112xi32, #tpu.memory_space<vmem>>) semaphore(%arg13 : memref<!tpu.dma_semaphore, #tpu.memory_space<semaphore_mem>>)
    %dma_start3A_117 = arith.constant 1904 : i32
    %dma_start3A_118 = tpu.memref_slice %arg10[%dma_start3A_117] : memref<3136xi32, #tpu.memory_space<vmem>> -> memref<112xi32, #tpu.memory_space<vmem>>
    %dma_start3A_119 = arith.constant 1904 : i32
    %dma_start3A_120 = tpu.memref_slice %arg9[%dma_start3A_119] : memref<3136xi32, #tpu.memory_space<vmem>> -> memref<112xi32, #tpu.memory_space<vmem>>
    %dma_start3A_121 = arith.constant 0 : i32
    %dma_start3A_122 = tpu.memref_slice %arg3[%dma_start3A_121] : memref<100000xi32, #tpu.memory_space<hbm>> -> memref<100000xi32, #tpu.memory_space<hbm>>
    tpu.enqueue_indirect_dma source(%dma_start3A_122 : memref<100000xi32, #tpu.memory_space<hbm>>) target(%dma_start3A_118 : memref<112xi32, #tpu.memory_space<vmem>>) offsets(%dma_start3A_120 : memref<112xi32, #tpu.memory_space<vmem>>) semaphore(%arg13 : memref<!tpu.dma_semaphore, #tpu.memory_space<semaphore_mem>>)
    %dma_start3A_123 = arith.constant 2016 : i32
    %dma_start3A_124 = tpu.memref_slice %arg10[%dma_start3A_123] : memref<3136xi32, #tpu.memory_space<vmem>> -> memref<112xi32, #tpu.memory_space<vmem>>
    %dma_start3A_125 = arith.constant 2016 : i32
    %dma_start3A_126 = tpu.memref_slice %arg9[%dma_start3A_125] : memref<3136xi32, #tpu.memory_space<vmem>> -> memref<112xi32, #tpu.memory_space<vmem>>
    %dma_start3A_127 = arith.constant 0 : i32
    %dma_start3A_128 = tpu.memref_slice %arg3[%dma_start3A_127] : memref<100000xi32, #tpu.memory_space<hbm>> -> memref<100000xi32, #tpu.memory_space<hbm>>
    tpu.enqueue_indirect_dma source(%dma_start3A_128 : memref<100000xi32, #tpu.memory_space<hbm>>) target(%dma_start3A_124 : memref<112xi32, #tpu.memory_space<vmem>>) offsets(%dma_start3A_126 : memref<112xi32, #tpu.memory_space<vmem>>) semaphore(%arg13 : memref<!tpu.dma_semaphore, #tpu.memory_space<semaphore_mem>>)
    %dma_start3A_129 = arith.constant 2128 : i32
    %dma_start3A_130 = tpu.memref_slice %arg10[%dma_start3A_129] : memref<3136xi32, #tpu.memory_space<vmem>> -> memref<112xi32, #tpu.memory_space<vmem>>
    %dma_start3A_131 = arith.constant 2128 : i32
    %dma_start3A_132 = tpu.memref_slice %arg9[%dma_start3A_131] : memref<3136xi32, #tpu.memory_space<vmem>> -> memref<112xi32, #tpu.memory_space<vmem>>
    %dma_start3A_133 = arith.constant 0 : i32
    %dma_start3A_134 = tpu.memref_slice %arg3[%dma_start3A_133] : memref<100000xi32, #tpu.memory_space<hbm>> -> memref<100000xi32, #tpu.memory_space<hbm>>
    tpu.enqueue_indirect_dma source(%dma_start3A_134 : memref<100000xi32, #tpu.memory_space<hbm>>) target(%dma_start3A_130 : memref<112xi32, #tpu.memory_space<vmem>>) offsets(%dma_start3A_132 : memref<112xi32, #tpu.memory_space<vmem>>) semaphore(%arg13 : memref<!tpu.dma_semaphore, #tpu.memory_space<semaphore_mem>>)
    %dma_start3A_135 = arith.constant 2240 : i32
    %dma_start3A_136 = tpu.memref_slice %arg10[%dma_start3A_135] : memref<3136xi32, #tpu.memory_space<vmem>> -> memref<112xi32, #tpu.memory_space<vmem>>
    %dma_start3A_137 = arith.constant 2240 : i32
    %dma_start3A_138 = tpu.memref_slice %arg9[%dma_start3A_137] : memref<3136xi32, #tpu.memory_space<vmem>> -> memref<112xi32, #tpu.memory_space<vmem>>
    %dma_start3A_139 = arith.constant 0 : i32
    %dma_start3A_140 = tpu.memref_slice %arg3[%dma_start3A_139] : memref<100000xi32, #tpu.memory_space<hbm>> -> memref<100000xi32, #tpu.memory_space<hbm>>
    tpu.enqueue_indirect_dma source(%dma_start3A_140 : memref<100000xi32, #tpu.memory_space<hbm>>) target(%dma_start3A_136 : memref<112xi32, #tpu.memory_space<vmem>>) offsets(%dma_start3A_138 : memref<112xi32, #tpu.memory_space<vmem>>) semaphore(%arg13 : memref<!tpu.dma_semaphore, #tpu.memory_space<semaphore_mem>>)
    %dma_start3A_141 = arith.constant 2352 : i32
    %dma_start3A_142 = tpu.memref_slice %arg10[%dma_start3A_141] : memref<3136xi32, #tpu.memory_space<vmem>> -> memref<112xi32, #tpu.memory_space<vmem>>
    %dma_start3A_143 = arith.constant 2352 : i32
    %dma_start3A_144 = tpu.memref_slice %arg9[%dma_start3A_143] : memref<3136xi32, #tpu.memory_space<vmem>> -> memref<112xi32, #tpu.memory_space<vmem>>
    %dma_start3A_145 = arith.constant 0 : i32
    %dma_start3A_146 = tpu.memref_slice %arg3[%dma_start3A_145] : memref<100000xi32, #tpu.memory_space<hbm>> -> memref<100000xi32, #tpu.memory_space<hbm>>
    tpu.enqueue_indirect_dma source(%dma_start3A_146 : memref<100000xi32, #tpu.memory_space<hbm>>) target(%dma_start3A_142 : memref<112xi32, #tpu.memory_space<vmem>>) offsets(%dma_start3A_144 : memref<112xi32, #tpu.memory_space<vmem>>) semaphore(%arg13 : memref<!tpu.dma_semaphore, #tpu.memory_space<semaphore_mem>>)
    %dma_start3A_147 = arith.constant 2464 : i32
    %dma_start3A_148 = tpu.memref_slice %arg10[%dma_start3A_147] : memref<3136xi32, #tpu.memory_space<vmem>> -> memref<112xi32, #tpu.memory_space<vmem>>
    %dma_start3A_149 = arith.constant 2464 : i32
    %dma_start3A_150 = tpu.memref_slice %arg9[%dma_start3A_149] : memref<3136xi32, #tpu.memory_space<vmem>> -> memref<112xi32, #tpu.memory_space<vmem>>
    %dma_start3A_151 = arith.constant 0 : i32
    %dma_start3A_152 = tpu.memref_slice %arg3[%dma_start3A_151] : memref<100000xi32, #tpu.memory_space<hbm>> -> memref<100000xi32, #tpu.memory_space<hbm>>
    tpu.enqueue_indirect_dma source(%dma_start3A_152 : memref<100000xi32, #tpu.memory_space<hbm>>) target(%dma_start3A_148 : memref<112xi32, #tpu.memory_space<vmem>>) offsets(%dma_start3A_150 : memref<112xi32, #tpu.memory_space<vmem>>) semaphore(%arg13 : memref<!tpu.dma_semaphore, #tpu.memory_space<semaphore_mem>>)
    %dma_start3A_153 = arith.constant 2576 : i32
    %dma_start3A_154 = tpu.memref_slice %arg10[%dma_start3A_153] : memref<3136xi32, #tpu.memory_space<vmem>> -> memref<112xi32, #tpu.memory_space<vmem>>
    %dma_start3A_155 = arith.constant 2576 : i32
    %dma_start3A_156 = tpu.memref_slice %arg9[%dma_start3A_155] : memref<3136xi32, #tpu.memory_space<vmem>> -> memref<112xi32, #tpu.memory_space<vmem>>
    %dma_start3A_157 = arith.constant 0 : i32
    %dma_start3A_158 = tpu.memref_slice %arg3[%dma_start3A_157] : memref<100000xi32, #tpu.memory_space<hbm>> -> memref<100000xi32, #tpu.memory_space<hbm>>
    tpu.enqueue_indirect_dma source(%dma_start3A_158 : memref<100000xi32, #tpu.memory_space<hbm>>) target(%dma_start3A_154 : memref<112xi32, #tpu.memory_space<vmem>>) offsets(%dma_start3A_156 : memref<112xi32, #tpu.memory_space<vmem>>) semaphore(%arg13 : memref<!tpu.dma_semaphore, #tpu.memory_space<semaphore_mem>>)
    %dma_start3A_159 = arith.constant 2688 : i32
    %dma_start3A_160 = tpu.memref_slice %arg10[%dma_start3A_159] : memref<3136xi32, #tpu.memory_space<vmem>> -> memref<112xi32, #tpu.memory_space<vmem>>
    %dma_start3A_161 = arith.constant 2688 : i32
    %dma_start3A_162 = tpu.memref_slice %arg9[%dma_start3A_161] : memref<3136xi32, #tpu.memory_space<vmem>> -> memref<112xi32, #tpu.memory_space<vmem>>
    %dma_start3A_163 = arith.constant 0 : i32
    %dma_start3A_164 = tpu.memref_slice %arg3[%dma_start3A_163] : memref<100000xi32, #tpu.memory_space<hbm>> -> memref<100000xi32, #tpu.memory_space<hbm>>
    tpu.enqueue_indirect_dma source(%dma_start3A_164 : memref<100000xi32, #tpu.memory_space<hbm>>) target(%dma_start3A_160 : memref<112xi32, #tpu.memory_space<vmem>>) offsets(%dma_start3A_162 : memref<112xi32, #tpu.memory_space<vmem>>) semaphore(%arg13 : memref<!tpu.dma_semaphore, #tpu.memory_space<semaphore_mem>>)
    %dma_start3A_165 = arith.constant 2800 : i32
    %dma_start3A_166 = tpu.memref_slice %arg10[%dma_start3A_165] : memref<3136xi32, #tpu.memory_space<vmem>> -> memref<112xi32, #tpu.memory_space<vmem>>
    %dma_start3A_167 = arith.constant 2800 : i32
    %dma_start3A_168 = tpu.memref_slice %arg9[%dma_start3A_167] : memref<3136xi32, #tpu.memory_space<vmem>> -> memref<112xi32, #tpu.memory_space<vmem>>
    %dma_start3A_169 = arith.constant 0 : i32
    %dma_start3A_170 = tpu.memref_slice %arg3[%dma_start3A_169] : memref<100000xi32, #tpu.memory_space<hbm>> -> memref<100000xi32, #tpu.memory_space<hbm>>
    tpu.enqueue_indirect_dma source(%dma_start3A_170 : memref<100000xi32, #tpu.memory_space<hbm>>) target(%dma_start3A_166 : memref<112xi32, #tpu.memory_space<vmem>>) offsets(%dma_start3A_168 : memref<112xi32, #tpu.memory_space<vmem>>) semaphore(%arg13 : memref<!tpu.dma_semaphore, #tpu.memory_space<semaphore_mem>>)
    %dma_start3A_171 = arith.constant 2912 : i32
    %dma_start3A_172 = tpu.memref_slice %arg10[%dma_start3A_171] : memref<3136xi32, #tpu.memory_space<vmem>> -> memref<112xi32, #tpu.memory_space<vmem>>
    %dma_start3A_173 = arith.constant 2912 : i32
    %dma_start3A_174 = tpu.memref_slice %arg9[%dma_start3A_173] : memref<3136xi32, #tpu.memory_space<vmem>> -> memref<112xi32, #tpu.memory_space<vmem>>
    %dma_start3A_175 = arith.constant 0 : i32
    %dma_start3A_176 = tpu.memref_slice %arg3[%dma_start3A_175] : memref<100000xi32, #tpu.memory_space<hbm>> -> memref<100000xi32, #tpu.memory_space<hbm>>
    tpu.enqueue_indirect_dma source(%dma_start3A_176 : memref<100000xi32, #tpu.memory_space<hbm>>) target(%dma_start3A_172 : memref<112xi32, #tpu.memory_space<vmem>>) offsets(%dma_start3A_174 : memref<112xi32, #tpu.memory_space<vmem>>) semaphore(%arg13 : memref<!tpu.dma_semaphore, #tpu.memory_space<semaphore_mem>>)
    %dma_start3A_177 = arith.constant 3024 : i32
    %dma_start3A_178 = tpu.memref_slice %arg10[%dma_start3A_177] : memref<3136xi32, #tpu.memory_space<vmem>> -> memref<112xi32, #tpu.memory_space<vmem>>
    %dma_start3A_179 = arith.constant 3024 : i32
    %dma_start3A_180 = tpu.memref_slice %arg9[%dma_start3A_179] : memref<3136xi32, #tpu.memory_space<vmem>> -> memref<112xi32, #tpu.memory_space<vmem>>
    %dma_start3A_181 = arith.constant 0 : i32
    %dma_start3A_182 = tpu.memref_slice %arg3[%dma_start3A_181] : memref<100000xi32, #tpu.memory_space<hbm>> -> memref<100000xi32, #tpu.memory_space<hbm>>
    tpu.enqueue_indirect_dma source(%dma_start3A_182 : memref<100000xi32, #tpu.memory_space<hbm>>) target(%dma_start3A_178 : memref<112xi32, #tpu.memory_space<vmem>>) offsets(%dma_start3A_180 : memref<112xi32, #tpu.memory_space<vmem>>) semaphore(%arg13 : memref<!tpu.dma_semaphore, #tpu.memory_space<semaphore_mem>>)
    %broadcast_in_dim3A = arith.constant 1 : i32
    %broadcast_in_dim3A_183 = vector.broadcast %broadcast_in_dim3A : i32 to vector<16xi32>
    %scan3A = arith.constant 0 : i32
    %scan3A_184 = arith.constant 10 : i32
    %scan3A_185 = arith.addi %scan3A, %scan3A_184 : i32
    %scan3A_186 = arith.constant 1 : i32
    scf.for %scan3A_375 = %scan3A to %scan3A_185 step %scan3A_186  : i32 {
      %mul3A_376 = arith.constant 2 : i32
      %mul3A_377 = arith.muli %scan3A_375, %mul3A_376 : i32
      %add3A_378 = arith.constant 0 : i32
      %add3A_379 = arith.addi %add3A_378, %mul3A_377 : i32
      %add3A_380 = arith.constant 0 : i32
      %add3A_381 = arith.addi %add3A_379, %add3A_380 : i32
      %mul3A_382 = arith.constant 10000 : i32
      %mul3A_383 = arith.muli %add3A_381, %mul3A_382 : i32
      %add3A_384 = arith.addi %mul3A_2, %mul3A_383 : i32
      %dma_wait3A_385 = tpu.memref_slice %arg2[%add3A_384] : memref<6400000xi32, #tpu.memory_space<hbm>> -> memref<10000xi32, #tpu.memory_space<hbm>>
      %dma_wait3A_386 = tpu.memref_slice %arg2[%add3A_384] : memref<6400000xi32, #tpu.memory_space<hbm>> -> memref<10000xi32, #tpu.memory_space<hbm>>
      tpu.wait_dma2 semaphore(%arg11 : memref<!tpu.dma_semaphore, #tpu.memory_space<semaphore_mem>>) src(%dma_wait3A_386 : memref<10000xi32, #tpu.memory_space<hbm>>) dst(%arg7 : memref<10000xi32, #tpu.memory_space<vmem>>)
      %parallel_loop3A_387 = arith.constant 0 : i32
      %parallel_loop3A_388 = arith.constant 625 : i32
      %parallel_loop3A_389 = arith.constant 1 : i32
      scf.for %parallel_loop3A_411 = %parallel_loop3A_387 to %parallel_loop3A_388 step %parallel_loop3A_389  : i32 {
        %parallel_loop3A_412 = arith.constant 16 : i32
        %parallel_loop3A_413 = arith.muli %parallel_loop3A_411, %parallel_loop3A_412 : i32
        %parallel_loop3A_414 = arith.index_cast %parallel_loop3A_413 : i32 to index
        %parallel_loop3A_415 = tpu.vector_load %arg7[%parallel_loop3A_414] {strides = array<i32>} : memref<10000xi32, #tpu.memory_space<vmem>>, vector<16xi32>,
        %parallel_loop3A_416 = arith.constant 7 : i32
        %parallel_loop3A_417 = vector.broadcast %parallel_loop3A_416 : i32 to vector<16xi32>
        %parallel_loop3A_418 = arith.shrui %parallel_loop3A_415, %parallel_loop3A_417 : vector<16xi32>
        %parallel_loop3A_419 = arith.constant 127 : i32
        %parallel_loop3A_420 = vector.broadcast %parallel_loop3A_419 : i32 to vector<16xi32>
        %parallel_loop3A_421 = arith.andi %parallel_loop3A_415, %parallel_loop3A_420 : vector<16xi32>
        tpu.vector_store_idx %arg6[%parallel_loop3A_418, %parallel_loop3A_421], %broadcast_in_dim3A_183 : memref<784x128xi32, #tpu.memory_space<vmem>>[vector<16xi32>, vector<16xi32>], vector<16xi32>,
      } {sc.loop_unroll_factor = 5 : i64, sc.parallel_access}
      %add3A_390 = arith.constant 2 : i32
      %add3A_391 = arith.addi %add3A_381, %add3A_390 : i32
      %lt3A = arith.constant 20 : i32
      %lt3A_392 = arith.cmpi slt, %add3A_391, %lt3A : i32
      %convert_element_type3A = arith.extui %lt3A_392 : i1 to i32
      %cond3A = arith.constant 0 : i32
      %cond3A_393 = arith.cmpi ne, %convert_element_type3A, %cond3A : i32
      scf.if %cond3A_393 {
        %add3A_411 = arith.constant 2 : i32
        %add3A_412 = arith.addi %add3A_381, %add3A_411 : i32
        %mul3A_413 = arith.constant 10000 : i32
        %mul3A_414 = arith.muli %add3A_412, %mul3A_413 : i32
        %add3A_415 = arith.addi %mul3A_2, %mul3A_414 : i32
        %dma_start3A_416 = tpu.memref_slice %arg2[%add3A_415] : memref<6400000xi32, #tpu.memory_space<hbm>> -> memref<10000xi32, #tpu.memory_space<hbm>>
        %dma_start3A_417 = tpu.memref_slice %arg2[%add3A_415] : memref<6400000xi32, #tpu.memory_space<hbm>> -> memref<10000xi32, #tpu.memory_space<hbm>>
        tpu.enqueue_dma source(%dma_start3A_417 : memref<10000xi32, #tpu.memory_space<hbm>>) target(%arg7 : memref<10000xi32, #tpu.memory_space<vmem>>) target_semaphore(%arg11 : memref<!tpu.dma_semaphore, #tpu.memory_space<semaphore_mem>>)
      } else {
      }
      %add3A_394 = arith.constant 1 : i32
      %add3A_395 = arith.addi %add3A_379, %add3A_394 : i32
      %mul3A_396 = arith.constant 10000 : i32
      %mul3A_397 = arith.muli %add3A_395, %mul3A_396 : i32
      %add3A_398 = arith.addi %mul3A_2, %mul3A_397 : i32
      %dma_wait3A_399 = tpu.memref_slice %arg2[%add3A_398] : memref<6400000xi32, #tpu.memory_space<hbm>> -> memref<10000xi32, #tpu.memory_space<hbm>>
      %dma_wait3A_400 = tpu.memref_slice %arg2[%add3A_398] : memref<6400000xi32, #tpu.memory_space<hbm>> -> memref<10000xi32, #tpu.memory_space<hbm>>
      tpu.wait_dma2 semaphore(%arg12 : memref<!tpu.dma_semaphore, #tpu.memory_space<semaphore_mem>>) src(%dma_wait3A_400 : memref<10000xi32, #tpu.memory_space<hbm>>) dst(%arg8 : memref<10000xi32, #tpu.memory_space<vmem>>)
      %parallel_loop3A_401 = arith.constant 0 : i32
      %parallel_loop3A_402 = arith.constant 625 : i32
      %parallel_loop3A_403 = arith.constant 1 : i32
      scf.for %parallel_loop3A_411 = %parallel_loop3A_401 to %parallel_loop3A_402 step %parallel_loop3A_403  : i32 {
        %parallel_loop3A_412 = arith.constant 16 : i32
        %parallel_loop3A_413 = arith.muli %parallel_loop3A_411, %parallel_loop3A_412 : i32
        %parallel_loop3A_414 = arith.index_cast %parallel_loop3A_413 : i32 to index
        %parallel_loop3A_415 = tpu.vector_load %arg8[%parallel_loop3A_414] {strides = array<i32>} : memref<10000xi32, #tpu.memory_space<vmem>>, vector<16xi32>,
        %parallel_loop3A_416 = arith.constant 7 : i32
        %parallel_loop3A_417 = vector.broadcast %parallel_loop3A_416 : i32 to vector<16xi32>
        %parallel_loop3A_418 = arith.shrui %parallel_loop3A_415, %parallel_loop3A_417 : vector<16xi32>
        %parallel_loop3A_419 = arith.constant 127 : i32
        %parallel_loop3A_420 = vector.broadcast %parallel_loop3A_419 : i32 to vector<16xi32>
        %parallel_loop3A_421 = arith.andi %parallel_loop3A_415, %parallel_loop3A_420 : vector<16xi32>
        tpu.vector_store_idx %arg6[%parallel_loop3A_418, %parallel_loop3A_421], %broadcast_in_dim3A_183 : memref<784x128xi32, #tpu.memory_space<vmem>>[vector<16xi32>, vector<16xi32>], vector<16xi32>,
      } {sc.loop_unroll_factor = 5 : i64, sc.parallel_access}
      %add3A_404 = arith.constant 2 : i32
      %add3A_405 = arith.addi %add3A_395, %add3A_404 : i32
      %lt3A_406 = arith.constant 20 : i32
      %lt3A_407 = arith.cmpi slt, %add3A_405, %lt3A_406 : i32
      %convert_element_type3A_408 = arith.extui %lt3A_407 : i1 to i32
      %cond3A_409 = arith.constant 0 : i32
      %cond3A_410 = arith.cmpi ne, %convert_element_type3A_408, %cond3A_409 : i32
      scf.if %cond3A_410 {
        %add3A_411 = arith.constant 2 : i32
        %add3A_412 = arith.addi %add3A_395, %add3A_411 : i32
        %mul3A_413 = arith.constant 10000 : i32
        %mul3A_414 = arith.muli %add3A_412, %mul3A_413 : i32
        %add3A_415 = arith.addi %mul3A_2, %mul3A_414 : i32
        %dma_start3A_416 = tpu.memref_slice %arg2[%add3A_415] : memref<6400000xi32, #tpu.memory_space<hbm>> -> memref<10000xi32, #tpu.memory_space<hbm>>
        %dma_start3A_417 = tpu.memref_slice %arg2[%add3A_415] : memref<6400000xi32, #tpu.memory_space<hbm>> -> memref<10000xi32, #tpu.memory_space<hbm>>
        tpu.enqueue_dma source(%dma_start3A_417 : memref<10000xi32, #tpu.memory_space<hbm>>) target(%arg8 : memref<10000xi32, #tpu.memory_space<vmem>>) target_semaphore(%arg12 : memref<!tpu.dma_semaphore, #tpu.memory_space<semaphore_mem>>)
      } else {
      }
    }
    %scan3A_187 = arith.constant 10 : i32
    %dma_start3A_188 = arith.constant 0 : i32
    %dma_start3A_189 = arith.constant 0 : i32
    %dma_start3A_190 = tpu.memref_slice %arg4[%add3A, %dma_start3A_188, %dma_start3A_189] : memref<32x784x128xi32, #tpu.memory_space<hbm>> -> memref<1x784x128xi32, #tpu.memory_space<hbm>>
    %dma_start3A_191 = tpu.memref_squeeze %dma_start3A_190 : memref<1x784x128xi32, #tpu.memory_space<hbm>> -> memref<784x128xi32, #tpu.memory_space<hbm>>
    %dma_start3A_192 = arith.constant 0 : i32
    %dma_start3A_193 = arith.constant 0 : i32
    %dma_start3A_194 = tpu.memref_slice %arg4[%add3A, %dma_start3A_192, %dma_start3A_193] : memref<32x784x128xi32, #tpu.memory_space<hbm>> -> memref<1x784x128xi32, #tpu.memory_space<hbm>>
    %dma_start3A_195 = tpu.memref_squeeze %dma_start3A_194 : memref<1x784x128xi32, #tpu.memory_space<hbm>> -> memref<784x128xi32, #tpu.memory_space<hbm>>
    tpu.enqueue_dma source(%arg6 : memref<784x128xi32, #tpu.memory_space<vmem>>) target(%dma_start3A_195 : memref<784x128xi32, #tpu.memory_space<hbm>>) target_semaphore(%arg11 : memref<!tpu.dma_semaphore, #tpu.memory_space<semaphore_mem>>)
    %dma_wait3A_196 = arith.constant 0 : i32
    %dma_wait3A_197 = tpu.memref_slice %arg10[%dma_wait3A_196] : memref<3136xi32, #tpu.memory_space<vmem>> -> memref<112xi32, #tpu.memory_space<vmem>>
    %dma_wait3A_198 = arith.constant 0 : i32
    %dma_wait3A_199 = tpu.memref_slice %arg9[%dma_wait3A_198] : memref<3136xi32, #tpu.memory_space<vmem>> -> memref<112xi32, #tpu.memory_space<vmem>>
    %dma_wait3A_200 = arith.constant 0 : i32
    %dma_wait3A_201 = tpu.memref_slice %arg3[%dma_wait3A_200] : memref<100000xi32, #tpu.memory_space<hbm>> -> memref<100000xi32, #tpu.memory_space<hbm>>
    tpu.wait_indirect_dma semaphore(%arg13 : memref<!tpu.dma_semaphore, #tpu.memory_space<semaphore_mem>>) src(%dma_wait3A_201 : memref<100000xi32, #tpu.memory_space<hbm>>) dst(%dma_wait3A_197 : memref<112xi32, #tpu.memory_space<vmem>>)
    %dma_wait3A_202 = arith.constant 112 : i32
    %dma_wait3A_203 = tpu.memref_slice %arg10[%dma_wait3A_202] : memref<3136xi32, #tpu.memory_space<vmem>> -> memref<112xi32, #tpu.memory_space<vmem>>
    %dma_wait3A_204 = arith.constant 112 : i32
    %dma_wait3A_205 = tpu.memref_slice %arg9[%dma_wait3A_204] : memref<3136xi32, #tpu.memory_space<vmem>> -> memref<112xi32, #tpu.memory_space<vmem>>
    %dma_wait3A_206 = arith.constant 0 : i32
    %dma_wait3A_207 = tpu.memref_slice %arg3[%dma_wait3A_206] : memref<100000xi32, #tpu.memory_space<hbm>> -> memref<100000xi32, #tpu.memory_space<hbm>>
    tpu.wait_indirect_dma semaphore(%arg13 : memref<!tpu.dma_semaphore, #tpu.memory_space<semaphore_mem>>) src(%dma_wait3A_207 : memref<100000xi32, #tpu.memory_space<hbm>>) dst(%dma_wait3A_203 : memref<112xi32, #tpu.memory_space<vmem>>)
    %dma_wait3A_208 = arith.constant 224 : i32
    %dma_wait3A_209 = tpu.memref_slice %arg10[%dma_wait3A_208] : memref<3136xi32, #tpu.memory_space<vmem>> -> memref<112xi32, #tpu.memory_space<vmem>>
    %dma_wait3A_210 = arith.constant 224 : i32
    %dma_wait3A_211 = tpu.memref_slice %arg9[%dma_wait3A_210] : memref<3136xi32, #tpu.memory_space<vmem>> -> memref<112xi32, #tpu.memory_space<vmem>>
    %dma_wait3A_212 = arith.constant 0 : i32
    %dma_wait3A_213 = tpu.memref_slice %arg3[%dma_wait3A_212] : memref<100000xi32, #tpu.memory_space<hbm>> -> memref<100000xi32, #tpu.memory_space<hbm>>
    tpu.wait_indirect_dma semaphore(%arg13 : memref<!tpu.dma_semaphore, #tpu.memory_space<semaphore_mem>>) src(%dma_wait3A_213 : memref<100000xi32, #tpu.memory_space<hbm>>) dst(%dma_wait3A_209 : memref<112xi32, #tpu.memory_space<vmem>>)
    %dma_wait3A_214 = arith.constant 336 : i32
    %dma_wait3A_215 = tpu.memref_slice %arg10[%dma_wait3A_214] : memref<3136xi32, #tpu.memory_space<vmem>> -> memref<112xi32, #tpu.memory_space<vmem>>
    %dma_wait3A_216 = arith.constant 336 : i32
    %dma_wait3A_217 = tpu.memref_slice %arg9[%dma_wait3A_216] : memref<3136xi32, #tpu.memory_space<vmem>> -> memref<112xi32, #tpu.memory_space<vmem>>
    %dma_wait3A_218 = arith.constant 0 : i32
    %dma_wait3A_219 = tpu.memref_slice %arg3[%dma_wait3A_218] : memref<100000xi32, #tpu.memory_space<hbm>> -> memref<100000xi32, #tpu.memory_space<hbm>>
    tpu.wait_indirect_dma semaphore(%arg13 : memref<!tpu.dma_semaphore, #tpu.memory_space<semaphore_mem>>) src(%dma_wait3A_219 : memref<100000xi32, #tpu.memory_space<hbm>>) dst(%dma_wait3A_215 : memref<112xi32, #tpu.memory_space<vmem>>)
    %dma_wait3A_220 = arith.constant 448 : i32
    %dma_wait3A_221 = tpu.memref_slice %arg10[%dma_wait3A_220] : memref<3136xi32, #tpu.memory_space<vmem>> -> memref<112xi32, #tpu.memory_space<vmem>>
    %dma_wait3A_222 = arith.constant 448 : i32
    %dma_wait3A_223 = tpu.memref_slice %arg9[%dma_wait3A_222] : memref<3136xi32, #tpu.memory_space<vmem>> -> memref<112xi32, #tpu.memory_space<vmem>>
    %dma_wait3A_224 = arith.constant 0 : i32
    %dma_wait3A_225 = tpu.memref_slice %arg3[%dma_wait3A_224] : memref<100000xi32, #tpu.memory_space<hbm>> -> memref<100000xi32, #tpu.memory_space<hbm>>
    tpu.wait_indirect_dma semaphore(%arg13 : memref<!tpu.dma_semaphore, #tpu.memory_space<semaphore_mem>>) src(%dma_wait3A_225 : memref<100000xi32, #tpu.memory_space<hbm>>) dst(%dma_wait3A_221 : memref<112xi32, #tpu.memory_space<vmem>>)
    %dma_wait3A_226 = arith.constant 560 : i32
    %dma_wait3A_227 = tpu.memref_slice %arg10[%dma_wait3A_226] : memref<3136xi32, #tpu.memory_space<vmem>> -> memref<112xi32, #tpu.memory_space<vmem>>
    %dma_wait3A_228 = arith.constant 560 : i32
    %dma_wait3A_229 = tpu.memref_slice %arg9[%dma_wait3A_228] : memref<3136xi32, #tpu.memory_space<vmem>> -> memref<112xi32, #tpu.memory_space<vmem>>
    %dma_wait3A_230 = arith.constant 0 : i32
    %dma_wait3A_231 = tpu.memref_slice %arg3[%dma_wait3A_230] : memref<100000xi32, #tpu.memory_space<hbm>> -> memref<100000xi32, #tpu.memory_space<hbm>>
    tpu.wait_indirect_dma semaphore(%arg13 : memref<!tpu.dma_semaphore, #tpu.memory_space<semaphore_mem>>) src(%dma_wait3A_231 : memref<100000xi32, #tpu.memory_space<hbm>>) dst(%dma_wait3A_227 : memref<112xi32, #tpu.memory_space<vmem>>)
    %dma_wait3A_232 = arith.constant 672 : i32
    %dma_wait3A_233 = tpu.memref_slice %arg10[%dma_wait3A_232] : memref<3136xi32, #tpu.memory_space<vmem>> -> memref<112xi32, #tpu.memory_space<vmem>>
    %dma_wait3A_234 = arith.constant 672 : i32
    %dma_wait3A_235 = tpu.memref_slice %arg9[%dma_wait3A_234] : memref<3136xi32, #tpu.memory_space<vmem>> -> memref<112xi32, #tpu.memory_space<vmem>>
    %dma_wait3A_236 = arith.constant 0 : i32
    %dma_wait3A_237 = tpu.memref_slice %arg3[%dma_wait3A_236] : memref<100000xi32, #tpu.memory_space<hbm>> -> memref<100000xi32, #tpu.memory_space<hbm>>
    tpu.wait_indirect_dma semaphore(%arg13 : memref<!tpu.dma_semaphore, #tpu.memory_space<semaphore_mem>>) src(%dma_wait3A_237 : memref<100000xi32, #tpu.memory_space<hbm>>) dst(%dma_wait3A_233 : memref<112xi32, #tpu.memory_space<vmem>>)
    %dma_wait3A_238 = arith.constant 784 : i32
    %dma_wait3A_239 = tpu.memref_slice %arg10[%dma_wait3A_238] : memref<3136xi32, #tpu.memory_space<vmem>> -> memref<112xi32, #tpu.memory_space<vmem>>
    %dma_wait3A_240 = arith.constant 784 : i32
    %dma_wait3A_241 = tpu.memref_slice %arg9[%dma_wait3A_240] : memref<3136xi32, #tpu.memory_space<vmem>> -> memref<112xi32, #tpu.memory_space<vmem>>
    %dma_wait3A_242 = arith.constant 0 : i32
    %dma_wait3A_243 = tpu.memref_slice %arg3[%dma_wait3A_242] : memref<100000xi32, #tpu.memory_space<hbm>> -> memref<100000xi32, #tpu.memory_space<hbm>>
    tpu.wait_indirect_dma semaphore(%arg13 : memref<!tpu.dma_semaphore, #tpu.memory_space<semaphore_mem>>) src(%dma_wait3A_243 : memref<100000xi32, #tpu.memory_space<hbm>>) dst(%dma_wait3A_239 : memref<112xi32, #tpu.memory_space<vmem>>)
    %dma_wait3A_244 = arith.constant 896 : i32
    %dma_wait3A_245 = tpu.memref_slice %arg10[%dma_wait3A_244] : memref<3136xi32, #tpu.memory_space<vmem>> -> memref<112xi32, #tpu.memory_space<vmem>>
    %dma_wait3A_246 = arith.constant 896 : i32
    %dma_wait3A_247 = tpu.memref_slice %arg9[%dma_wait3A_246] : memref<3136xi32, #tpu.memory_space<vmem>> -> memref<112xi32, #tpu.memory_space<vmem>>
    %dma_wait3A_248 = arith.constant 0 : i32
    %dma_wait3A_249 = tpu.memref_slice %arg3[%dma_wait3A_248] : memref<100000xi32, #tpu.memory_space<hbm>> -> memref<100000xi32, #tpu.memory_space<hbm>>
    tpu.wait_indirect_dma semaphore(%arg13 : memref<!tpu.dma_semaphore, #tpu.memory_space<semaphore_mem>>) src(%dma_wait3A_249 : memref<100000xi32, #tpu.memory_space<hbm>>) dst(%dma_wait3A_245 : memref<112xi32, #tpu.memory_space<vmem>>)
    %dma_wait3A_250 = arith.constant 1008 : i32
    %dma_wait3A_251 = tpu.memref_slice %arg10[%dma_wait3A_250] : memref<3136xi32, #tpu.memory_space<vmem>> -> memref<112xi32, #tpu.memory_space<vmem>>
    %dma_wait3A_252 = arith.constant 1008 : i32
    %dma_wait3A_253 = tpu.memref_slice %arg9[%dma_wait3A_252] : memref<3136xi32, #tpu.memory_space<vmem>> -> memref<112xi32, #tpu.memory_space<vmem>>
    %dma_wait3A_254 = arith.constant 0 : i32
    %dma_wait3A_255 = tpu.memref_slice %arg3[%dma_wait3A_254] : memref<100000xi32, #tpu.memory_space<hbm>> -> memref<100000xi32, #tpu.memory_space<hbm>>
    tpu.wait_indirect_dma semaphore(%arg13 : memref<!tpu.dma_semaphore, #tpu.memory_space<semaphore_mem>>) src(%dma_wait3A_255 : memref<100000xi32, #tpu.memory_space<hbm>>) dst(%dma_wait3A_251 : memref<112xi32, #tpu.memory_space<vmem>>)
    %dma_wait3A_256 = arith.constant 1120 : i32
    %dma_wait3A_257 = tpu.memref_slice %arg10[%dma_wait3A_256] : memref<3136xi32, #tpu.memory_space<vmem>> -> memref<112xi32, #tpu.memory_space<vmem>>
    %dma_wait3A_258 = arith.constant 1120 : i32
    %dma_wait3A_259 = tpu.memref_slice %arg9[%dma_wait3A_258] : memref<3136xi32, #tpu.memory_space<vmem>> -> memref<112xi32, #tpu.memory_space<vmem>>
    %dma_wait3A_260 = arith.constant 0 : i32
    %dma_wait3A_261 = tpu.memref_slice %arg3[%dma_wait3A_260] : memref<100000xi32, #tpu.memory_space<hbm>> -> memref<100000xi32, #tpu.memory_space<hbm>>
    tpu.wait_indirect_dma semaphore(%arg13 : memref<!tpu.dma_semaphore, #tpu.memory_space<semaphore_mem>>) src(%dma_wait3A_261 : memref<100000xi32, #tpu.memory_space<hbm>>) dst(%dma_wait3A_257 : memref<112xi32, #tpu.memory_space<vmem>>)
    %dma_wait3A_262 = arith.constant 1232 : i32
    %dma_wait3A_263 = tpu.memref_slice %arg10[%dma_wait3A_262] : memref<3136xi32, #tpu.memory_space<vmem>> -> memref<112xi32, #tpu.memory_space<vmem>>
    %dma_wait3A_264 = arith.constant 1232 : i32
    %dma_wait3A_265 = tpu.memref_slice %arg9[%dma_wait3A_264] : memref<3136xi32, #tpu.memory_space<vmem>> -> memref<112xi32, #tpu.memory_space<vmem>>
    %dma_wait3A_266 = arith.constant 0 : i32
    %dma_wait3A_267 = tpu.memref_slice %arg3[%dma_wait3A_266] : memref<100000xi32, #tpu.memory_space<hbm>> -> memref<100000xi32, #tpu.memory_space<hbm>>
    tpu.wait_indirect_dma semaphore(%arg13 : memref<!tpu.dma_semaphore, #tpu.memory_space<semaphore_mem>>) src(%dma_wait3A_267 : memref<100000xi32, #tpu.memory_space<hbm>>) dst(%dma_wait3A_263 : memref<112xi32, #tpu.memory_space<vmem>>)
    %dma_wait3A_268 = arith.constant 1344 : i32
    %dma_wait3A_269 = tpu.memref_slice %arg10[%dma_wait3A_268] : memref<3136xi32, #tpu.memory_space<vmem>> -> memref<112xi32, #tpu.memory_space<vmem>>
    %dma_wait3A_270 = arith.constant 1344 : i32
    %dma_wait3A_271 = tpu.memref_slice %arg9[%dma_wait3A_270] : memref<3136xi32, #tpu.memory_space<vmem>> -> memref<112xi32, #tpu.memory_space<vmem>>
    %dma_wait3A_272 = arith.constant 0 : i32
    %dma_wait3A_273 = tpu.memref_slice %arg3[%dma_wait3A_272] : memref<100000xi32, #tpu.memory_space<hbm>> -> memref<100000xi32, #tpu.memory_space<hbm>>
    tpu.wait_indirect_dma semaphore(%arg13 : memref<!tpu.dma_semaphore, #tpu.memory_space<semaphore_mem>>) src(%dma_wait3A_273 : memref<100000xi32, #tpu.memory_space<hbm>>) dst(%dma_wait3A_269 : memref<112xi32, #tpu.memory_space<vmem>>)
    %dma_wait3A_274 = arith.constant 1456 : i32
    %dma_wait3A_275 = tpu.memref_slice %arg10[%dma_wait3A_274] : memref<3136xi32, #tpu.memory_space<vmem>> -> memref<112xi32, #tpu.memory_space<vmem>>
    %dma_wait3A_276 = arith.constant 1456 : i32
    %dma_wait3A_277 = tpu.memref_slice %arg9[%dma_wait3A_276] : memref<3136xi32, #tpu.memory_space<vmem>> -> memref<112xi32, #tpu.memory_space<vmem>>
    %dma_wait3A_278 = arith.constant 0 : i32
    %dma_wait3A_279 = tpu.memref_slice %arg3[%dma_wait3A_278] : memref<100000xi32, #tpu.memory_space<hbm>> -> memref<100000xi32, #tpu.memory_space<hbm>>
    tpu.wait_indirect_dma semaphore(%arg13 : memref<!tpu.dma_semaphore, #tpu.memory_space<semaphore_mem>>) src(%dma_wait3A_279 : memref<100000xi32, #tpu.memory_space<hbm>>) dst(%dma_wait3A_275 : memref<112xi32, #tpu.memory_space<vmem>>)
    %dma_wait3A_280 = arith.constant 1568 : i32
    %dma_wait3A_281 = tpu.memref_slice %arg10[%dma_wait3A_280] : memref<3136xi32, #tpu.memory_space<vmem>> -> memref<112xi32, #tpu.memory_space<vmem>>
    %dma_wait3A_282 = arith.constant 1568 : i32
    %dma_wait3A_283 = tpu.memref_slice %arg9[%dma_wait3A_282] : memref<3136xi32, #tpu.memory_space<vmem>> -> memref<112xi32, #tpu.memory_space<vmem>>
    %dma_wait3A_284 = arith.constant 0 : i32
    %dma_wait3A_285 = tpu.memref_slice %arg3[%dma_wait3A_284] : memref<100000xi32, #tpu.memory_space<hbm>> -> memref<100000xi32, #tpu.memory_space<hbm>>
    tpu.wait_indirect_dma semaphore(%arg13 : memref<!tpu.dma_semaphore, #tpu.memory_space<semaphore_mem>>) src(%dma_wait3A_285 : memref<100000xi32, #tpu.memory_space<hbm>>) dst(%dma_wait3A_281 : memref<112xi32, #tpu.memory_space<vmem>>)
    %dma_wait3A_286 = arith.constant 1680 : i32
    %dma_wait3A_287 = tpu.memref_slice %arg10[%dma_wait3A_286] : memref<3136xi32, #tpu.memory_space<vmem>> -> memref<112xi32, #tpu.memory_space<vmem>>
    %dma_wait3A_288 = arith.constant 1680 : i32
    %dma_wait3A_289 = tpu.memref_slice %arg9[%dma_wait3A_288] : memref<3136xi32, #tpu.memory_space<vmem>> -> memref<112xi32, #tpu.memory_space<vmem>>
    %dma_wait3A_290 = arith.constant 0 : i32
    %dma_wait3A_291 = tpu.memref_slice %arg3[%dma_wait3A_290] : memref<100000xi32, #tpu.memory_space<hbm>> -> memref<100000xi32, #tpu.memory_space<hbm>>
    tpu.wait_indirect_dma semaphore(%arg13 : memref<!tpu.dma_semaphore, #tpu.memory_space<semaphore_mem>>) src(%dma_wait3A_291 : memref<100000xi32, #tpu.memory_space<hbm>>) dst(%dma_wait3A_287 : memref<112xi32, #tpu.memory_space<vmem>>)
    %dma_wait3A_292 = arith.constant 1792 : i32
    %dma_wait3A_293 = tpu.memref_slice %arg10[%dma_wait3A_292] : memref<3136xi32, #tpu.memory_space<vmem>> -> memref<112xi32, #tpu.memory_space<vmem>>
    %dma_wait3A_294 = arith.constant 1792 : i32
    %dma_wait3A_295 = tpu.memref_slice %arg9[%dma_wait3A_294] : memref<3136xi32, #tpu.memory_space<vmem>> -> memref<112xi32, #tpu.memory_space<vmem>>
    %dma_wait3A_296 = arith.constant 0 : i32
    %dma_wait3A_297 = tpu.memref_slice %arg3[%dma_wait3A_296] : memref<100000xi32, #tpu.memory_space<hbm>> -> memref<100000xi32, #tpu.memory_space<hbm>>
    tpu.wait_indirect_dma semaphore(%arg13 : memref<!tpu.dma_semaphore, #tpu.memory_space<semaphore_mem>>) src(%dma_wait3A_297 : memref<100000xi32, #tpu.memory_space<hbm>>) dst(%dma_wait3A_293 : memref<112xi32, #tpu.memory_space<vmem>>)
    %dma_wait3A_298 = arith.constant 1904 : i32
    %dma_wait3A_299 = tpu.memref_slice %arg10[%dma_wait3A_298] : memref<3136xi32, #tpu.memory_space<vmem>> -> memref<112xi32, #tpu.memory_space<vmem>>
    %dma_wait3A_300 = arith.constant 1904 : i32
    %dma_wait3A_301 = tpu.memref_slice %arg9[%dma_wait3A_300] : memref<3136xi32, #tpu.memory_space<vmem>> -> memref<112xi32, #tpu.memory_space<vmem>>
    %dma_wait3A_302 = arith.constant 0 : i32
    %dma_wait3A_303 = tpu.memref_slice %arg3[%dma_wait3A_302] : memref<100000xi32, #tpu.memory_space<hbm>> -> memref<100000xi32, #tpu.memory_space<hbm>>
    tpu.wait_indirect_dma semaphore(%arg13 : memref<!tpu.dma_semaphore, #tpu.memory_space<semaphore_mem>>) src(%dma_wait3A_303 : memref<100000xi32, #tpu.memory_space<hbm>>) dst(%dma_wait3A_299 : memref<112xi32, #tpu.memory_space<vmem>>)
    %dma_wait3A_304 = arith.constant 2016 : i32
    %dma_wait3A_305 = tpu.memref_slice %arg10[%dma_wait3A_304] : memref<3136xi32, #tpu.memory_space<vmem>> -> memref<112xi32, #tpu.memory_space<vmem>>
    %dma_wait3A_306 = arith.constant 2016 : i32
    %dma_wait3A_307 = tpu.memref_slice %arg9[%dma_wait3A_306] : memref<3136xi32, #tpu.memory_space<vmem>> -> memref<112xi32, #tpu.memory_space<vmem>>
    %dma_wait3A_308 = arith.constant 0 : i32
    %dma_wait3A_309 = tpu.memref_slice %arg3[%dma_wait3A_308] : memref<100000xi32, #tpu.memory_space<hbm>> -> memref<100000xi32, #tpu.memory_space<hbm>>
    tpu.wait_indirect_dma semaphore(%arg13 : memref<!tpu.dma_semaphore, #tpu.memory_space<semaphore_mem>>) src(%dma_wait3A_309 : memref<100000xi32, #tpu.memory_space<hbm>>) dst(%dma_wait3A_305 : memref<112xi32, #tpu.memory_space<vmem>>)
    %dma_wait3A_310 = arith.constant 2128 : i32
    %dma_wait3A_311 = tpu.memref_slice %arg10[%dma_wait3A_310] : memref<3136xi32, #tpu.memory_space<vmem>> -> memref<112xi32, #tpu.memory_space<vmem>>
    %dma_wait3A_312 = arith.constant 2128 : i32
    %dma_wait3A_313 = tpu.memref_slice %arg9[%dma_wait3A_312] : memref<3136xi32, #tpu.memory_space<vmem>> -> memref<112xi32, #tpu.memory_space<vmem>>
    %dma_wait3A_314 = arith.constant 0 : i32
    %dma_wait3A_315 = tpu.memref_slice %arg3[%dma_wait3A_314] : memref<100000xi32, #tpu.memory_space<hbm>> -> memref<100000xi32, #tpu.memory_space<hbm>>
    tpu.wait_indirect_dma semaphore(%arg13 : memref<!tpu.dma_semaphore, #tpu.memory_space<semaphore_mem>>) src(%dma_wait3A_315 : memref<100000xi32, #tpu.memory_space<hbm>>) dst(%dma_wait3A_311 : memref<112xi32, #tpu.memory_space<vmem>>)
    %dma_wait3A_316 = arith.constant 2240 : i32
    %dma_wait3A_317 = tpu.memref_slice %arg10[%dma_wait3A_316] : memref<3136xi32, #tpu.memory_space<vmem>> -> memref<112xi32, #tpu.memory_space<vmem>>
    %dma_wait3A_318 = arith.constant 2240 : i32
    %dma_wait3A_319 = tpu.memref_slice %arg9[%dma_wait3A_318] : memref<3136xi32, #tpu.memory_space<vmem>> -> memref<112xi32, #tpu.memory_space<vmem>>
    %dma_wait3A_320 = arith.constant 0 : i32
    %dma_wait3A_321 = tpu.memref_slice %arg3[%dma_wait3A_320] : memref<100000xi32, #tpu.memory_space<hbm>> -> memref<100000xi32, #tpu.memory_space<hbm>>
    tpu.wait_indirect_dma semaphore(%arg13 : memref<!tpu.dma_semaphore, #tpu.memory_space<semaphore_mem>>) src(%dma_wait3A_321 : memref<100000xi32, #tpu.memory_space<hbm>>) dst(%dma_wait3A_317 : memref<112xi32, #tpu.memory_space<vmem>>)
    %dma_wait3A_322 = arith.constant 2352 : i32
    %dma_wait3A_323 = tpu.memref_slice %arg10[%dma_wait3A_322] : memref<3136xi32, #tpu.memory_space<vmem>> -> memref<112xi32, #tpu.memory_space<vmem>>
    %dma_wait3A_324 = arith.constant 2352 : i32
    %dma_wait3A_325 = tpu.memref_slice %arg9[%dma_wait3A_324] : memref<3136xi32, #tpu.memory_space<vmem>> -> memref<112xi32, #tpu.memory_space<vmem>>
    %dma_wait3A_326 = arith.constant 0 : i32
    %dma_wait3A_327 = tpu.memref_slice %arg3[%dma_wait3A_326] : memref<100000xi32, #tpu.memory_space<hbm>> -> memref<100000xi32, #tpu.memory_space<hbm>>
    tpu.wait_indirect_dma semaphore(%arg13 : memref<!tpu.dma_semaphore, #tpu.memory_space<semaphore_mem>>) src(%dma_wait3A_327 : memref<100000xi32, #tpu.memory_space<hbm>>) dst(%dma_wait3A_323 : memref<112xi32, #tpu.memory_space<vmem>>)
    %dma_wait3A_328 = arith.constant 2464 : i32
    %dma_wait3A_329 = tpu.memref_slice %arg10[%dma_wait3A_328] : memref<3136xi32, #tpu.memory_space<vmem>> -> memref<112xi32, #tpu.memory_space<vmem>>
    %dma_wait3A_330 = arith.constant 2464 : i32
    %dma_wait3A_331 = tpu.memref_slice %arg9[%dma_wait3A_330] : memref<3136xi32, #tpu.memory_space<vmem>> -> memref<112xi32, #tpu.memory_space<vmem>>
    %dma_wait3A_332 = arith.constant 0 : i32
    %dma_wait3A_333 = tpu.memref_slice %arg3[%dma_wait3A_332] : memref<100000xi32, #tpu.memory_space<hbm>> -> memref<100000xi32, #tpu.memory_space<hbm>>
    tpu.wait_indirect_dma semaphore(%arg13 : memref<!tpu.dma_semaphore, #tpu.memory_space<semaphore_mem>>) src(%dma_wait3A_333 : memref<100000xi32, #tpu.memory_space<hbm>>) dst(%dma_wait3A_329 : memref<112xi32, #tpu.memory_space<vmem>>)
    %dma_wait3A_334 = arith.constant 2576 : i32
    %dma_wait3A_335 = tpu.memref_slice %arg10[%dma_wait3A_334] : memref<3136xi32, #tpu.memory_space<vmem>> -> memref<112xi32, #tpu.memory_space<vmem>>
    %dma_wait3A_336 = arith.constant 2576 : i32
    %dma_wait3A_337 = tpu.memref_slice %arg9[%dma_wait3A_336] : memref<3136xi32, #tpu.memory_space<vmem>> -> memref<112xi32, #tpu.memory_space<vmem>>
    %dma_wait3A_338 = arith.constant 0 : i32
    %dma_wait3A_339 = tpu.memref_slice %arg3[%dma_wait3A_338] : memref<100000xi32, #tpu.memory_space<hbm>> -> memref<100000xi32, #tpu.memory_space<hbm>>
    tpu.wait_indirect_dma semaphore(%arg13 : memref<!tpu.dma_semaphore, #tpu.memory_space<semaphore_mem>>) src(%dma_wait3A_339 : memref<100000xi32, #tpu.memory_space<hbm>>) dst(%dma_wait3A_335 : memref<112xi32, #tpu.memory_space<vmem>>)
    %dma_wait3A_340 = arith.constant 2688 : i32
    %dma_wait3A_341 = tpu.memref_slice %arg10[%dma_wait3A_340] : memref<3136xi32, #tpu.memory_space<vmem>> -> memref<112xi32, #tpu.memory_space<vmem>>
    %dma_wait3A_342 = arith.constant 2688 : i32
    %dma_wait3A_343 = tpu.memref_slice %arg9[%dma_wait3A_342] : memref<3136xi32, #tpu.memory_space<vmem>> -> memref<112xi32, #tpu.memory_space<vmem>>
    %dma_wait3A_344 = arith.constant 0 : i32
    %dma_wait3A_345 = tpu.memref_slice %arg3[%dma_wait3A_344] : memref<100000xi32, #tpu.memory_space<hbm>> -> memref<100000xi32, #tpu.memory_space<hbm>>
    tpu.wait_indirect_dma semaphore(%arg13 : memref<!tpu.dma_semaphore, #tpu.memory_space<semaphore_mem>>) src(%dma_wait3A_345 : memref<100000xi32, #tpu.memory_space<hbm>>) dst(%dma_wait3A_341 : memref<112xi32, #tpu.memory_space<vmem>>)
    %dma_wait3A_346 = arith.constant 2800 : i32
    %dma_wait3A_347 = tpu.memref_slice %arg10[%dma_wait3A_346] : memref<3136xi32, #tpu.memory_space<vmem>> -> memref<112xi32, #tpu.memory_space<vmem>>
    %dma_wait3A_348 = arith.constant 2800 : i32
    %dma_wait3A_349 = tpu.memref_slice %arg9[%dma_wait3A_348] : memref<3136xi32, #tpu.memory_space<vmem>> -> memref<112xi32, #tpu.memory_space<vmem>>
    %dma_wait3A_350 = arith.constant 0 : i32
    %dma_wait3A_351 = tpu.memref_slice %arg3[%dma_wait3A_350] : memref<100000xi32, #tpu.memory_space<hbm>> -> memref<100000xi32, #tpu.memory_space<hbm>>
    tpu.wait_indirect_dma semaphore(%arg13 : memref<!tpu.dma_semaphore, #tpu.memory_space<semaphore_mem>>) src(%dma_wait3A_351 : memref<100000xi32, #tpu.memory_space<hbm>>) dst(%dma_wait3A_347 : memref<112xi32, #tpu.memory_space<vmem>>)
    %dma_wait3A_352 = arith.constant 2912 : i32
    %dma_wait3A_353 = tpu.memref_slice %arg10[%dma_wait3A_352] : memref<3136xi32, #tpu.memory_space<vmem>> -> memref<112xi32, #tpu.memory_space<vmem>>
    %dma_wait3A_354 = arith.constant 2912 : i32
    %dma_wait3A_355 = tpu.memref_slice %arg9[%dma_wait3A_354] : memref<3136xi32, #tpu.memory_space<vmem>> -> memref<112xi32, #tpu.memory_space<vmem>>
    %dma_wait3A_356 = arith.constant 0 : i32
    %dma_wait3A_357 = tpu.memref_slice %arg3[%dma_wait3A_356] : memref<100000xi32, #tpu.memory_space<hbm>> -> memref<100000xi32, #tpu.memory_space<hbm>>
    tpu.wait_indirect_dma semaphore(%arg13 : memref<!tpu.dma_semaphore, #tpu.memory_space<semaphore_mem>>) src(%dma_wait3A_357 : memref<100000xi32, #tpu.memory_space<hbm>>) dst(%dma_wait3A_353 : memref<112xi32, #tpu.memory_space<vmem>>)
    %dma_wait3A_358 = arith.constant 3024 : i32
    %dma_wait3A_359 = tpu.memref_slice %arg10[%dma_wait3A_358] : memref<3136xi32, #tpu.memory_space<vmem>> -> memref<112xi32, #tpu.memory_space<vmem>>
    %dma_wait3A_360 = arith.constant 3024 : i32
    %dma_wait3A_361 = tpu.memref_slice %arg9[%dma_wait3A_360] : memref<3136xi32, #tpu.memory_space<vmem>> -> memref<112xi32, #tpu.memory_space<vmem>>
    %dma_wait3A_362 = arith.constant 0 : i32
    %dma_wait3A_363 = tpu.memref_slice %arg3[%dma_wait3A_362] : memref<100000xi32, #tpu.memory_space<hbm>> -> memref<100000xi32, #tpu.memory_space<hbm>>
    tpu.wait_indirect_dma semaphore(%arg13 : memref<!tpu.dma_semaphore, #tpu.memory_space<semaphore_mem>>) src(%dma_wait3A_363 : memref<100000xi32, #tpu.memory_space<hbm>>) dst(%dma_wait3A_359 : memref<112xi32, #tpu.memory_space<vmem>>)
    %parallel_loop3A_364 = arith.constant 0 : i32
    %parallel_loop3A_365 = arith.constant 196 : i32
    %parallel_loop3A_366 = arith.constant 1 : i32
    scf.for %parallel_loop3A_375 = %parallel_loop3A_364 to %parallel_loop3A_365 step %parallel_loop3A_366  : i32 {
      %parallel_loop3A_376 = arith.constant 16 : i32
      %parallel_loop3A_377 = arith.muli %parallel_loop3A_375, %parallel_loop3A_376 : i32
      %parallel_loop3A_378 = arith.index_cast %parallel_loop3A_377 : i32 to index
      %parallel_loop3A_379 = tpu.vector_load %arg10[%parallel_loop3A_378] {strides = array<i32>} : memref<3136xi32, #tpu.memory_space<vmem>>, vector<16xi32>,
      %parallel_loop3A_380 = arith.sitofp %parallel_loop3A_379 : vector<16xi32> to vector<16xf32>
      %parallel_loop3A_381 = vector.bitcast %parallel_loop3A_380 : vector<16xf32> to vector<16xi32>
      %parallel_loop3A_382 = arith.constant 16 : i32
      %parallel_loop3A_383 = arith.muli %parallel_loop3A_375, %parallel_loop3A_382 : i32
      %parallel_loop3A_384 = arith.index_cast %parallel_loop3A_383 : i32 to index
      %parallel_loop3A_385 = tpu.vector_load %arg10[%parallel_loop3A_384] {strides = array<i32>} : memref<3136xi32, #tpu.memory_space<vmem>>, vector<16xi32>,
      tpu.vector_store %arg10[%parallel_loop3A_384], %parallel_loop3A_381 {strides = array<i32>} : memref<3136xi32, #tpu.memory_space<vmem>>, vector<16xi32>,
    } {sc.loop_unroll_factor = 4 : i64, sc.parallel_access}
    "tpu.region"() ({
      %run_scoped3A = tpu.sem_alloc : memref<!tpu.dma_semaphore, #tpu.memory_space<semaphore_mem>>
      %dma_start3A_375 = tpu.memref_slice %arg5[%mul3A_9] : memref<100352xi32, #tpu.memory_space<hbm>> -> memref<3136xi32, #tpu.memory_space<hbm>>
      %dma_start3A_376 = tpu.memref_slice %arg5[%mul3A_9] : memref<100352xi32, #tpu.memory_space<hbm>> -> memref<3136xi32, #tpu.memory_space<hbm>>
      tpu.enqueue_dma source(%arg10 : memref<3136xi32, #tpu.memory_space<vmem>>) target(%dma_start3A_376 : memref<3136xi32, #tpu.memory_space<hbm>>) target_semaphore(%run_scoped3A : memref<!tpu.dma_semaphore, #tpu.memory_space<semaphore_mem>>)
      %dma_wait3A_377 = tpu.memref_slice %arg5[%mul3A_9] : memref<100352xi32, #tpu.memory_space<hbm>> -> memref<3136xi32, #tpu.memory_space<hbm>>
      %dma_wait3A_378 = tpu.memref_slice %arg5[%mul3A_9] : memref<100352xi32, #tpu.memory_space<hbm>> -> memref<3136xi32, #tpu.memory_space<hbm>>
      tpu.wait_dma2 semaphore(%run_scoped3A : memref<!tpu.dma_semaphore, #tpu.memory_space<semaphore_mem>>) src(%arg10 : memref<3136xi32, #tpu.memory_space<vmem>>) dst(%dma_wait3A_378 : memref<3136xi32, #tpu.memory_space<hbm>>)
      tpu.yield
    }) : () -> ()
    %dma_wait3A_367 = arith.constant 0 : i32
    %dma_wait3A_368 = arith.constant 0 : i32
    %dma_wait3A_369 = tpu.memref_slice %arg4[%add3A, %dma_wait3A_367, %dma_wait3A_368] : memref<32x784x128xi32, #tpu.memory_space<hbm>> -> memref<1x784x128xi32, #tpu.memory_space<hbm>>
    %dma_wait3A_370 = tpu.memref_squeeze %dma_wait3A_369 : memref<1x784x128xi32, #tpu.memory_space<hbm>> -> memref<784x128xi32, #tpu.memory_space<hbm>>
    %dma_wait3A_371 = arith.constant 0 : i32
    %dma_wait3A_372 = arith.constant 0 : i32
    %dma_wait3A_373 = tpu.memref_slice %arg4[%add3A, %dma_wait3A_371, %dma_wait3A_372] : memref<32x784x128xi32, #tpu.memory_space<hbm>> -> memref<1x784x128xi32, #tpu.memory_space<hbm>>
    %dma_wait3A_374 = tpu.memref_squeeze %dma_wait3A_373 : memref<1x784x128xi32, #tpu.memory_space<hbm>> -> memref<784x128xi32, #tpu.memory_space<hbm>>
    tpu.wait_dma2 semaphore(%arg11 : memref<!tpu.dma_semaphore, #tpu.memory_space<semaphore_mem>>) src(%arg6 : memref<784x128xi32, #tpu.memory_space<vmem>>) dst(%dma_wait3A_374 : memref<784x128xi32, #tpu.memory_space<hbm>>)
    return
  }
}

module attributes {stable_mosaic.version = 14 : i64} {
  func.func @_rank_body(%arg0: memref<32x784x128xi32, #tpu.memory_space<vmem>>, %arg1: memref<784x128xi32, #tpu.memory_space<vmem>>) attributes {dimension_semantics = [], scalar_prefetch = 0 : i64, scratch_operands = 0 : i64, tpu.core_type = #tpu.core_type<tc>} {
    %get3A = arith.constant 0 : index
    %get3A_0 = arith.constant 0 : index
    %get3A_1 = arith.constant 0 : index
    %get3A_2 = vector.load %arg0[%get3A, %get3A_0, %get3A_1] : memref<32x784x128xi32, #tpu.memory_space<vmem>>, vector<1x784x128xi32>
    %get3A_3 = vector.shape_cast %get3A_2 : vector<1x784x128xi32> to vector<784x128xi32>
    %get3A_4 = arith.constant 1 : index
    %get3A_5 = arith.constant 0 : index
    %get3A_6 = arith.constant 0 : index
    %get3A_7 = vector.load %arg0[%get3A_4, %get3A_5, %get3A_6] : memref<32x784x128xi32, #tpu.memory_space<vmem>>, vector<1x784x128xi32>
    %get3A_8 = vector.shape_cast %get3A_7 : vector<1x784x128xi32> to vector<784x128xi32>
    %or3A = arith.ori %get3A_3, %get3A_8 : vector<784x128xi32>
    %get3A_9 = arith.constant 2 : index
    %get3A_10 = arith.constant 0 : index
    %get3A_11 = arith.constant 0 : index
    %get3A_12 = vector.load %arg0[%get3A_9, %get3A_10, %get3A_11] : memref<32x784x128xi32, #tpu.memory_space<vmem>>, vector<1x784x128xi32>
    %get3A_13 = vector.shape_cast %get3A_12 : vector<1x784x128xi32> to vector<784x128xi32>
    %or3A_14 = arith.ori %or3A, %get3A_13 : vector<784x128xi32>
    %get3A_15 = arith.constant 3 : index
    %get3A_16 = arith.constant 0 : index
    %get3A_17 = arith.constant 0 : index
    %get3A_18 = vector.load %arg0[%get3A_15, %get3A_16, %get3A_17] : memref<32x784x128xi32, #tpu.memory_space<vmem>>, vector<1x784x128xi32>
    %get3A_19 = vector.shape_cast %get3A_18 : vector<1x784x128xi32> to vector<784x128xi32>
    %or3A_20 = arith.ori %or3A_14, %get3A_19 : vector<784x128xi32>
    %get3A_21 = arith.constant 4 : index
    %get3A_22 = arith.constant 0 : index
    %get3A_23 = arith.constant 0 : index
    %get3A_24 = vector.load %arg0[%get3A_21, %get3A_22, %get3A_23] : memref<32x784x128xi32, #tpu.memory_space<vmem>>, vector<1x784x128xi32>
    %get3A_25 = vector.shape_cast %get3A_24 : vector<1x784x128xi32> to vector<784x128xi32>
    %or3A_26 = arith.ori %or3A_20, %get3A_25 : vector<784x128xi32>
    %get3A_27 = arith.constant 5 : index
    %get3A_28 = arith.constant 0 : index
    %get3A_29 = arith.constant 0 : index
    %get3A_30 = vector.load %arg0[%get3A_27, %get3A_28, %get3A_29] : memref<32x784x128xi32, #tpu.memory_space<vmem>>, vector<1x784x128xi32>
    %get3A_31 = vector.shape_cast %get3A_30 : vector<1x784x128xi32> to vector<784x128xi32>
    %or3A_32 = arith.ori %or3A_26, %get3A_31 : vector<784x128xi32>
    %get3A_33 = arith.constant 6 : index
    %get3A_34 = arith.constant 0 : index
    %get3A_35 = arith.constant 0 : index
    %get3A_36 = vector.load %arg0[%get3A_33, %get3A_34, %get3A_35] : memref<32x784x128xi32, #tpu.memory_space<vmem>>, vector<1x784x128xi32>
    %get3A_37 = vector.shape_cast %get3A_36 : vector<1x784x128xi32> to vector<784x128xi32>
    %or3A_38 = arith.ori %or3A_32, %get3A_37 : vector<784x128xi32>
    %get3A_39 = arith.constant 7 : index
    %get3A_40 = arith.constant 0 : index
    %get3A_41 = arith.constant 0 : index
    %get3A_42 = vector.load %arg0[%get3A_39, %get3A_40, %get3A_41] : memref<32x784x128xi32, #tpu.memory_space<vmem>>, vector<1x784x128xi32>
    %get3A_43 = vector.shape_cast %get3A_42 : vector<1x784x128xi32> to vector<784x128xi32>
    %or3A_44 = arith.ori %or3A_38, %get3A_43 : vector<784x128xi32>
    %get3A_45 = arith.constant 8 : index
    %get3A_46 = arith.constant 0 : index
    %get3A_47 = arith.constant 0 : index
    %get3A_48 = vector.load %arg0[%get3A_45, %get3A_46, %get3A_47] : memref<32x784x128xi32, #tpu.memory_space<vmem>>, vector<1x784x128xi32>
    %get3A_49 = vector.shape_cast %get3A_48 : vector<1x784x128xi32> to vector<784x128xi32>
    %or3A_50 = arith.ori %or3A_44, %get3A_49 : vector<784x128xi32>
    %get3A_51 = arith.constant 9 : index
    %get3A_52 = arith.constant 0 : index
    %get3A_53 = arith.constant 0 : index
    %get3A_54 = vector.load %arg0[%get3A_51, %get3A_52, %get3A_53] : memref<32x784x128xi32, #tpu.memory_space<vmem>>, vector<1x784x128xi32>
    %get3A_55 = vector.shape_cast %get3A_54 : vector<1x784x128xi32> to vector<784x128xi32>
    %or3A_56 = arith.ori %or3A_50, %get3A_55 : vector<784x128xi32>
    %get3A_57 = arith.constant 10 : index
    %get3A_58 = arith.constant 0 : index
    %get3A_59 = arith.constant 0 : index
    %get3A_60 = vector.load %arg0[%get3A_57, %get3A_58, %get3A_59] : memref<32x784x128xi32, #tpu.memory_space<vmem>>, vector<1x784x128xi32>
    %get3A_61 = vector.shape_cast %get3A_60 : vector<1x784x128xi32> to vector<784x128xi32>
    %or3A_62 = arith.ori %or3A_56, %get3A_61 : vector<784x128xi32>
    %get3A_63 = arith.constant 11 : index
    %get3A_64 = arith.constant 0 : index
    %get3A_65 = arith.constant 0 : index
    %get3A_66 = vector.load %arg0[%get3A_63, %get3A_64, %get3A_65] : memref<32x784x128xi32, #tpu.memory_space<vmem>>, vector<1x784x128xi32>
    %get3A_67 = vector.shape_cast %get3A_66 : vector<1x784x128xi32> to vector<784x128xi32>
    %or3A_68 = arith.ori %or3A_62, %get3A_67 : vector<784x128xi32>
    %get3A_69 = arith.constant 12 : index
    %get3A_70 = arith.constant 0 : index
    %get3A_71 = arith.constant 0 : index
    %get3A_72 = vector.load %arg0[%get3A_69, %get3A_70, %get3A_71] : memref<32x784x128xi32, #tpu.memory_space<vmem>>, vector<1x784x128xi32>
    %get3A_73 = vector.shape_cast %get3A_72 : vector<1x784x128xi32> to vector<784x128xi32>
    %or3A_74 = arith.ori %or3A_68, %get3A_73 : vector<784x128xi32>
    %get3A_75 = arith.constant 13 : index
    %get3A_76 = arith.constant 0 : index
    %get3A_77 = arith.constant 0 : index
    %get3A_78 = vector.load %arg0[%get3A_75, %get3A_76, %get3A_77] : memref<32x784x128xi32, #tpu.memory_space<vmem>>, vector<1x784x128xi32>
    %get3A_79 = vector.shape_cast %get3A_78 : vector<1x784x128xi32> to vector<784x128xi32>
    %or3A_80 = arith.ori %or3A_74, %get3A_79 : vector<784x128xi32>
    %get3A_81 = arith.constant 14 : index
    %get3A_82 = arith.constant 0 : index
    %get3A_83 = arith.constant 0 : index
    %get3A_84 = vector.load %arg0[%get3A_81, %get3A_82, %get3A_83] : memref<32x784x128xi32, #tpu.memory_space<vmem>>, vector<1x784x128xi32>
    %get3A_85 = vector.shape_cast %get3A_84 : vector<1x784x128xi32> to vector<784x128xi32>
    %or3A_86 = arith.ori %or3A_80, %get3A_85 : vector<784x128xi32>
    %get3A_87 = arith.constant 15 : index
    %get3A_88 = arith.constant 0 : index
    %get3A_89 = arith.constant 0 : index
    %get3A_90 = vector.load %arg0[%get3A_87, %get3A_88, %get3A_89] : memref<32x784x128xi32, #tpu.memory_space<vmem>>, vector<1x784x128xi32>
    %get3A_91 = vector.shape_cast %get3A_90 : vector<1x784x128xi32> to vector<784x128xi32>
    %or3A_92 = arith.ori %or3A_86, %get3A_91 : vector<784x128xi32>
    %get3A_93 = arith.constant 16 : index
    %get3A_94 = arith.constant 0 : index
    %get3A_95 = arith.constant 0 : index
    %get3A_96 = vector.load %arg0[%get3A_93, %get3A_94, %get3A_95] : memref<32x784x128xi32, #tpu.memory_space<vmem>>, vector<1x784x128xi32>
    %get3A_97 = vector.shape_cast %get3A_96 : vector<1x784x128xi32> to vector<784x128xi32>
    %or3A_98 = arith.ori %or3A_92, %get3A_97 : vector<784x128xi32>
    %get3A_99 = arith.constant 17 : index
    %get3A_100 = arith.constant 0 : index
    %get3A_101 = arith.constant 0 : index
    %get3A_102 = vector.load %arg0[%get3A_99, %get3A_100, %get3A_101] : memref<32x784x128xi32, #tpu.memory_space<vmem>>, vector<1x784x128xi32>
    %get3A_103 = vector.shape_cast %get3A_102 : vector<1x784x128xi32> to vector<784x128xi32>
    %or3A_104 = arith.ori %or3A_98, %get3A_103 : vector<784x128xi32>
    %get3A_105 = arith.constant 18 : index
    %get3A_106 = arith.constant 0 : index
    %get3A_107 = arith.constant 0 : index
    %get3A_108 = vector.load %arg0[%get3A_105, %get3A_106, %get3A_107] : memref<32x784x128xi32, #tpu.memory_space<vmem>>, vector<1x784x128xi32>
    %get3A_109 = vector.shape_cast %get3A_108 : vector<1x784x128xi32> to vector<784x128xi32>
    %or3A_110 = arith.ori %or3A_104, %get3A_109 : vector<784x128xi32>
    %get3A_111 = arith.constant 19 : index
    %get3A_112 = arith.constant 0 : index
    %get3A_113 = arith.constant 0 : index
    %get3A_114 = vector.load %arg0[%get3A_111, %get3A_112, %get3A_113] : memref<32x784x128xi32, #tpu.memory_space<vmem>>, vector<1x784x128xi32>
    %get3A_115 = vector.shape_cast %get3A_114 : vector<1x784x128xi32> to vector<784x128xi32>
    %or3A_116 = arith.ori %or3A_110, %get3A_115 : vector<784x128xi32>
    %get3A_117 = arith.constant 20 : index
    %get3A_118 = arith.constant 0 : index
    %get3A_119 = arith.constant 0 : index
    %get3A_120 = vector.load %arg0[%get3A_117, %get3A_118, %get3A_119] : memref<32x784x128xi32, #tpu.memory_space<vmem>>, vector<1x784x128xi32>
    %get3A_121 = vector.shape_cast %get3A_120 : vector<1x784x128xi32> to vector<784x128xi32>
    %or3A_122 = arith.ori %or3A_116, %get3A_121 : vector<784x128xi32>
    %get3A_123 = arith.constant 21 : index
    %get3A_124 = arith.constant 0 : index
    %get3A_125 = arith.constant 0 : index
    %get3A_126 = vector.load %arg0[%get3A_123, %get3A_124, %get3A_125] : memref<32x784x128xi32, #tpu.memory_space<vmem>>, vector<1x784x128xi32>
    %get3A_127 = vector.shape_cast %get3A_126 : vector<1x784x128xi32> to vector<784x128xi32>
    %or3A_128 = arith.ori %or3A_122, %get3A_127 : vector<784x128xi32>
    %get3A_129 = arith.constant 22 : index
    %get3A_130 = arith.constant 0 : index
    %get3A_131 = arith.constant 0 : index
    %get3A_132 = vector.load %arg0[%get3A_129, %get3A_130, %get3A_131] : memref<32x784x128xi32, #tpu.memory_space<vmem>>, vector<1x784x128xi32>
    %get3A_133 = vector.shape_cast %get3A_132 : vector<1x784x128xi32> to vector<784x128xi32>
    %or3A_134 = arith.ori %or3A_128, %get3A_133 : vector<784x128xi32>
    %get3A_135 = arith.constant 23 : index
    %get3A_136 = arith.constant 0 : index
    %get3A_137 = arith.constant 0 : index
    %get3A_138 = vector.load %arg0[%get3A_135, %get3A_136, %get3A_137] : memref<32x784x128xi32, #tpu.memory_space<vmem>>, vector<1x784x128xi32>
    %get3A_139 = vector.shape_cast %get3A_138 : vector<1x784x128xi32> to vector<784x128xi32>
    %or3A_140 = arith.ori %or3A_134, %get3A_139 : vector<784x128xi32>
    %get3A_141 = arith.constant 24 : index
    %get3A_142 = arith.constant 0 : index
    %get3A_143 = arith.constant 0 : index
    %get3A_144 = vector.load %arg0[%get3A_141, %get3A_142, %get3A_143] : memref<32x784x128xi32, #tpu.memory_space<vmem>>, vector<1x784x128xi32>
    %get3A_145 = vector.shape_cast %get3A_144 : vector<1x784x128xi32> to vector<784x128xi32>
    %or3A_146 = arith.ori %or3A_140, %get3A_145 : vector<784x128xi32>
    %get3A_147 = arith.constant 25 : index
    %get3A_148 = arith.constant 0 : index
    %get3A_149 = arith.constant 0 : index
    %get3A_150 = vector.load %arg0[%get3A_147, %get3A_148, %get3A_149] : memref<32x784x128xi32, #tpu.memory_space<vmem>>, vector<1x784x128xi32>
    %get3A_151 = vector.shape_cast %get3A_150 : vector<1x784x128xi32> to vector<784x128xi32>
    %or3A_152 = arith.ori %or3A_146, %get3A_151 : vector<784x128xi32>
    %get3A_153 = arith.constant 26 : index
    %get3A_154 = arith.constant 0 : index
    %get3A_155 = arith.constant 0 : index
    %get3A_156 = vector.load %arg0[%get3A_153, %get3A_154, %get3A_155] : memref<32x784x128xi32, #tpu.memory_space<vmem>>, vector<1x784x128xi32>
    %get3A_157 = vector.shape_cast %get3A_156 : vector<1x784x128xi32> to vector<784x128xi32>
    %or3A_158 = arith.ori %or3A_152, %get3A_157 : vector<784x128xi32>
    %get3A_159 = arith.constant 27 : index
    %get3A_160 = arith.constant 0 : index
    %get3A_161 = arith.constant 0 : index
    %get3A_162 = vector.load %arg0[%get3A_159, %get3A_160, %get3A_161] : memref<32x784x128xi32, #tpu.memory_space<vmem>>, vector<1x784x128xi32>
    %get3A_163 = vector.shape_cast %get3A_162 : vector<1x784x128xi32> to vector<784x128xi32>
    %or3A_164 = arith.ori %or3A_158, %get3A_163 : vector<784x128xi32>
    %get3A_165 = arith.constant 28 : index
    %get3A_166 = arith.constant 0 : index
    %get3A_167 = arith.constant 0 : index
    %get3A_168 = vector.load %arg0[%get3A_165, %get3A_166, %get3A_167] : memref<32x784x128xi32, #tpu.memory_space<vmem>>, vector<1x784x128xi32>
    %get3A_169 = vector.shape_cast %get3A_168 : vector<1x784x128xi32> to vector<784x128xi32>
    %or3A_170 = arith.ori %or3A_164, %get3A_169 : vector<784x128xi32>
    %get3A_171 = arith.constant 29 : index
    %get3A_172 = arith.constant 0 : index
    %get3A_173 = arith.constant 0 : index
    %get3A_174 = vector.load %arg0[%get3A_171, %get3A_172, %get3A_173] : memref<32x784x128xi32, #tpu.memory_space<vmem>>, vector<1x784x128xi32>
    %get3A_175 = vector.shape_cast %get3A_174 : vector<1x784x128xi32> to vector<784x128xi32>
    %or3A_176 = arith.ori %or3A_170, %get3A_175 : vector<784x128xi32>
    %get3A_177 = arith.constant 30 : index
    %get3A_178 = arith.constant 0 : index
    %get3A_179 = arith.constant 0 : index
    %get3A_180 = vector.load %arg0[%get3A_177, %get3A_178, %get3A_179] : memref<32x784x128xi32, #tpu.memory_space<vmem>>, vector<1x784x128xi32>
    %get3A_181 = vector.shape_cast %get3A_180 : vector<1x784x128xi32> to vector<784x128xi32>
    %or3A_182 = arith.ori %or3A_176, %get3A_181 : vector<784x128xi32>
    %get3A_183 = arith.constant 31 : index
    %get3A_184 = arith.constant 0 : index
    %get3A_185 = arith.constant 0 : index
    %get3A_186 = vector.load %arg0[%get3A_183, %get3A_184, %get3A_185] : memref<32x784x128xi32, #tpu.memory_space<vmem>>, vector<1x784x128xi32>
    %get3A_187 = vector.shape_cast %get3A_186 : vector<1x784x128xi32> to vector<784x128xi32>
    %or3A_188 = arith.ori %or3A_182, %get3A_187 : vector<784x128xi32>
    %convert_element_type3A = arith.sitofp %or3A_188 : vector<784x128xi32> to vector<784x128xf32>
    %iota3A = tpu.iota {dimensions = array<i32: 0>} : vector<128x128xi32>
    %iota3A_189 = tpu.iota {dimensions = array<i32: 1>} : vector<128x128xi32>
    %le3A = arith.cmpi sle, %iota3A, %iota3A_189 : vector<128x128xi32>
    %convert_element_type3A_190 = arith.extui %le3A : vector<128x128xi1> to vector<128x128xi32>
    %convert_element_type3A_191 = arith.sitofp %convert_element_type3A_190 : vector<128x128xi32> to vector<128x128xf32>
    %dot_general3A = arith.constant dense<0.000000e+00> : vector<784x128xf32>
    %dot_general3A_192 = tpu.matmul %convert_element_type3A, %convert_element_type3A_191, %dot_general3A {dimension_numbers = #tpu.dot_dimension_numbers<[1], [0], [0], [1], [0, 0, 1, 1], [], []>, transpose_lhs_hint = false} : vector<784x128xf32>, vector<128x128xf32>, vector<784x128xf32> -> vector<784x128xf32>
    %slice3A = vector.extract_strided_slice %dot_general3A_192 {offsets = [0, 127], sizes = [784, 1], strides = [1, 1]} : vector<784x128xf32> to vector<784x1xf32>
    %broadcast_in_dim3A = vector.shape_cast %slice3A : vector<784x1xf32> to vector<784x1xf32>
    %broadcast_in_dim3A_193 = vector.broadcast %broadcast_in_dim3A : vector<784x1xf32> to vector<784x128xf32>
    %iota3A_194 = tpu.iota {dimensions = array<i32: 0>} : vector<784x784xi32>
    %iota3A_195 = tpu.iota {dimensions = array<i32: 1>} : vector<784x784xi32>
    %lt3A = arith.cmpi slt, %iota3A_195, %iota3A_194 : vector<784x784xi32>
    %convert_element_type3A_196 = arith.extui %lt3A : vector<784x784xi1> to vector<784x784xi32>
    %convert_element_type3A_197 = arith.sitofp %convert_element_type3A_196 : vector<784x784xi32> to vector<784x784xf32>
    %dot_general3A_198 = arith.constant dense<0.000000e+00> : vector<784x128xf32>
    %dot_general3A_199 = tpu.matmul %convert_element_type3A_197, %broadcast_in_dim3A_193, %dot_general3A_198 {dimension_numbers = #tpu.dot_dimension_numbers<[1], [0], [0], [1], [0, 0, 1, 1], [], []>, transpose_lhs_hint = false} : vector<784x784xf32>, vector<784x128xf32>, vector<784x128xf32> -> vector<784x128xf32>
    %add3A = arith.addf %dot_general3A_192, %dot_general3A_199 : vector<784x128xf32>
    %sub3A = arith.subf %add3A, %convert_element_type3A : vector<784x128xf32>
    %convert_element_type3A_200 = arith.fptosi %sub3A : vector<784x128xf32> to vector<784x128xi32>
    %swap3A = arith.constant 0 : index
    %swap3A_201 = arith.constant 0 : index
    %swap3A_202 = vector.load %arg1[%swap3A, %swap3A_201] : memref<784x128xi32, #tpu.memory_space<vmem>>, vector<784x128xi32>
    tpu.vector_store %arg1[%swap3A, %swap3A_201], %convert_element_type3A_200 {strides = array<i32>} : memref<784x128xi32, #tpu.memory_space<vmem>>, vector<784x128xi32>,
    return
  }
}

</mosaic_0001>

<sc_bundles>
// kernel: kernel.5.cloned.1.call-start
scs
__scs_entry_jumppad:
0x0: {  	(pc) =	sbr.rel $0x88, $3  }
0x1: {  	(tag) =	ssettag $0x0;
	lr =	simm.s32 $0x1  }
0x2: {  	[smem:$0x3F9E] =	sst lr;
	_ =	strace $0xD0000000  }
0x3: {  	_ = 	snop  }
0x4: {  	_ = 	snop  }
0x5: {  	_ = 	snop  }
0x6: {  	_ = 	snop  }
0x7: {  	_ = 	snop  }
__scs_overlays_trampoline_lowered:
0x8: {  	[smem:$0x3FAD] =	sst s0  }
0x9: {  	[smem:$0x3FAE] =	sst s1  }
0xa: {  	[smem:$0x3FAF] =	sst s2  }
0xb: {  	[smem:$0x3FB0] =	sst s3  }
0xc: {  	[smem:$0x3FB1] =	sst s4  }
0xd: {  	[smem:$0x3FB2] =	sst s5  }
0xe: {  	[smem:$0x3FB3] =	sst s6  }
0xf: {  	[smem:$0x3FB4] =	sst s7  }
0x10: {  	[smem:$0x3FB5] =	sst s8  }
0x11: {  	[smem:$0x3FB6] =	sst s9;
	s0 =	simm.s32 @!p0 $0x0  }
0x12: {  	s1 =	sld [smem:$0x3F9C];
	s0 =	simm.s32 @p0 $0x1  }
0x13: {  	[smem:$0x3FB7] =	sst s0;
	s0 =	simm.s32 @!p1 $0x0  }
0x14: {  	s2 =	sld [smem:$0x3F9B];
	s0 =	simm.s32 @p1 $0x1  }
0x15: {  	[smem:$0x3FB8] =	sst s0;
	s0 =	simm.s32 @!p2 $0x0  }
0x16: {  	s3 =	sld [smem:$0x3FDB];
	s0 =	simm.s32 @p2 $0x1  }
0x17: {  	s4 =	simm.s32 $0x1BF5;
	[smem:$0x3FBA] =	sst s0  }
0x18: {  	s0 =	sld [smem:$0x3F9D];
	_ =	swait.ge [sflag:s4], $0x0  }
0x19: {  	s7 =	sld [smem:$0x3F9E]  }
0x1a: {  	s8 =	sadd.s32 $0xFFFFE003, lr  }
0x1b: {  	s9 =	sadd.s32 $0xFFFFFEF7, lr;
	s5 =	simm.s32 $0xFFFFFFFF;
	p2 =	slt.u32 s8, $0xFFFFF086  }
0x1c: {  	p1 =	slt.u32 s9, $0xF7A;
	s5 =	simm.s32 @!p2 $0x0  }
0x1d: {  	s5 =	simm.s32 @p1 $0x1;
	p0 =	seq.s32 s7, s2  }
0x1e: {  	s7 =	smul.u32 @!p0 $0xF7A, s2;
	p2 =	seq.s32 @!p0 s5, $0x0  }
0x1f: {  	s9 =	smul.u32 $0xF7A, s1;
	s8 =	simm.s32 @!p0 $0x1BF5;
	p2 =	por !p2, p0  }
0x20: {  	[sflag:s8] =	ssyncset.s32 @!p0 $0xFFFFF086;
	s6 =	sadd.s32 @!p0 s3, s7;
	s7 =	simm.s32 @!p0 $0x108  }
0x21: {  	s3 =	sadd.s32 s3, s9;
	s6 =	sadd.s32 @!p0 $0x88, s6;
	s7 =	simm.s32 @p2 $0x1082  }
0x22: {  	[simem:s7], [sflag:s8] =	dma.local @!p0 [hbm:s6], $0xF7A  }
0x23: {  	s9 =	sor.u32 $0xD0000000, s2;
	s6 =	simm.s32 $0x108;
	_ =	swait.ge @!p0 [sflag:s8], $0x0  }
0x24: {  	s3 =	sadd.s32 $0x88, s3;
	s6 =	simm.s32 @!p1 $0x1082;
	[sflag:s4] =	ssyncset.s32 $0xFFFFF086  }
0x25: {  	[simem:s6], [sflag:s4] =	dma.local [hbm:s3], $0xF7A  }
0x26: {  	[smem:$0x3F9E] =	sst s1;
	(tag) =	ssettag s2;
	_ =	strace s9  }
0x27: {  	s1 =	sld [smem:$0x3FAE]  }
0x28: {  	s2 =	sld [smem:$0x3FAF]  }
0x29: {  	s4 =	sld [smem:$0x3FB1]  }
0x2a: {  	p0 =	seq.s32 s5, $0x0;
	s5 =	sld [smem:$0x3FB2]  }
0x2b: {  	s6 =	sld [smem:$0x3FB3]  }
0x2c: {  	s7 =	sld [smem:$0x3FB4]  }
0x2d: {  	s3 =	simm.s32 $0x108;
	s8 =	sld [smem:$0x3FB5]  }
0x2e: {  	s3 =	simm.s32 @!p0 $0x1082;
	s9 =	sld [smem:$0x3FB6]  }
0x2f: {  	lr =	sadd.s32 s0, s3;
	s0 =	sld [smem:$0x3FAD]  }
0x30: {  	s3 =	sld [smem:$0x3FB0]  }
0x31: {  	[smem:$0x3FB9] =	sst s10  }
0x32: {  	s10 =	sld [smem:$0x3FB7];
	_ =	sdelay $0x3  }
0x33: {  	p0 =	seq.s32 s10, $0x1;
	s10 =	sld [smem:$0x3FB9];
	_ =	sdelay $0x3  }
0x34: {  	[smem:$0x3FB9] =	sst s10  }
0x35: {  	s10 =	sld [smem:$0x3FB8];
	_ =	sdelay $0x3  }
0x36: {  	p1 =	seq.s32 s10, $0x1;
	s10 =	sld [smem:$0x3FB9];
	_ =	sdelay $0x3  }
0x37: {  	[smem:$0x3FB9] =	sst s10  }
0x38: {  	s10 =	sld [smem:$0x3FBA]  }
0x39: {  	_ = 	snop;
	(pc) =	sbr.ind lr, $3  }
0x3a: {  	_ = 	snop  }
0x3b: {  	_ = 	snop  }
0x3c: {  	p2 =	seq.s32 s10, $0x1;
	s10 =	sld [smem:$0x3FB9]  }
0x3d: {  	_ =	shalt  }
0x3e: {  	_ =	shalt  }
0x3f: {  	_ =	shalt  }
0x40: {  	_ =	shalt  }
0x41: {  	_ =	shalt  }
0x42: {  	_ =	shalt  }
0x43: {  	_ =	shalt  }
0x44: {  	_ =	shalt  }
0x45: {  	_ =	shalt  }
0x46: {  	_ =	shalt  }
0x47: {  	_ =	shalt  }
0x48: {  	_ =	shalt  }
0x49: {  	_ =	shalt  }
0x4a: {  	_ =	shalt  }
0x4b: {  	_ =	shalt  }
0x4c: {  	_ =	shalt  }
0x4d: {  	_ =	shalt  }
0x4e: {  	_ =	shalt  }
0x4f: {  	_ =	shalt  }
0x50: {  	_ =	shalt  }
0x51: {  	_ =	shalt  }
0x52: {  	_ =	shalt  }
0x53: {  	_ =	shalt  }
0x54: {  	_ =	shalt  }
0x55: {  	_ =	shalt  }
0x56: {  	_ =	shalt  }
0x57: {  	_ =	shalt  }
0x58: {  	_ =	shalt  }
0x59: {  	_ =	shalt  }
0x5a: {  	_ =	shalt  }
0x5b: {  	_ =	shalt  }
0x5c: {  	_ =	shalt  }
0x5d: {  	_ =	shalt  }
0x5e: {  	_ =	shalt  }
0x5f: {  	_ =	shalt  }
0x60: {  	_ =	shalt  }
0x61: {  	_ =	shalt  }
0x62: {  	_ =	shalt  }
0x63: {  	_ =	shalt  }
0x64: {  	_ =	shalt  }
0x65: {  	_ =	shalt  }
0x66: {  	_ =	shalt  }
0x67: {  	_ =	shalt  }
0x68: {  	_ =	shalt  }
0x69: {  	_ =	shalt  }
0x6a: {  	_ =	shalt  }
0x6b: {  	_ =	shalt  }
0x6c: {  	_ =	shalt  }
0x6d: {  	_ =	shalt  }
0x6e: {  	_ =	shalt  }
0x6f: {  	_ =	shalt  }
0x70: {  	_ =	shalt  }
0x71: {  	_ =	shalt  }
0x72: {  	_ =	shalt  }
0x73: {  	_ =	shalt  }
0x74: {  	_ =	shalt  }
0x75: {  	_ =	shalt  }
0x76: {  	_ =	shalt  }
0x77: {  	_ =	shalt  }
0x78: {  	_ =	shalt  }
0x79: {  	_ =	shalt  }
0x7a: {  	_ =	shalt  }
0x7b: {  	_ =	shalt  }
0x7c: {  	_ =	shalt  }
0x7d: {  	_ =	shalt  }
0x7e: {  	_ =	shalt  }
0x7f: {  	_ =	shalt  }
0x80: {  	_ =	shalt  }
0x81: {  	_ =	shalt  }
0x82: {  	_ =	shalt  }
0x83: {  	_ =	shalt  }
0x84: {  	_ =	shalt  }
0x85: {  	_ =	shalt  }
0x86: {  	_ =	shalt  }
0x87: {  	_ =	shalt  }
.Lfunc_end0:
.L_simem_size_0:
called_computation_lowered:
.L_overlay_start_0:
0x88: {  	s2 =	sld [smem:$0x3FD9]  }
0x89: {  	s3 =	sld [smem:$0x3FFE];
	_ =	sdelay $0x1  }
0x8a: {  	s1 =	srdreg.scid  }
0x8b: {  	s0 =	sand.u32 $0x1, s1  }
0x8c: {  	s17 =	sshll.u32 s0, $0xA;
	s2 =	sadd.s32 s3, s2  }
0x8d: {  	s2 =	sadd.s32 s2, s17  }
0x8e: {  	[smem:$0x3FC5] =	sst s2  }
0x8f: {  	_ = 	snop  }
0x90: {  	s2 =	sld [smem:$0x3FC9]  }
0x91: {  	s18 =	sld [smem:$0x3FC7]  }
0x92: {  	s4 =	sld [smem:$0x3FD0];
	(tm) =	ssettm $0x1  }
0x93: {  	s5 =	sld [smem:$0x3FFB];
	_ =	sdelay $0x3  }
0x94: {  	_ =	strace s5  }
0x95: {  	s5 =	sld [smem:$0x3FFC];
	_ =	sdelay $0x3  }
0x96: {  	_ =	strace s5  }
0x97: {  	s5 =	sld [smem:$0x3FFD];
	_ =	sdelay $0x3  }
0x98: {  	_ =	strace s5  }
0x99: {  	_ =	strace $0x8FFFFFFF  }
0x9a: {  	s19 =	sld [smem:$0x3FDB];
	_ =	sdelay $0x1  }
0x9b: {  	s6 =	simm.s32 $_scs_section_size  }
0x9c: {  	s7 =	simm.s32 $_size__tile_overlayer_lowered;
	s8 =	simm.s32 $_tile_overlayer_lowered  }
0x9d: {  	s22 =	simm.s32 $0x1BFF;
	s21 =	sshll.u32 s8, $0x1;
	s5 =	sadd.s32 s6, s19  }
0x9e: {  	s9 =	simm.s32 $0x0;
	s20 =	sshll.u32 s7, $0x1;
	s7 =	sadd.s32 s21, s5  }
0x9f: {  	[timem:s9], [sflag:s22] =	dma.local [hbm:s7], s20  }
0xa0: {  	_ =	swait.ge [sflag:s22], s20  }
0xa1: {  	s6 =	ssub.s32 $0x0, s20;
	[sflag:s22] =	ssyncset.done $0x0  }
0xa2: {  	[sflag:s22] =	ssyncadd.s32 s6;
	_ =	sdelay $0x1  }
0xa3: {  	s23 =	simm.s32 $0x1B8B  }
0xa4: {  	_ =	swait.ge [sflag:s23], $0x1  }
0xa5: {  	[sflag:s23] =	ssyncset.done $0x0  }
0xa6: {  	s25 =	simm.s32 $0x1B8E;
	s24 =	sld [smem:$0x3FFE];
	[sflag:s23] =	ssyncadd.s32 $0xFFFFFFFF  }
0xa7: {  	s26 =	simm.s32 $execute0_lowered;
	[smem:$0x3FD2] =	sst s25  }
0xa8: {  	s7 =	sshll.u32 s26, $0x1;
	_ =	strace $0x80000046;
	[dreg:$0x1] =	wrdreg $0xFFFFFFFF  }
0xa9: {  	s28 =	simm.s32 $_size_execute0_lowered;
	s5 =	sadd.s32 s5, s7;
	[dreg:$0x0] =	wrdreg $0x0  }
0xaa: {  	s7 =	sshll.u32 s28, $0x1;
	[dreg:$0x2] =	wrdreg s5  }
0xab: {  	[dreg:$0x3] =	wrdreg s7  }
0xac: {  	[dreg:$0x4] =	wrdreg $0xC0  }
0xad: {  	_ =	task [dreg:s9], $0x5FFFF  }
0xae: {  	[dreg:$0x1] =	wrdreg $0xFFFFFFFF  }
0xaf: {  	[dreg:$0x0] =	wrdreg $0x60  }
0xb0: {  	[dreg:$0x2] =	wrdreg s2  }
0xb1: {  	[dreg:$0x3] =	wrdreg s18  }
0xb2: {  	[dreg:$0x4] =	wrdreg s4  }
0xb3: {  	[dreg:$0x5] =	wrdreg s24  }
0xb4: {  	[dreg:$0x6] =	wrdreg $0x9  }
0xb5: {  	_ =	task.clear_ibuf [dreg:s9], $0x7FFFF;
	_ =	strace $0x90000046  }
0xb6: {  	s29 =	simm.s32 $0x9;
	_ =	strace $0x80000048  }
0xb7: {  	_ =	swait.ge [sflag:s29], $0x1  }
0xb8: {  	[sflag:s29] =	ssyncadd.s32 $0xFFFFFFFF  }
0xb9: {  	_ =	strace $0x90000048  }
0xba: {  	_ =	sfence  }
0xbb: {  	s30 =	sld [smem:$0x0];
	_ =	sdelay $0x2  }
0xbc: {  	s31 =	sshll.u32 s1, $0xD;
	s1 =	sshrl.u32 s1, $0x2  }
0xbd: {  	s3 =	sand.u32 $0x4000, s31;
	s1 =	sadd.s32 s1, s30  }
0xbe: {  	s0 =	sor.u32 s3, s0;
	s1 =	sshll.u32 s1, $0x11  }
0xbf: {  	s0 =	sor.u32 s1, s0  }
0xc0: {  	s0 =	sadd.s32 $0x8F2B, s0  }
0xc1: {  	[sflag:s0] =	ssyncadd.remote.s32 $0x1  }
0xc2: {  	_ =	sfence.sel $0xFFFF  }
0xc3: {  	[dreg:$0x0] =	wrdreg $0xFFFFFFFF;
	(pc) =	sbr.abs _section_cstart, $3  }
0xc4: {  	[dreg:$0x1] =	wrdreg $0xFFFFFFFF  }
0xc5: {  	_ =	task.clear_ibuf [dreg:s9], $0x2FFFF;
	_ =	strace $0x9FFFFFFF  }
0xc6: {  	(tm) =	ssettm $0x7FFFFFFF  }
0xc7: {  	_ =	shalt  }
tec
execute0_lowered:
.L_overlay_start_1:
0x0: {  	(tag) =	ssettag $0x1  }
0x1: {  	s1 =	rddreg [dreg:$0x0]  }
0x2: {  	s2 =	rddreg [dreg:$0x1];
	s0 =	srdreg.scid  }
0x3: {  	s4 =	stileid.u32;
	s3 =	rddreg [dreg:$0x2]  }
0x4: {  	s5 =	rddreg [dreg:$0x3];
	s14 =	simm.s32 $0x1AF80;
	s15 =	simm.s32 $0x1D700  }
0x5: {  	s16 =	simm.s32 $0x3;
	s17 =	simm.s32 $0x70;
	s18 =	simm.s32 $0x1E380  }
0x6: {  	s21 =	simm.s32 $0x1EE00;
	s22 =	simm.s32 $0x1E1F0;
	s23 =	simm.s32 $0x1EE70  }
0x7: {  	s24 =	simm.s32 $0x1E260;
	s25 =	simm.s32 $0x1EEE0;
	s28 =	simm.s32 $0x1EF50  }
0x8: {  	s29 =	simm.s32 $0x1;
	s0 =	sand.u32 $0x1, s0;
	s4 =	sshll.u32 s4, $0x1  }
0x9: {  	s30 =	simm.s32 $0x2;
	s31 =	simm.s32 $0x4;
	s6 =	sor.u32 s0, s4  }
0xa: {  	s4 =	simm.s32 $0x0;
	s0 =	ssub.s32 $0x2, s0;
	s7 =	smul.u32 $0x188, s6  }
0xb: {  	[smem:$0x7FF] =	sst s4;
	s9 =	smul.u32 $0x30D40, s6;
	s8 =	sshrl.u32 s0, $0x1  }
0xc: {  	s10 =	smul.u32 $0x3100, s6;
	_ =	strace $0x80000047;
	s0 =	ssub.s32 s0, s8  }
0xd: {  	s11 =	sadd.s32 s7, s5;
	s26 =	sshrl.u32 s9, $0x3;
	s7 =	sadd.s32 s1, s7  }
0xe: {  	s8 =	sadd.s32 $0x4E20, s9;
	s9 =	sadd.s32 $0x7530, s9;
	s10 =	sadd.s32 s3, s10  }
0xf: {  	s12 =	smax.u32 s0, $0x1;
	s3 =	simm.s32 $0x0;
	s5 =	sadd.s32 s1, s26  }
0x10: {  	v0 =	vimm.s32 $0x0;
	v1 =	vimm.s32 $0x1;
	s11 =	sadd.s32 $0x1000, s11;
	s26 =	simm.s32 $0x1E2D0;
	s6 =	sadd.s32 $0x4E2, s5  }
.LBB2_1:
0x11: {  	s0 =	simm.s32 $0x18800  }
0x12: {  	[tilespmem:s0], [sflag:$0x1] =	stream.linear.gather [hbm4b:s5+s4], $0x2710, $0x38;
	[tilespmem:$0x1F000] =	vst v63  }
0x13: {  	_ = 	snop  }
0x14: {  	[tilespmem:s14], [sflag:$0x2] =	stream.linear.gather [hbm4b:s6+s4], $0x2710, $0x38;
	[tilespmem:$0x1F000] =	vst v63  }
0x15: {  	s0 =	simm.s32 $0x200  }
0x16: {  	[tilespmem:s15], [sflag:$0x3] =	stream.linear.gather [hbm4b:s7+s4], $0xC40, $0x38;
	[tilespmem:$0x1F000] =	vst v63  }
0x17: {  	[tilespmem:s0+$0xFFFFFE00] =	vst v0  }
0x18: {  	[tilespmem:s0+$0x1F0] =	vst v0  }
0x19: {  	[tilespmem:s0+$0x1E0] =	vst v0  }
0x1a: {  	[tilespmem:s0+$0x1D0] =	vst v0  }
0x1b: {  	[tilespmem:s0+$0x1C0] =	vst v0  }
0x1c: {  	[tilespmem:s0+$0x1B0] =	vst v0  }
0x1d: {  	[tilespmem:s0+$0x1A0] =	vst v0  }
0x1e: {  	[tilespmem:s0+$0x190] =	vst v0  }
0x1f: {  	[tilespmem:s0+$0x180] =	vst v0  }
0x20: {  	[tilespmem:s0+$0x170] =	vst v0  }
0x21: {  	[tilespmem:s0+$0x160] =	vst v0  }
0x22: {  	[tilespmem:s0+$0x150] =	vst v0  }
0x23: {  	[tilespmem:s0+$0x140] =	vst v0  }
0x24: {  	[tilespmem:s0+$0x130] =	vst v0  }
0x25: {  	[tilespmem:s0+$0x120] =	vst v0  }
0x26: {  	[tilespmem:s0+$0x110] =	vst v0  }
0x27: {  	[tilespmem:s0+$0x100] =	vst v0  }
0x28: {  	[tilespmem:s0+$0xF0] =	vst v0  }
0x29: {  	[tilespmem:s0+$0xE0] =	vst v0  }
0x2a: {  	[tilespmem:s0+$0xD0] =	vst v0  }
0x2b: {  	[tilespmem:s0+$0xC0] =	vst v0  }
0x2c: {  	[tilespmem:s0+$0xB0] =	vst v0  }
0x2d: {  	[tilespmem:s0+$0xA0] =	vst v0  }
0x2e: {  	[tilespmem:s0+$0x90] =	vst v0  }
0x2f: {  	[tilespmem:s0+$0x80] =	vst v0  }
0x30: {  	[tilespmem:s0+$0x70] =	vst v0  }
0x31: {  	[tilespmem:s0+$0x60] =	vst v0  }
0x32: {  	[tilespmem:s0+$0x50] =	vst v0  }
0x33: {  	[tilespmem:s0+$0x40] =	vst v0  }
0x34: {  	[tilespmem:s0+$0x30] =	vst v0  }
0x35: {  	[tilespmem:s0+$0x20] =	vst v0  }
0x36: {  	[tilespmem:s0+$0x10] =	vst v0  }
0x37: {  	[tilespmem:s0+$0x0] =	vst v0  }
0x38: {  	[tilespmem:s0+$0xFFFFFFF0] =	vst v0  }
0x39: {  	[tilespmem:s0+$0xFFFFFFE0] =	vst v0  }
0x3a: {  	[tilespmem:s0+$0xFFFFFFD0] =	vst v0  }
0x3b: {  	[tilespmem:s0+$0xFFFFFFC0] =	vst v0  }
0x3c: {  	[tilespmem:s0+$0xFFFFFFB0] =	vst v0  }
0x3d: {  	[tilespmem:s0+$0xFFFFFFA0] =	vst v0  }
0x3e: {  	[tilespmem:s0+$0xFFFFFF90] =	vst v0  }
0x3f: {  	[tilespmem:s0+$0xFFFFFF80] =	vst v0  }
0x40: {  	[tilespmem:s0+$0xFFFFFF70] =	vst v0  }
0x41: {  	[tilespmem:s0+$0xFFFFFF60] =	vst v0  }
0x42: {  	[tilespmem:s0+$0xFFFFFF50] =	vst v0  }
0x43: {  	[tilespmem:s0+$0xFFFFFF40] =	vst v0  }
0x44: {  	[tilespmem:s0+$0xFFFFFF30] =	vst v0  }
0x45: {  	[tilespmem:s0+$0xFFFFFF20] =	vst v0  }
0x46: {  	[tilespmem:s0+$0xFFFFFF10] =	vst v0  }
0x47: {  	[tilespmem:s0+$0xFFFFFF00] =	vst v0  }
0x48: {  	[tilespmem:s0+$0xFFFFFEF0] =	vst v0  }
0x49: {  	[tilespmem:s0+$0xFFFFFEE0] =	vst v0  }
0x4a: {  	[tilespmem:s0+$0xFFFFFED0] =	vst v0  }
0x4b: {  	[tilespmem:s0+$0xFFFFFEC0] =	vst v0  }
0x4c: {  	[tilespmem:s0+$0xFFFFFEB0] =	vst v0  }
0x4d: {  	[tilespmem:s0+$0xFFFFFEA0] =	vst v0  }
0x4e: {  	[tilespmem:s0+$0xFFFFFE90] =	vst v0  }
0x4f: {  	[tilespmem:s0+$0xFFFFFE80] =	vst v0  }
0x50: {  	[tilespmem:s0+$0xFFFFFE70] =	vst v0  }
0x51: {  	[tilespmem:s0+$0xFFFFFE60] =	vst v0  }
0x52: {  	[tilespmem:s0+$0xFFFFFE50] =	vst v0  }
0x53: {  	[tilespmem:s0+$0xFFFFFE40] =	vst v0  }
0x54: {  	[tilespmem:s0+$0xFFFFFE30] =	vst v0  }
0x55: {  	s13 =	simm.s32 $0x0;
	[tilespmem:s0+$0xFFFFFE20] =	vst v0  }
.LBB2_2:
0x56: {  	s13 =	sadd.s32 $0x8, s13;
	[tilespmem:s0+$0xFFFFFE10] =	vst v0;
	s0 =	sadd.s32 $0x400, s0  }
0x57: {  	[tilespmem:s0+$0xFFFFFE00] =	vst v0;
	p0 =	slt.u32 s13, $0x308  }
0x58: {  	[tilespmem:s0+$0x1F0] =	vst v0  }
0x59: {  	[tilespmem:s0+$0x1E0] =	vst v0  }
0x5a: {  	[tilespmem:s0+$0x1D0] =	vst v0  }
0x5b: {  	[tilespmem:s0+$0x1C0] =	vst v0  }
0x5c: {  	[tilespmem:s0+$0x1B0] =	vst v0  }
0x5d: {  	[tilespmem:s0+$0x1A0] =	vst v0  }
0x5e: {  	[tilespmem:s0+$0x190] =	vst v0  }
0x5f: {  	[tilespmem:s0+$0x180] =	vst v0  }
0x60: {  	[tilespmem:s0+$0x170] =	vst v0  }
0x61: {  	[tilespmem:s0+$0x160] =	vst v0  }
0x62: {  	[tilespmem:s0+$0x150] =	vst v0  }
0x63: {  	[tilespmem:s0+$0x140] =	vst v0  }
0x64: {  	[tilespmem:s0+$0x130] =	vst v0  }
0x65: {  	[tilespmem:s0+$0x120] =	vst v0  }
0x66: {  	[tilespmem:s0+$0x110] =	vst v0  }
0x67: {  	[tilespmem:s0+$0x100] =	vst v0  }
0x68: {  	[tilespmem:s0+$0xF0] =	vst v0  }
0x69: {  	[tilespmem:s0+$0xE0] =	vst v0  }
0x6a: {  	[tilespmem:s0+$0xD0] =	vst v0  }
0x6b: {  	[tilespmem:s0+$0xC0] =	vst v0  }
0x6c: {  	[tilespmem:s0+$0xB0] =	vst v0  }
0x6d: {  	[tilespmem:s0+$0xA0] =	vst v0  }
0x6e: {  	[tilespmem:s0+$0x90] =	vst v0  }
0x6f: {  	[tilespmem:s0+$0x80] =	vst v0  }
0x70: {  	[tilespmem:s0+$0x70] =	vst v0  }
0x71: {  	[tilespmem:s0+$0x60] =	vst v0  }
0x72: {  	[tilespmem:s0+$0x50] =	vst v0  }
0x73: {  	[tilespmem:s0+$0x40] =	vst v0  }
0x74: {  	[tilespmem:s0+$0x30] =	vst v0  }
0x75: {  	[tilespmem:s0+$0x20] =	vst v0  }
0x76: {  	[tilespmem:s0+$0x10] =	vst v0  }
0x77: {  	[tilespmem:s0+$0x0] =	vst v0  }
0x78: {  	[tilespmem:s0+$0xFFFFFFF0] =	vst v0  }
0x79: {  	[tilespmem:s0+$0xFFFFFFE0] =	vst v0  }
0x7a: {  	[tilespmem:s0+$0xFFFFFFD0] =	vst v0  }
0x7b: {  	[tilespmem:s0+$0xFFFFFFC0] =	vst v0  }
0x7c: {  	[tilespmem:s0+$0xFFFFFFB0] =	vst v0  }
0x7d: {  	[tilespmem:s0+$0xFFFFFFA0] =	vst v0  }
0x7e: {  	[tilespmem:s0+$0xFFFFFF90] =	vst v0  }
0x7f: {  	[tilespmem:s0+$0xFFFFFF80] =	vst v0  }
0x80: {  	[tilespmem:s0+$0xFFFFFF70] =	vst v0  }
0x81: {  	[tilespmem:s0+$0xFFFFFF60] =	vst v0  }
0x82: {  	[tilespmem:s0+$0xFFFFFF50] =	vst v0  }
0x83: {  	[tilespmem:s0+$0xFFFFFF40] =	vst v0  }
0x84: {  	[tilespmem:s0+$0xFFFFFF30] =	vst v0  }
0x85: {  	[tilespmem:s0+$0xFFFFFF20] =	vst v0  }
0x86: {  	[tilespmem:s0+$0xFFFFFF10] =	vst v0  }
0x87: {  	[tilespmem:s0+$0xFFFFFF00] =	vst v0  }
0x88: {  	[tilespmem:s0+$0xFFFFFEF0] =	vst v0  }
0x89: {  	[tilespmem:s0+$0xFFFFFEE0] =	vst v0  }
0x8a: {  	[tilespmem:s0+$0xFFFFFED0] =	vst v0  }
0x8b: {  	[tilespmem:s0+$0xFFFFFEC0] =	vst v0  }
0x8c: {  	[tilespmem:s0+$0xFFFFFEB0] =	vst v0  }
0x8d: {  	[tilespmem:s0+$0xFFFFFEA0] =	vst v0  }
0x8e: {  	[tilespmem:s0+$0xFFFFFE90] =	vst v0  }
0x8f: {  	[tilespmem:s0+$0xFFFFFE80] =	vst v0  }
0x90: {  	[tilespmem:s0+$0xFFFFFE70] =	vst v0  }
.Ltmp0:
0x91: {  	[tilespmem:s0+$0xFFFFFE60] =	vst v0;
	(pc) =	sbr.rel @p0 .LBB2_2-.Ltmp0, $4  }
0x92: {  	[tilespmem:s0+$0xFFFFFE50] =	vst v0  }
0x93: {  	[tilespmem:s0+$0xFFFFFE40] =	vst v0  }
0x94: {  	[tilespmem:s0+$0xFFFFFE30] =	vst v0  }
0x95: {  	[tilespmem:s0+$0xFFFFFE20] =	vst v0  }
0x96: {  	[tilespmem:s0+$0xFFFFFE10] =	vst v0  }
0x97: {  	_ =	swait.ge [sflag:s16], $0xC40  }
0x98: {  	[sflag:s16] =	ssyncset.done $0x0  }
0x99: {  	[sflag:s16] =	ssyncadd.s32 $0xFFFFF3C0  }
0x9a: {  	[tilespmem:s18], [sflag:$0x3] =	stream.indirect.gather [hbm4b:s2+s17], $0x1, s15, s17, $0xb8;
	[tilespmem:$0x1F000] =	vst v63  }
0x9b: {  	s20 =	simm.s32 $0x1D770;
	s13 =	simm.s32 $0x1E3F0  }
0x9c: {  	[tilespmem:s13], [sflag:$0x3] =	stream.indirect.gather [hbm4b:s2+s17], $0x1, s20, s17, $0xb8;
	[tilespmem:$0x1F000] =	vst v63  }
0x9d: {  	s19 =	simm.s32 $0x1D7E0;
	s20 =	simm.s32 $0x1E460  }
0x9e: {  	[tilespmem:s20], [sflag:$0x3] =	stream.indirect.gather [hbm4b:s2+s17], $0x1, s19, s17, $0xb8;
	[tilespmem:$0x1F000] =	vst v63  }
0x9f: {  	s19 =	simm.s32 $0x1D850;
	s20 =	simm.s32 $0x1E4D0  }
0xa0: {  	[tilespmem:s20], [sflag:$0x3] =	stream.indirect.gather [hbm4b:s2+s17], $0x1, s19, s17, $0xb8;
	[tilespmem:$0x1F000] =	vst v63  }
0xa1: {  	s19 =	simm.s32 $0x1D8C0;
	s20 =	simm.s32 $0x1E540  }
0xa2: {  	[tilespmem:s20], [sflag:$0x3] =	stream.indirect.gather [hbm4b:s2+s17], $0x1, s19, s17, $0xb8;
	[tilespmem:$0x1F000] =	vst v63  }
0xa3: {  	s19 =	simm.s32 $0x1D930;
	s20 =	simm.s32 $0x1E5B0  }
0xa4: {  	[tilespmem:s20], [sflag:$0x3] =	stream.indirect.gather [hbm4b:s2+s17], $0x1, s19, s17, $0xb8;
	[tilespmem:$0x1F000] =	vst v63  }
0xa5: {  	s19 =	simm.s32 $0x1D9A0;
	s20 =	simm.s32 $0x1E620  }
0xa6: {  	[tilespmem:s20], [sflag:$0x3] =	stream.indirect.gather [hbm4b:s2+s17], $0x1, s19, s17, $0xb8;
	[tilespmem:$0x1F000] =	vst v63  }
0xa7: {  	s19 =	simm.s32 $0x1DA10;
	s20 =	simm.s32 $0x1E690  }
0xa8: {  	[tilespmem:s20], [sflag:$0x3] =	stream.indirect.gather [hbm4b:s2+s17], $0x1, s19, s17, $0xb8;
	[tilespmem:$0x1F000] =	vst v63  }
0xa9: {  	s19 =	simm.s32 $0x1DA80;
	s20 =	simm.s32 $0x1E700  }
0xaa: {  	[tilespmem:s20], [sflag:$0x3] =	stream.indirect.gather [hbm4b:s2+s17], $0x1, s19, s17, $0xb8;
	[tilespmem:$0x1F000] =	vst v63  }
0xab: {  	s19 =	simm.s32 $0x1DAF0;
	s20 =	simm.s32 $0x1E770  }
0xac: {  	[tilespmem:s20], [sflag:$0x3] =	stream.indirect.gather [hbm4b:s2+s17], $0x1, s19, s17, $0xb8;
	[tilespmem:$0x1F000] =	vst v63  }
0xad: {  	s19 =	simm.s32 $0x1DB60;
	s20 =	simm.s32 $0x1E7E0  }
0xae: {  	[tilespmem:s20], [sflag:$0x3] =	stream.indirect.gather [hbm4b:s2+s17], $0x1, s19, s17, $0xb8;
	[tilespmem:$0x1F000] =	vst v63  }
0xaf: {  	s19 =	simm.s32 $0x1DBD0;
	s20 =	simm.s32 $0x1E850  }
0xb0: {  	[tilespmem:s20], [sflag:$0x3] =	stream.indirect.gather [hbm4b:s2+s17], $0x1, s19, s17, $0xb8;
	[tilespmem:$0x1F000] =	vst v63  }
0xb1: {  	s19 =	simm.s32 $0x1DC40;
	s20 =	simm.s32 $0x1E8C0  }
0xb2: {  	[tilespmem:s20], [sflag:$0x3] =	stream.indirect.gather [hbm4b:s2+s17], $0x1, s19, s17, $0xb8;
	[tilespmem:$0x1F000] =	vst v63  }
0xb3: {  	s19 =	simm.s32 $0x1DCB0;
	s20 =	simm.s32 $0x1E930  }
0xb4: {  	[tilespmem:s20], [sflag:$0x3] =	stream.indirect.gather [hbm4b:s2+s17], $0x1, s19, s17, $0xb8;
	[tilespmem:$0x1F000] =	vst v63  }
0xb5: {  	s19 =	simm.s32 $0x1DD20;
	s20 =	simm.s32 $0x1E9A0  }
0xb6: {  	[tilespmem:s20], [sflag:$0x3] =	stream.indirect.gather [hbm4b:s2+s17], $0x1, s19, s17, $0xb8;
	[tilespmem:$0x1F000] =	vst v63  }
0xb7: {  	s19 =	simm.s32 $0x1DD90;
	s20 =	simm.s32 $0x1EA10  }
0xb8: {  	[tilespmem:s20], [sflag:$0x3] =	stream.indirect.gather [hbm4b:s2+s17], $0x1, s19, s17, $0xb8;
	[tilespmem:$0x1F000] =	vst v63  }
0xb9: {  	s19 =	simm.s32 $0x1DE00;
	s20 =	simm.s32 $0x1EA80  }
0xba: {  	[tilespmem:s20], [sflag:$0x3] =	stream.indirect.gather [hbm4b:s2+s17], $0x1, s19, s17, $0xb8;
	[tilespmem:$0x1F000] =	vst v63  }
0xbb: {  	s19 =	simm.s32 $0x1DE70;
	s20 =	simm.s32 $0x1EAF0  }
0xbc: {  	[tilespmem:s20], [sflag:$0x3] =	stream.indirect.gather [hbm4b:s2+s17], $0x1, s19, s17, $0xb8;
	[tilespmem:$0x1F000] =	vst v63  }
0xbd: {  	s19 =	simm.s32 $0x1DEE0;
	s20 =	simm.s32 $0x1EB60  }
0xbe: {  	[tilespmem:s20], [sflag:$0x3] =	stream.indirect.gather [hbm4b:s2+s17], $0x1, s19, s17, $0xb8;
	[tilespmem:$0x1F000] =	vst v63  }
0xbf: {  	s19 =	simm.s32 $0x1DF50;
	s20 =	simm.s32 $0x1EBD0  }
0xc0: {  	[tilespmem:s20], [sflag:$0x3] =	stream.indirect.gather [hbm4b:s2+s17], $0x1, s19, s17, $0xb8;
	[tilespmem:$0x1F000] =	vst v63  }
0xc1: {  	s19 =	simm.s32 $0x1DFC0;
	s20 =	simm.s32 $0x1EC40  }
0xc2: {  	[tilespmem:s20], [sflag:$0x3] =	stream.indirect.gather [hbm4b:s2+s17], $0x1, s19, s17, $0xb8;
	[tilespmem:$0x1F000] =	vst v63  }
0xc3: {  	s19 =	simm.s32 $0x1E030;
	s20 =	simm.s32 $0x1ECB0  }
0xc4: {  	[tilespmem:s20], [sflag:$0x3] =	stream.indirect.gather [hbm4b:s2+s17], $0x1, s19, s17, $0xb8;
	[tilespmem:$0x1F000] =	vst v63  }
0xc5: {  	s19 =	simm.s32 $0x1E0A0;
	s20 =	simm.s32 $0x1ED20  }
0xc6: {  	[tilespmem:s20], [sflag:$0x3] =	stream.indirect.gather [hbm4b:s2+s17], $0x1, s19, s17, $0xb8;
	[tilespmem:$0x1F000] =	vst v63  }
0xc7: {  	s13 =	simm.s32 $0x1E110;
	s19 =	simm.s32 $0x1ED90  }
0xc8: {  	[tilespmem:s19], [sflag:$0x3] =	stream.indirect.gather [hbm4b:s2+s17], $0x1, s13, s17, $0xb8;
	[tilespmem:$0x1F000] =	vst v63  }
0xc9: {  	s20 =	simm.s32 $0x1E180  }
0xca: {  	[tilespmem:s21], [sflag:$0x3] =	stream.indirect.gather [hbm4b:s2+s17], $0x1, s20, s17, $0xb8;
	[tilespmem:$0x1F000] =	vst v63  }
0xcb: {  	_ = 	snop  }
0xcc: {  	[tilespmem:s23], [sflag:$0x3] =	stream.indirect.gather [hbm4b:s2+s17], $0x1, s22, s17, $0xb8;
	[tilespmem:$0x1F000] =	vst v63  }
0xcd: {  	_ = 	snop  }
0xce: {  	[tilespmem:s25], [sflag:$0x3] =	stream.indirect.gather [hbm4b:s2+s17], $0x1, s24, s17, $0xb8;
	[tilespmem:$0x1F000] =	vst v63  }
0xcf: {  	s0 =	simm.s32 $0x0  }
0xd0: {  	[tilespmem:s28], [sflag:$0x3] =	stream.indirect.gather [hbm4b:s2+s17], $0x1, s26, s17, $0xb8;
	[tilespmem:$0x1F000] =	vst v63  }
.LBB2_4:
0xd1: {  	_ =	swait.ge [sflag:s29], $0x2710  }
0xd2: {  	[sflag:s29] =	ssyncset.done $0x0  }
0xd3: {  	s19 =	simm.s32 $0x18820;
	[sflag:s29] =	ssyncadd.s32 $0xFFFFD8F0  }
0xd4: {  	v6 =	vld [tilespmem:s19+$0x20]  }
0xd5: {  	v4 =	vld [tilespmem:s19+$0xFFFFFFF0]  }
0xd6: {  	v5 =	vld [tilespmem:s19+$0x0]  }
0xd7: {  	v2 =	vld [tilespmem:s19+$0x10]  }
0xd8: {  	v3 =	vld [tilespmem:s19+$0xFFFFFFE0];
	_ =	sdelay $0x2  }
0xd9: {  	s13 =	simm.s32 $0x0;
	s19 =	simm.s32 $0x18870  }
.LBB2_5:
0xda: {  	s13 =	sadd.s32 $0x5, s13;
	[tilespmem:v6+s4+$0x0] =	vst.idx.msk $0xffff, v1;
	v6 =	vld [tilespmem:s19+$0x20]  }
0xdb: {  	p0 =	slt.u32 s13, $0x26C;
	[tilespmem:v4+s4+$0x0] =	vst.idx.msk $0xffff, v1;
	v4 =	vld [tilespmem:s19+$0xFFFFFFF0]  }
0xdc: {  	[tilespmem:v5+s4+$0x0] =	vst.idx.msk $0xffff, v1;
	v5 =	vld [tilespmem:s19+$0x0]  }
.Ltmp1:
0xdd: {  	[tilespmem:v2+s4+$0x0] =	vst.idx.msk $0xffff, v1;
	v2 =	vld [tilespmem:s19+$0x10];
	(pc) =	sbr.rel @p0 .LBB2_5-.Ltmp1, $2  }
0xde: {  	[tilespmem:v3+s4+$0x0] =	vst.idx.msk $0xffff, v1;
	v3 =	vld [tilespmem:s19+$0xFFFFFFE0];
	_ =	sdelay $0x2  }
0xdf: {  	s19 =	sadd.s32 $0x50, s19  }
0xe0: {  	_ =	sdelay $0x2  }
0xe1: {  	p0 =	seq.s32 s0, $0x9  }
0xe2: {  	[tilespmem:v6+s4+$0x0] =	vst.idx.msk $0xffff, v1;
	s13 =	smul.u32 @!p0 $0x4E20, s0  }
0xe3: {  	[tilespmem:v4+s4+$0x0] =	vst.idx.msk $0xffff, v1  }
0xe4: {  	[tilespmem:v5+s4+$0x0] =	vst.idx.msk $0xffff, v1;
	s13 =	sadd.s32 @!p0 s13, s8  }
0xe5: {  	[tilespmem:v2+s4+$0x0] =	vst.idx.msk $0xffff, v1;
	s13 =	sshrl.u32 @!p0 s13, $0x3  }
0xe6: {  	[tilespmem:v3+s4+$0x0] =	vst.idx.msk $0xffff, v1;
	s19 =	simm.s32 @!p0 $0x0;
	s20 =	simm.s32 @!p0 $0x18800;
	s13 =	sadd.s32 @!p0 s1, s13  }
0xe7: {  	[tilespmem:s20], [sflag:$0x1] =	stream.linear.gather @!p0 [hbm4b:s13+s19], $0x2710, $0x38;
	[tilespmem:$0x1F000] =	vst v63  }
0xe8: {  	_ =	swait.ge [sflag:s30], $0x2710  }
0xe9: {  	[sflag:s30] =	ssyncset.done $0x0  }
0xea: {  	s20 =	simm.s32 $0x1AFA0;
	[sflag:s30] =	ssyncadd.s32 $0xFFFFD8F0  }
0xeb: {  	v2 =	vld [tilespmem:s20+$0x20]  }
0xec: {  	v3 =	vld [tilespmem:s20+$0xFFFFFFF0]  }
0xed: {  	v4 =	vld [tilespmem:s20+$0x0]  }
0xee: {  	v5 =	vld [tilespmem:s20+$0x10]  }
0xef: {  	v6 =	vld [tilespmem:s20+$0xFFFFFFE0];
	_ =	sdelay $0x2  }
0xf0: {  	s13 =	simm.s32 $0x0;
	s19 =	simm.s32 $0x1AFF0  }
.LBB2_7:
0xf1: {  	s13 =	sadd.s32 $0x5, s13;
	[tilespmem:v2+s4+$0x0] =	vst.idx.msk $0xffff, v1;
	v2 =	vld [tilespmem:s19+$0x20]  }
0xf2: {  	p1 =	slt.u32 s13, $0x26C;
	[tilespmem:v3+s4+$0x0] =	vst.idx.msk $0xffff, v1;
	v3 =	vld [tilespmem:s19+$0xFFFFFFF0]  }
0xf3: {  	[tilespmem:v4+s4+$0x0] =	vst.idx.msk $0xffff, v1;
	v4 =	vld [tilespmem:s19+$0x0]  }
.Ltmp2:
0xf4: {  	[tilespmem:v5+s4+$0x0] =	vst.idx.msk $0xffff, v1;
	v5 =	vld [tilespmem:s19+$0x10];
	(pc) =	sbr.rel @p1 .LBB2_7-.Ltmp2, $2  }
0xf5: {  	[tilespmem:v6+s4+$0x0] =	vst.idx.msk $0xffff, v1;
	v6 =	vld [tilespmem:s19+$0xFFFFFFE0];
	_ =	sdelay $0x2  }
0xf6: {  	s19 =	sadd.s32 $0x50, s19  }
0xf7: {  	_ =	sdelay $0x3  }
.Ltmp3:
0xf8: {  	[tilespmem:v2+s4+$0x0] =	vst.idx.msk $0xffff, v1;
	(pc) =	sbr.rel @p0 .LBB2_10-.Ltmp3, $4  }
0xf9: {  	[tilespmem:v3+s4+$0x0] =	vst.idx.msk $0xffff, v1  }
0xfa: {  	[tilespmem:v4+s4+$0x0] =	vst.idx.msk $0xffff, v1  }
0xfb: {  	[tilespmem:v5+s4+$0x0] =	vst.idx.msk $0xffff, v1  }
0xfc: {  	[tilespmem:v6+s4+$0x0] =	vst.idx.msk $0xffff, v1  }
0xfd: {  	s13 =	smul.u32 $0x4E20, s0  }
.Ltmp4:
0xfe: {  	_ = 	snop;
	(pc) =	sbr.rel .LBB2_4-.Ltmp4, $4  }
0xff: {  	s13 =	sadd.s32 s13, s9  }
0x100: {  	s13 =	sshrl.u32 s13, $0x3  }
0x101: {  	s0 =	sadd.s32 $0x1, s0;
	s13 =	sadd.s32 s1, s13  }
0x102: {  	[tilespmem:s14], [sflag:$0x2] =	stream.linear.gather [hbm4b:s13+s4], $0x2710, $0x38;
	[tilespmem:$0x1F000] =	vst v63  }
.LBB2_10:
0x103: {  	[hbm4b:s10+s4] =	stream.linear.scatter [tilespmem:s4], [sflag:$0x1], $0x18800, $0x38;
	[tilespmem:$0x1F000] =	vst v63  }
0x104: {  	_ =	swait.ge [sflag:s16], $0x70  }
0x105: {  	[sflag:s16] =	ssyncset.done $0x0  }
0x106: {  	[sflag:s16] =	ssyncadd.s32 $0xFFFFFF90  }
0x107: {  	_ =	swait.ge [sflag:s16], $0x70  }
0x108: {  	[sflag:s16] =	ssyncset.done $0x0  }
0x109: {  	[sflag:s16] =	ssyncadd.s32 $0xFFFFFF90  }
0x10a: {  	_ =	swait.ge [sflag:s16], $0x70  }
0x10b: {  	[sflag:s16] =	ssyncset.done $0x0  }
0x10c: {  	[sflag:s16] =	ssyncadd.s32 $0xFFFFFF90  }
0x10d: {  	_ =	swait.ge [sflag:s16], $0x70  }
0x10e: {  	[sflag:s16] =	ssyncset.done $0x0  }
0x10f: {  	[sflag:s16] =	ssyncadd.s32 $0xFFFFFF90  }
0x110: {  	_ =	swait.ge [sflag:s16], $0x70  }
0x111: {  	[sflag:s16] =	ssyncset.done $0x0  }
0x112: {  	[sflag:s16] =	ssyncadd.s32 $0xFFFFFF90  }
0x113: {  	_ =	swait.ge [sflag:s16], $0x70  }
0x114: {  	[sflag:s16] =	ssyncset.done $0x0  }
0x115: {  	[sflag:s16] =	ssyncadd.s32 $0xFFFFFF90  }
0x116: {  	_ =	swait.ge [sflag:s16], $0x70  }
0x117: {  	[sflag:s16] =	ssyncset.done $0x0  }
0x118: {  	[sflag:s16] =	ssyncadd.s32 $0xFFFFFF90  }
0x119: {  	_ =	swait.ge [sflag:s16], $0x70  }
0x11a: {  	[sflag:s16] =	ssyncset.done $0x0  }
0x11b: {  	[sflag:s16] =	ssyncadd.s32 $0xFFFFFF90  }
0x11c: {  	_ =	swait.ge [sflag:s16], $0x70  }
0x11d: {  	[sflag:s16] =	ssyncset.done $0x0  }
0x11e: {  	[sflag:s16] =	ssyncadd.s32 $0xFFFFFF90  }
0x11f: {  	_ =	swait.ge [sflag:s16], $0x70  }
0x120: {  	[sflag:s16] =	ssyncset.done $0x0  }
0x121: {  	[sflag:s16] =	ssyncadd.s32 $0xFFFFFF90  }
0x122: {  	_ =	swait.ge [sflag:s16], $0x70  }
0x123: {  	[sflag:s16] =	ssyncset.done $0x0  }
0x124: {  	[sflag:s16] =	ssyncadd.s32 $0xFFFFFF90  }
0x125: {  	_ =	swait.ge [sflag:s16], $0x70  }
0x126: {  	[sflag:s16] =	ssyncset.done $0x0  }
0x127: {  	[sflag:s16] =	ssyncadd.s32 $0xFFFFFF90  }
0x128: {  	_ =	swait.ge [sflag:s16], $0x70  }
0x129: {  	[sflag:s16] =	ssyncset.done $0x0  }
0x12a: {  	[sflag:s16] =	ssyncadd.s32 $0xFFFFFF90  }
0x12b: {  	_ =	swait.ge [sflag:s16], $0x70  }
0x12c: {  	[sflag:s16] =	ssyncset.done $0x0  }
0x12d: {  	[sflag:s16] =	ssyncadd.s32 $0xFFFFFF90  }
0x12e: {  	_ =	swait.ge [sflag:s16], $0x70  }
0x12f: {  	[sflag:s16] =	ssyncset.done $0x0  }
0x130: {  	[sflag:s16] =	ssyncadd.s32 $0xFFFFFF90  }
0x131: {  	_ =	swait.ge [sflag:s16], $0x70  }
0x132: {  	[sflag:s16] =	ssyncset.done $0x0  }
0x133: {  	[sflag:s16] =	ssyncadd.s32 $0xFFFFFF90  }
0x134: {  	_ =	swait.ge [sflag:s16], $0x70  }
0x135: {  	[sflag:s16] =	ssyncset.done $0x0  }
0x136: {  	[sflag:s16] =	ssyncadd.s32 $0xFFFFFF90  }
0x137: {  	_ =	swait.ge [sflag:s16], $0x70  }
0x138: {  	[sflag:s16] =	ssyncset.done $0x0  }
0x139: {  	[sflag:s16] =	ssyncadd.s32 $0xFFFFFF90  }
0x13a: {  	_ =	swait.ge [sflag:s16], $0x70  }
0x13b: {  	[sflag:s16] =	ssyncset.done $0x0  }
0x13c: {  	[sflag:s16] =	ssyncadd.s32 $0xFFFFFF90  }
0x13d: {  	_ =	swait.ge [sflag:s16], $0x70  }
0x13e: {  	[sflag:s16] =	ssyncset.done $0x0  }
0x13f: {  	[sflag:s16] =	ssyncadd.s32 $0xFFFFFF90  }
0x140: {  	_ =	swait.ge [sflag:s16], $0x70  }
0x141: {  	[sflag:s16] =	ssyncset.done $0x0  }
0x142: {  	[sflag:s16] =	ssyncadd.s32 $0xFFFFFF90  }
0x143: {  	_ =	swait.ge [sflag:s16], $0x70  }
0x144: {  	[sflag:s16] =	ssyncset.done $0x0  }
0x145: {  	[sflag:s16] =	ssyncadd.s32 $0xFFFFFF90  }
0x146: {  	_ =	swait.ge [sflag:s16], $0x70  }
0x147: {  	[sflag:s16] =	ssyncset.done $0x0  }
0x148: {  	[sflag:s16] =	ssyncadd.s32 $0xFFFFFF90  }
0x149: {  	_ =	swait.ge [sflag:s16], $0x70  }
0x14a: {  	[sflag:s16] =	ssyncset.done $0x0  }
0x14b: {  	[sflag:s16] =	ssyncadd.s32 $0xFFFFFF90  }
0x14c: {  	_ =	swait.ge [sflag:s16], $0x70  }
0x14d: {  	[sflag:s16] =	ssyncset.done $0x0  }
0x14e: {  	[sflag:s16] =	ssyncadd.s32 $0xFFFFFF90  }
0x14f: {  	_ =	swait.ge [sflag:s16], $0x70  }
0x150: {  	[sflag:s16] =	ssyncset.done $0x0  }
0x151: {  	[sflag:s16] =	ssyncadd.s32 $0xFFFFFF90  }
0x152: {  	_ =	swait.ge [sflag:s16], $0x70  }
0x153: {  	[sflag:s16] =	ssyncset.done $0x0  }
0x154: {  	[sflag:s16] =	ssyncadd.s32 $0xFFFFFF90  }
0x155: {  	_ =	swait.ge [sflag:s16], $0x70  }
0x156: {  	[sflag:s16] =	ssyncset.done $0x0  }
0x157: {  	s13 =	simm.s32 $0x1E3A0;
	[sflag:s16] =	ssyncadd.s32 $0xFFFFFF90  }
0x158: {  	v2 =	vld [tilespmem:s13+$0xFFFFFFE0]  }
0x159: {  	v4 =	vld [tilespmem:s13+$0x10]  }
0x15a: {  	v5 =	vld [tilespmem:s13+$0x0];
	_ =	sdelay $0x1  }
0x15b: {  	v6 =	vld [tilespmem:s13+$0xFFFFFFF0]  }
0x15c: {  	s0 =	simm.s32 $0x1E3E0;
	v7 =	vcvt.s32.f32 v2  }
0x15d: {  	v3 =	vld [tilespmem:s0+$0xFFFFFFE0];
	v8 =	vcvt.s32.f32 v4  }
0x15e: {  	v2 =	vld [tilespmem:s0+$0x10];
	[tilespmem:s13+$0xFFFFFFE0] =	vst v7;
	v7 =	vcvt.s32.f32 v5  }
0x15f: {  	v4 =	vld [tilespmem:s0+$0x0];
	[tilespmem:s13+$0x10] =	vst v8  }
0x160: {  	s19 =	simm.s32 $0x4;
	v6 =	vcvt.s32.f32 v6;
	v5 =	vld [tilespmem:s0+$0xFFFFFFF0];
	[tilespmem:s13+$0x0] =	vst v7  }
.LBB2_11:
0x161: {  	s19 =	sadd.s32 $0x4, s19  }
0x162: {  	[tilespmem:s13+$0xFFFFFFF0] =	vst v6;
	s13 =	smov.u32 s0;
	p0 =	slt.u32 s19, $0xC0  }
.Ltmp5:
0x163: {  	s0 =	sadd.s32 $0x40, s0;
	v6 =	vcvt.s32.f32 v3;
	(pc) =	sbr.rel @p0 .LBB2_11-.Ltmp5, $4  }
0x164: {  	v3 =	vld [tilespmem:s0+$0xFFFFFFE0];
	v7 =	vcvt.s32.f32 v2  }
0x165: {  	v2 =	vld [tilespmem:s0+$0x10];
	[tilespmem:s13+$0xFFFFFFE0] =	vst v6;
	v8 =	vcvt.s32.f32 v4  }
0x166: {  	v4 =	vld [tilespmem:s0+$0x0];
	v6 =	vcvt.s32.f32 v5;
	[tilespmem:s13+$0x10] =	vst v7  }
0x167: {  	v5 =	vld [tilespmem:s0+$0xFFFFFFF0];
	[tilespmem:s13+$0x0] =	vst v8  }
0x168: {  	_ = 	snop  }
0x169: {  	v3 =	vcvt.s32.f32 v3  }
0x16a: {  	[tilespmem:s13+$0xFFFFFFF0] =	vst v6;
	v2 =	vcvt.s32.f32 v2  }
0x16b: {  	[tilespmem:s0+$0xFFFFFFE0] =	vst v3;
	v3 =	vcvt.s32.f32 v4  }
0x16c: {  	v63 =	vcvt.s32.f32 v5;
	[tilespmem:s0+$0x10] =	vst v2  }
0x16d: {  	[tilespmem:s0+$0x0] =	vst v3  }
0x16e: {  	s3 =	sadd.s32 $0x1, s3;
	[tilespmem:s0+$0xFFFFFFF0] =	vst v63  }
0x16f: {  	[hbm4b:s11+s4] =	stream.linear.scatter [tilespmem:s18], [sflag:$0x4], $0xC40, $0x38;
	[tilespmem:$0x1F000] =	vst v63  }
0x170: {  	p0 =	sne.s32 s3, s12;
	_ =	swait.ge [sflag:s31], $0xC40  }
.Ltmp6:
0x171: {  	[sflag:s31] =	ssyncset.done $0x0;
	(pc) =	sbr.rel @p0 .LBB2_1-.Ltmp6, $4  }
0x172: {  	[sflag:s31] =	ssyncadd.s32 $0xFFFFF3C0  }
0x173: {  	_ =	swait.ge [sflag:s29], $0x18800  }
0x174: {  	[sflag:s29] =	ssyncset.done $0x0  }
0x175: {  	[sflag:s29] =	ssyncadd.s32 $0xFFFE7800  }
0x176: {  	_ =	sfence.sel $0x180000  }
0x177: {  	[bflag:$0x0] =	sbarrier.arrive $0xFFFF  }
0x178: {  	_ =	strace $0x90000047  }
0x179: {  	s0 =	stileid.u32;
	[bflag:$0x2] =	sbarrier.arrive $0xFFFF  }
0x17a: {  	p0 =	sne.s32 s0, $0x0;
	s0 =	rddreg [dreg:$0x4]  }
0x17b: {  	s0 =	sadd.s32 @!p0 $0x100000, s0  }
0x17c: {  	[sflag:s0] =	ssyncadd.tile.s32 @!p0 $0x1;
	_ =	shalt  }
.Lfunc_end2:
_tile_overlayer_lowered:
.L_overlay_start_2:
0x17d: {  	(tag) =	ssettag $0x2  }
0x17e: {  	s0 =	rddreg [dreg:$0x0];
	s2 =	stileid.u32  }
0x17f: {  	s1 =	rddreg [dreg:$0x1];
	p0 =	sne.s32 s2, $0x0  }
0x180: {  	s3 =	rddreg [dreg:$0x2];
	[bflag:$0x3] =	sbarrier.arrive $0xFFFF;
	s2 =	simm.s32 @!p0 $0x1C04  }
0x181: {  	[timem:s3], [sflag:s2] =	dma.local @!p0 [hbm:s0], s1  }
0x182: {  	s0 =	simm.s32 @!p0 $0x4  }
0x183: {  	_ =	swait.ge @!p0 [sflag:s0], s1  }
0x184: {  	s1 =	ssub.s32 @!p0 $0x0, s1;
	[sflag:s0] =	ssyncset.done @!p0 $0x0  }
0x185: {  	[sflag:s0] =	ssyncadd.s32 @!p0 s1  }
0x186: {  	[bflag:$0x3] =	sbarrier.arrive $0xFFFF  }
0x187: {  	_ =	shalt  }

// kernel: kernel.8.cloned.1.call-start
scs
__scs_entry_jumppad:
0x0: {  	(pc) =	sbr.rel $0x88, $3  }
0x1: {  	(tag) =	ssettag $0x0;
	lr =	simm.s32 $0x1  }
0x2: {  	[smem:$0x3F9E] =	sst lr;
	_ =	strace $0xD0000000  }
0x3: {  	_ = 	snop  }
0x4: {  	_ = 	snop  }
0x5: {  	_ = 	snop  }
0x6: {  	_ = 	snop  }
0x7: {  	_ = 	snop  }
__scs_overlays_trampoline_lowered:
0x8: {  	[smem:$0x3FAD] =	sst s0  }
0x9: {  	[smem:$0x3FAE] =	sst s1  }
0xa: {  	[smem:$0x3FAF] =	sst s2  }
0xb: {  	[smem:$0x3FB0] =	sst s3  }
0xc: {  	[smem:$0x3FB1] =	sst s4  }
0xd: {  	[smem:$0x3FB2] =	sst s5  }
0xe: {  	[smem:$0x3FB3] =	sst s6  }
0xf: {  	[smem:$0x3FB4] =	sst s7  }
0x10: {  	[smem:$0x3FB5] =	sst s8  }
0x11: {  	[smem:$0x3FB6] =	sst s9;
	s0 =	simm.s32 @!p0 $0x0  }
0x12: {  	s1 =	sld [smem:$0x3F9C];
	s0 =	simm.s32 @p0 $0x1  }
0x13: {  	[smem:$0x3FB7] =	sst s0;
	s0 =	simm.s32 @!p1 $0x0  }
0x14: {  	s2 =	sld [smem:$0x3F9B];
	s0 =	simm.s32 @p1 $0x1  }
0x15: {  	[smem:$0x3FB8] =	sst s0;
	s0 =	simm.s32 @!p2 $0x0  }
0x16: {  	s3 =	sld [smem:$0x3FDB];
	s0 =	simm.s32 @p2 $0x1  }
0x17: {  	s4 =	simm.s32 $0x1BF5;
	[smem:$0x3FBA] =	sst s0  }
0x18: {  	s0 =	sld [smem:$0x3F9D];
	_ =	swait.ge [sflag:s4], $0x0  }
0x19: {  	s7 =	sld [smem:$0x3F9E]  }
0x1a: {  	s8 =	sadd.s32 $0xFFFFE003, lr  }
0x1b: {  	s9 =	sadd.s32 $0xFFFFFEF7, lr;
	s5 =	simm.s32 $0xFFFFFFFF;
	p2 =	slt.u32 s8, $0xFFFFF086  }
0x1c: {  	p1 =	slt.u32 s9, $0xF7A;
	s5 =	simm.s32 @!p2 $0x0  }
0x1d: {  	s5 =	simm.s32 @p1 $0x1;
	p0 =	seq.s32 s7, s2  }
0x1e: {  	s7 =	smul.u32 @!p0 $0xF7A, s2;
	p2 =	seq.s32 @!p0 s5, $0x0  }
0x1f: {  	s9 =	smul.u32 $0xF7A, s1;
	s8 =	simm.s32 @!p0 $0x1BF5;
	p2 =	por !p2, p0  }
0x20: {  	[sflag:s8] =	ssyncset.s32 @!p0 $0xFFFFF086;
	s6 =	sadd.s32 @!p0 s3, s7;
	s7 =	simm.s32 @!p0 $0x108  }
0x21: {  	s3 =	sadd.s32 s3, s9;
	s6 =	sadd.s32 @!p0 $0x88, s6;
	s7 =	simm.s32 @p2 $0x1082  }
0x22: {  	[simem:s7], [sflag:s8] =	dma.local @!p0 [hbm:s6], $0xF7A  }
0x23: {  	s9 =	sor.u32 $0xD0000000, s2;
	s6 =	simm.s32 $0x108;
	_ =	swait.ge @!p0 [sflag:s8], $0x0  }
0x24: {  	s3 =	sadd.s32 $0x88, s3;
	s6 =	simm.s32 @!p1 $0x1082;
	[sflag:s4] =	ssyncset.s32 $0xFFFFF086  }
0x25: {  	[simem:s6], [sflag:s4] =	dma.local [hbm:s3], $0xF7A  }
0x26: {  	[smem:$0x3F9E] =	sst s1;
	(tag) =	ssettag s2;
	_ =	strace s9  }
0x27: {  	s1 =	sld [smem:$0x3FAE]  }
0x28: {  	s2 =	sld [smem:$0x3FAF]  }
0x29: {  	s4 =	sld [smem:$0x3FB1]  }
0x2a: {  	p0 =	seq.s32 s5, $0x0;
	s5 =	sld [smem:$0x3FB2]  }
0x2b: {  	s6 =	sld [smem:$0x3FB3]  }
0x2c: {  	s7 =	sld [smem:$0x3FB4]  }
0x2d: {  	s3 =	simm.s32 $0x108;
	s8 =	sld [smem:$0x3FB5]  }
0x2e: {  	s3 =	simm.s32 @!p0 $0x1082;
	s9 =	sld [smem:$0x3FB6]  }
0x2f: {  	lr =	sadd.s32 s0, s3;
	s0 =	sld [smem:$0x3FAD]  }
0x30: {  	s3 =	sld [smem:$0x3FB0]  }
0x31: {  	[smem:$0x3FB9] =	sst s10  }
0x32: {  	s10 =	sld [smem:$0x3FB7];
	_ =	sdelay $0x3  }
0x33: {  	p0 =	seq.s32 s10, $0x1;
	s10 =	sld [smem:$0x3FB9];
	_ =	sdelay $0x3  }
0x34: {  	[smem:$0x3FB9] =	sst s10  }
0x35: {  	s10 =	sld [smem:$0x3FB8];
	_ =	sdelay $0x3  }
0x36: {  	p1 =	seq.s32 s10, $0x1;
	s10 =	sld [smem:$0x3FB9];
	_ =	sdelay $0x3  }
0x37: {  	[smem:$0x3FB9] =	sst s10  }
0x38: {  	s10 =	sld [smem:$0x3FBA]  }
0x39: {  	_ = 	snop;
	(pc) =	sbr.ind lr, $3  }
0x3a: {  	_ = 	snop  }
0x3b: {  	_ = 	snop  }
0x3c: {  	p2 =	seq.s32 s10, $0x1;
	s10 =	sld [smem:$0x3FB9]  }
0x3d: {  	_ =	shalt  }
0x3e: {  	_ =	shalt  }
0x3f: {  	_ =	shalt  }
0x40: {  	_ =	shalt  }
0x41: {  	_ =	shalt  }
0x42: {  	_ =	shalt  }
0x43: {  	_ =	shalt  }
0x44: {  	_ =	shalt  }
0x45: {  	_ =	shalt  }
0x46: {  	_ =	shalt  }
0x47: {  	_ =	shalt  }
0x48: {  	_ =	shalt  }
0x49: {  	_ =	shalt  }
0x4a: {  	_ =	shalt  }
0x4b: {  	_ =	shalt  }
0x4c: {  	_ =	shalt  }
0x4d: {  	_ =	shalt  }
0x4e: {  	_ =	shalt  }
0x4f: {  	_ =	shalt  }
0x50: {  	_ =	shalt  }
0x51: {  	_ =	shalt  }
0x52: {  	_ =	shalt  }
0x53: {  	_ =	shalt  }
0x54: {  	_ =	shalt  }
0x55: {  	_ =	shalt  }
0x56: {  	_ =	shalt  }
0x57: {  	_ =	shalt  }
0x58: {  	_ =	shalt  }
0x59: {  	_ =	shalt  }
0x5a: {  	_ =	shalt  }
0x5b: {  	_ =	shalt  }
0x5c: {  	_ =	shalt  }
0x5d: {  	_ =	shalt  }
0x5e: {  	_ =	shalt  }
0x5f: {  	_ =	shalt  }
0x60: {  	_ =	shalt  }
0x61: {  	_ =	shalt  }
0x62: {  	_ =	shalt  }
0x63: {  	_ =	shalt  }
0x64: {  	_ =	shalt  }
0x65: {  	_ =	shalt  }
0x66: {  	_ =	shalt  }
0x67: {  	_ =	shalt  }
0x68: {  	_ =	shalt  }
0x69: {  	_ =	shalt  }
0x6a: {  	_ =	shalt  }
0x6b: {  	_ =	shalt  }
0x6c: {  	_ =	shalt  }
0x6d: {  	_ =	shalt  }
0x6e: {  	_ =	shalt  }
0x6f: {  	_ =	shalt  }
0x70: {  	_ =	shalt  }
0x71: {  	_ =	shalt  }
0x72: {  	_ =	shalt  }
0x73: {  	_ =	shalt  }
0x74: {  	_ =	shalt  }
0x75: {  	_ =	shalt  }
0x76: {  	_ =	shalt  }
0x77: {  	_ =	shalt  }
0x78: {  	_ =	shalt  }
0x79: {  	_ =	shalt  }
0x7a: {  	_ =	shalt  }
0x7b: {  	_ =	shalt  }
0x7c: {  	_ =	shalt  }
0x7d: {  	_ =	shalt  }
0x7e: {  	_ =	shalt  }
0x7f: {  	_ =	shalt  }
0x80: {  	_ =	shalt  }
0x81: {  	_ =	shalt  }
0x82: {  	_ =	shalt  }
0x83: {  	_ =	shalt  }
0x84: {  	_ =	shalt  }
0x85: {  	_ =	shalt  }
0x86: {  	_ =	shalt  }
0x87: {  	_ =	shalt  }
.Lfunc_end0:
.L_simem_size_0:
called_computation.1_lowered:
.L_overlay_start_0:
0x88: {  	s2 =	sld [smem:$0x3FD9]  }
0x89: {  	s3 =	sld [smem:$0x3FFE];
	_ =	sdelay $0x1  }
0x8a: {  	s1 =	srdreg.scid  }
0x8b: {  	s0 =	sand.u32 $0x1, s1  }
0x8c: {  	s17 =	sshll.u32 s0, $0xA;
	s2 =	sadd.s32 s3, s2  }
0x8d: {  	s2 =	sadd.s32 s2, s17  }
0x8e: {  	[smem:$0x3FC5] =	sst s2  }
0x8f: {  	_ = 	snop  }
0x90: {  	s2 =	sld [smem:$0x3FC9]  }
0x91: {  	s18 =	sld [smem:$0x3FC8]  }
0x92: {  	s4 =	sld [smem:$0x3FD0];
	(tm) =	ssettm $0x1  }
0x93: {  	s5 =	sld [smem:$0x3FFB];
	_ =	sdelay $0x3  }
0x94: {  	_ =	strace s5  }
0x95: {  	s5 =	sld [smem:$0x3FFC];
	_ =	sdelay $0x3  }
0x96: {  	_ =	strace s5  }
0x97: {  	s5 =	sld [smem:$0x3FFD];
	_ =	sdelay $0x3  }
0x98: {  	_ =	strace s5  }
0x99: {  	_ =	strace $0x8FFFFFFF  }
0x9a: {  	s19 =	sld [smem:$0x3FDB];
	_ =	sdelay $0x1  }
0x9b: {  	s6 =	simm.s32 $_scs_section_size  }
0x9c: {  	s7 =	simm.s32 $_size__tile_overlayer_lowered;
	s8 =	simm.s32 $_tile_overlayer_lowered  }
0x9d: {  	s22 =	simm.s32 $0x1BFF;
	s21 =	sshll.u32 s8, $0x1;
	s5 =	sadd.s32 s6, s19  }
0x9e: {  	s9 =	simm.s32 $0x0;
	s20 =	sshll.u32 s7, $0x1;
	s7 =	sadd.s32 s21, s5  }
0x9f: {  	[timem:s9], [sflag:s22] =	dma.local [hbm:s7], s20  }
0xa0: {  	_ =	swait.ge [sflag:s22], s20  }
0xa1: {  	s6 =	ssub.s32 $0x0, s20;
	[sflag:s22] =	ssyncset.done $0x0  }
0xa2: {  	[sflag:s22] =	ssyncadd.s32 s6;
	_ =	sdelay $0x1  }
0xa3: {  	s23 =	simm.s32 $0x1B8B  }
0xa4: {  	_ =	swait.ge [sflag:s23], $0x1  }
0xa5: {  	[sflag:s23] =	ssyncset.done $0x0  }
0xa6: {  	s25 =	simm.s32 $0x1B8E;
	s24 =	sld [smem:$0x3FFE];
	[sflag:s23] =	ssyncadd.s32 $0xFFFFFFFF  }
0xa7: {  	s26 =	simm.s32 $execute0_lowered;
	[smem:$0x3FD2] =	sst s25  }
0xa8: {  	s7 =	sshll.u32 s26, $0x1;
	_ =	strace $0x80000049;
	[dreg:$0x1] =	wrdreg $0xFFFFFFFF  }
0xa9: {  	s28 =	simm.s32 $_size_execute0_lowered;
	s5 =	sadd.s32 s5, s7;
	[dreg:$0x0] =	wrdreg $0x0  }
0xaa: {  	s7 =	sshll.u32 s28, $0x1;
	[dreg:$0x2] =	wrdreg s5  }
0xab: {  	[dreg:$0x3] =	wrdreg s7  }
0xac: {  	[dreg:$0x4] =	wrdreg $0xC0  }
0xad: {  	_ =	task [dreg:s9], $0x5FFFF  }
0xae: {  	[dreg:$0x1] =	wrdreg $0xFFFFFFFF  }
0xaf: {  	[dreg:$0x0] =	wrdreg $0x60  }
0xb0: {  	[dreg:$0x2] =	wrdreg s24  }
0xb1: {  	[dreg:$0x3] =	wrdreg s2  }
0xb2: {  	[dreg:$0x4] =	wrdreg s18  }
0xb3: {  	[dreg:$0x5] =	wrdreg s4  }
0xb4: {  	[dreg:$0x6] =	wrdreg $0x1E7000  }
0xb5: {  	[dreg:$0x7] =	wrdreg $0x9  }
0xb6: {  	_ =	task.clear_ibuf [dreg:s9], $0x8FFFF;
	_ =	strace $0x90000049  }
0xb7: {  	s29 =	simm.s32 $0x9;
	_ =	strace $0x8000004D  }
0xb8: {  	_ =	swait.ge [sflag:s29], $0x1  }
0xb9: {  	[sflag:s29] =	ssyncadd.s32 $0xFFFFFFFF  }
0xba: {  	_ =	strace $0x9000004D  }
0xbb: {  	_ =	sfence  }
0xbc: {  	s30 =	sld [smem:$0x0];
	_ =	sdelay $0x2  }
0xbd: {  	s31 =	sshll.u32 s1, $0xD;
	s1 =	sshrl.u32 s1, $0x2  }
0xbe: {  	s3 =	sand.u32 $0x4000, s31;
	s1 =	sadd.s32 s1, s30  }
0xbf: {  	s0 =	sor.u32 s3, s0;
	s1 =	sshll.u32 s1, $0x11  }
0xc0: {  	s0 =	sor.u32 s1, s0  }
0xc1: {  	s0 =	sadd.s32 $0x8F2B, s0  }
0xc2: {  	[sflag:s0] =	ssyncadd.remote.s32 $0x1  }
0xc3: {  	_ =	sfence.sel $0xFFFF  }
0xc4: {  	[dreg:$0x0] =	wrdreg $0xFFFFFFFF;
	(pc) =	sbr.abs _section_cstart, $3  }
0xc5: {  	[dreg:$0x1] =	wrdreg $0xFFFFFFFF  }
0xc6: {  	_ =	task.clear_ibuf [dreg:s9], $0x2FFFF;
	_ =	strace $0x9FFFFFFF  }
0xc7: {  	(tm) =	ssettm $0x7FFFFFFF  }
tec
execute0_lowered:
.L_overlay_start_1:
0x0: {  	(tag) =	ssettag $0x1  }
0x1: {  	s0 =	rddreg [dreg:$0x0]  }
0x2: {  	s1 =	rddreg [dreg:$0x1]  }
0x3: {  	s2 =	rddreg [dreg:$0x2]  }
0x4: {  	s4 =	rddreg [dreg:$0x3]  }
0x5: {  	s14 =	rddreg [dreg:$0x4];
	s3 =	srdreg.scid  }
0x6: {  	s11 =	stileid.u32;
	s6 =	simm.s32 $0x0;
	s28 =	simm.s32 $0x1  }
0x7: {  	s29 =	simm.s32 $0x3;
	s30 =	simm.s32 $0x2;
	s31 =	simm.s32 $0x4  }
0x8: {  	s3 =	sand.u32 $0x1, s3;
	s5 =	sshll.u32 s11, $0x1;
	[smem:$0x7FF] =	sst s6  }
0x9: {  	s19 =	sadd.s32 $0x4200, s0;
	s8 =	sadd.s32 $0x1000, s0;
	s11 =	smul.u32 $0x1880, s11  }
0xa: {  	s5 =	sor.u32 s3, s5;
	_ =	strace $0x8000004A;
	s3 =	ssub.s32 $0x2, s3  }
0xb: {  	s7 =	smul.u32 $0x30D40, s5;
	s20 =	sshrl.u32 s3, $0x1;
	s23 =	sshrl.u32 s11, $0x3  }
0xc: {  	s13 =	sadd.s32 $0xC40, s11;
	s11 =	sadd.s32 s11, s14;
	s0 =	ssub.s32 s3, s20  }
0xd: {  	[dreg:$0x9] =	wrdreg s11;
	s24 =	sshrl.u32 s13, $0x3;
	s25 =	sadd.s32 s13, s14  }
0xe: {  	s13 =	simm.s32 $0x18700;
	s10 =	sshrl.u32 s7, $0x3;
	s9 =	sadd.s32 $0xFA0, s7  }
0xf: {  	s5 =	sadd.s32 s19, s24;
	[dreg:$0xb] =	wrdreg s25;
	s18 =	sadd.s32 $0x1F40, s7  }
0x10: {  	s0 =	smax.u32 s0, $0x1;
	s24 =	simm.s32 $0x7;
	s25 =	simm.s32 $0x19700  }
0x11: {  	s21 =	sadd.s32 s2, s10;
	s22 =	sshrl.u32 s9, $0x3;
	[dreg:$0xa] =	wrdreg s5  }
0x12: {  	s26 =	sadd.s32 s1, s10;
	[dreg:$0xe] =	wrdreg s0;
	s0 =	simm.s32 $0x1D700  }
.Ltmp0:
0x13: {  	s5 =	simm.s32 $0x0;
	[dreg:$0x6] =	wrdreg s21;
	(pc) =	sbr.rel .LBB2_1-.Ltmp0, $4  }
0x14: {  	s12 =	sadd.s32 s2, s22;
	[dreg:$0xc] =	wrdreg s26;
	s3 =	sadd.s32 s1, s22  }
0x15: {  	s22 =	simm.s32 $0x1B700;
	s26 =	simm.s32 $0x1C700;
	[dreg:$0x7] =	wrdreg s12  }
0x16: {  	s21 =	simm.s32 $0x6;
	s12 =	sadd.s32 s19, s23;
	[dreg:$0xd] =	wrdreg s3  }
0x17: {  	s19 =	sadd.s32 $0x2EE0, s7;
	s3 =	simm.s32 $0x5;
	[dreg:$0x8] =	wrdreg s12  }
.LBB2_12:
0x18: {  	_ =	swait.ge [sflag:s3], $0xFA0  }
0x19: {  	[sflag:s3] =	ssyncset.done $0x0  }
0x1a: {  	[sflag:s3] =	ssyncadd.s32 $0xFFFFF060  }
0x1b: {  	_ =	swait.ge [sflag:s21], $0xFA0  }
0x1c: {  	s5 =	sadd.s32 $0x1, s5;
	s10 =	rddreg [dreg:$0xe]  }
0x1d: {  	p0 =	sne.s32 s5, s10  }
.Ltmp1:
0x1e: {  	_ = 	snop;
	(pc) =	sbr.rel @!p0 .LBB2_13-.Ltmp1, $3  }
0x1f: {  	_ =	sdelay $0x1  }
0x20: {  	[sflag:s21] =	ssyncset.done $0x0  }
0x21: {  	s13 =	simm.s32 $0x18700;
	[sflag:s21] =	ssyncadd.s32 $0xFFFFF060  }
.LBB2_1:
0x22: {  	s10 =	rddreg [dreg:$0x6];
	s11 =	simm.s32 $0x1A700  }
0x23: {  	[tilespmem:s11], [sflag:$0x3] =	stream.linear.gather [hbm4b:s10+s6], $0xFA0, $0x38;
	[tilespmem:$0x1FF80] =	vst v63  }
0x24: {  	s14 =	rddreg [dreg:$0x7]  }
0x25: {  	[tilespmem:s22], [sflag:$0x4] =	stream.linear.gather [hbm4b:s14+s6], $0xFA0, $0x38;
	[tilespmem:$0x1FF80] =	vst v63  }
0x26: {  	_ =	strace $0x8000004B  }
0x27: {  	s15 =	rddreg [dreg:$0x8]  }
0x28: {  	[tilespmem:s13], [sflag:$0x7] =	stream.linear.gather [hbm4b:s15+s6], $0xC40, $0x200038;
	[tilespmem:$0x1FF80] =	vst v63  }
0x29: {  	_ =	swait.ge [sflag:s24], $0xC40  }
0x2a: {  	[sflag:s24] =	ssyncset.done $0x0  }
0x2b: {  	[sflag:s24] =	ssyncadd.s32 $0xFFFFF3C0  }
0x2c: {  	v0 =	vld [tilespmem:$0x18700];
	_ =	sdelay $0x4  }
0x2d: {  	(v2sf) =	vpush v0, $0x0;
	_ =	sdelay $0xe  }
0x2e: {  	s16 =	spop (v2sf)  }
0x2f: {  	s10 =	sand.u32 $0xFFFFFFF8, s16  }
0x30: {  	p0 =	slt.s32 s10, $0x17B80  }
0x31: {  	s10 =	simm.s32 @!p0 $0x17B80  }
0x32: {  	s17 =	sshrl.u32 s10, $0x3  }
0x33: {  	s11 =	sadd.s32 s8, s17  }
0x34: {  	[tilespmem:s25], [sflag:$0x7] =	stream.linear.gather [hbm4b:s11+s6], $0xC80, $0x200038;
	[tilespmem:$0x1FF80] =	vst v63  }
0x35: {  	_ =	swait.ge [sflag:s24], $0xC80  }
0x36: {  	[sflag:s24] =	ssyncset.done $0x0  }
0x37: {  	s20 =	simm.s32 $0x18720;
	[sflag:s24] =	ssyncadd.s32 $0xFFFFF380  }
0x38: {  	v1 =	vld [tilespmem:s20+$0x10];
	_ =	sdelay $0x1  }
0x39: {  	v2 =	vld [tilespmem:s20+$0xFFFFFFF0]  }
0x3a: {  	v3 =	vld [tilespmem:s20+$0xFFFFFFE0]  }
0x3b: {  	v0 =	vmov s10;
	v4 =	vld [tilespmem:s20+$0x0]  }
0x3c: {  	v1 =	vsub.s32 v1, v0  }
0x3d: {  	s23 =	simm.s32 $0x18760  }
0x3e: {  	v5 =	vld [tilespmem:s23+$0x10];
	v2 =	vsub.s32 v2, v0  }
0x3f: {  	v9 =	vld [tilespmem:s23+$0xFFFFFFF0];
	v3 =	vsub.s32 v3, v0  }
0x40: {  	v6 =	vld [tilespmem:s23+$0x0];
	v10 =	vsub.s32 v4, v0  }
0x41: {  	v1 =	vld.idx.msk [tilespmem:v1+s25+$0x0], $0xffff  }
0x42: {  	v7 =	vld [tilespmem:s23+$0xFFFFFFE0]  }
0x43: {  	v8 =	vsub.s32 v5, v0;
	v2 =	vld.idx.msk [tilespmem:v2+s25+$0x0], $0xffff  }
0x44: {  	v3 =	vld.idx.msk [tilespmem:v3+s25+$0x0], $0xffff  }
0x45: {  	s12 =	simm.s32 $0x187A0;
	s10 =	simm.s32 $0x1C720;
	s11 =	simm.s32 $0x4;
	v4 =	vsub.s32 v9, v0;
	v5 =	vld.idx.msk [tilespmem:v10+s25+$0x0], $0xffff  }
.LBB2_2:
0x46: {  	v9 =	vld [tilespmem:s12+$0x10];
	s11 =	sadd.s32 $0x4, s11;
	v10 =	vsub.s32 v6, v0;
	[tilespmem:s10+$0x10] =	vst v1  }
0x47: {  	v11 =	vld [tilespmem:s12+$0xFFFFFFF0];
	p0 =	slt.u32 s11, $0xC0;
	v12 =	vsub.s32 v7, v0  }
0x48: {  	v1 =	vld.idx.msk [tilespmem:v8+s25+$0x0], $0xffff  }
.Ltmp2:
0x49: {  	v6 =	vld [tilespmem:s12+$0x0];
	[tilespmem:s10+$0xFFFFFFF0] =	vst v2;
	(pc) =	sbr.rel @p0 .LBB2_2-.Ltmp2, $4  }
0x4a: {  	v7 =	vld [tilespmem:s12+$0xFFFFFFE0];
	[tilespmem:s10+$0xFFFFFFE0] =	vst v3  }
0x4b: {  	v8 =	vsub.s32 v9, v0;
	v2 =	vld.idx.msk [tilespmem:v4+s25+$0x0], $0xffff;
	[tilespmem:s10+$0x0] =	vst v5  }
0x4c: {  	v4 =	vsub.s32 v11, v0;
	v3 =	vld.idx.msk [tilespmem:v12+s25+$0x0], $0xffff  }
0x4d: {  	s12 =	sadd.s32 $0x40, s12;
	s10 =	sadd.s32 $0x40, s10;
	v5 =	vld.idx.msk [tilespmem:v10+s25+$0x0], $0xffff  }
0x4e: {  	_ = 	snop  }
0x4f: {  	v7 =	vsub.s32 v7, v0  }
0x50: {  	v0 =	vsub.s32 v6, v0;
	_ =	sdelay $0x1  }
0x51: {  	[tilespmem:s10+$0x10] =	vst v1;
	v1 =	vld.idx.msk [tilespmem:v4+s25+$0x0], $0xffff  }
0x52: {  	v6 =	vld.idx.msk [tilespmem:v8+s25+$0x0], $0xffff  }
0x53: {  	[tilespmem:s10+$0xFFFFFFF0] =	vst v2;
	v2 =	vld.idx.msk [tilespmem:v7+s25+$0x0], $0xffff  }
0x54: {  	[tilespmem:s10+$0xFFFFFFE0] =	vst v3;
	v0 =	vld.idx.msk [tilespmem:v0+s25+$0x0], $0xffff  }
0x55: {  	s15 =	sadd.s32 $0x40, s10;
	[tilespmem:s10+$0x0] =	vst v5  }
0x56: {  	[tilespmem:s15+$0xFFFFFFF0] =	vst v1  }
0x57: {  	[tilespmem:s15+$0x10] =	vst v6  }
0x58: {  	[tilespmem:s15+$0xFFFFFFE0] =	vst v2  }
0x59: {  	[tilespmem:s15+$0x0] =	vst v0  }
0x5a: {  	s10 =	rddreg [dreg:$0x9]  }
0x5b: {  	[spmem:s10] =	stream.linear.scatter [tilespmem:s26], [sflag:$0x7], $0xC40, $0x200038;
	[tilespmem:$0x1FF80] =	vst v63  }
0x5c: {  	_ =	swait.ge [sflag:s24], $0xC40  }
0x5d: {  	[sflag:s24] =	ssyncset.done $0x0  }
0x5e: {  	s16 =	rddreg [dreg:$0xa];
	[sflag:s24] =	ssyncadd.s32 $0xFFFFF3C0  }
0x5f: {  	[tilespmem:s13], [sflag:$0x7] =	stream.linear.gather [hbm4b:s16+s6], $0xC40, $0x200038;
	[tilespmem:$0x1FF80] =	vst v63  }
0x60: {  	_ =	swait.ge [sflag:s24], $0xC40  }
0x61: {  	[sflag:s24] =	ssyncset.done $0x0  }
0x62: {  	[sflag:s24] =	ssyncadd.s32 $0xFFFFF3C0  }
0x63: {  	v0 =	vld [tilespmem:$0x18700];
	_ =	sdelay $0x4  }
0x64: {  	(v2sf) =	vpush v0, $0x0;
	_ =	sdelay $0xe  }
0x65: {  	s17 =	spop (v2sf)  }
0x66: {  	s10 =	sand.u32 $0xFFFFFFF8, s17  }
0x67: {  	p0 =	slt.s32 s10, $0x17B80  }
0x68: {  	s10 =	simm.s32 @!p0 $0x17B80  }
0x69: {  	s11 =	sshrl.u32 s10, $0x3  }
0x6a: {  	s11 =	sadd.s32 s8, s11  }
0x6b: {  	[tilespmem:s25], [sflag:$0x7] =	stream.linear.gather [hbm4b:s11+s6], $0xC80, $0x200038;
	[tilespmem:$0x1FF80] =	vst v63  }
0x6c: {  	_ =	swait.ge [sflag:s24], $0xC80  }
0x6d: {  	[sflag:s24] =	ssyncset.done $0x0  }
0x6e: {  	s20 =	simm.s32 $0x18720;
	[sflag:s24] =	ssyncadd.s32 $0xFFFFF380  }
0x6f: {  	v1 =	vld [tilespmem:s20+$0x10];
	_ =	sdelay $0x1  }
0x70: {  	v2 =	vld [tilespmem:s20+$0xFFFFFFF0]  }
0x71: {  	v3 =	vld [tilespmem:s20+$0xFFFFFFE0]  }
0x72: {  	v0 =	vmov s10;
	v4 =	vld [tilespmem:s20+$0x0]  }
0x73: {  	v1 =	vsub.s32 v1, v0  }
0x74: {  	s23 =	simm.s32 $0x18760  }
0x75: {  	v5 =	vld [tilespmem:s23+$0x10];
	v2 =	vsub.s32 v2, v0  }
0x76: {  	v9 =	vld [tilespmem:s23+$0xFFFFFFF0];
	v3 =	vsub.s32 v3, v0  }
0x77: {  	v6 =	vld [tilespmem:s23+$0x0];
	v10 =	vsub.s32 v4, v0  }
0x78: {  	v1 =	vld.idx.msk [tilespmem:v1+s25+$0x0], $0xffff  }
0x79: {  	v7 =	vld [tilespmem:s23+$0xFFFFFFE0]  }
0x7a: {  	v8 =	vsub.s32 v5, v0;
	v2 =	vld.idx.msk [tilespmem:v2+s25+$0x0], $0xffff  }
0x7b: {  	v3 =	vld.idx.msk [tilespmem:v3+s25+$0x0], $0xffff  }
0x7c: {  	s12 =	simm.s32 $0x187A0;
	s10 =	simm.s32 $0x1C720;
	s11 =	simm.s32 $0x4;
	v4 =	vsub.s32 v9, v0;
	v5 =	vld.idx.msk [tilespmem:v10+s25+$0x0], $0xffff  }
.LBB2_4:
0x7d: {  	v9 =	vld [tilespmem:s12+$0x10];
	s11 =	sadd.s32 $0x4, s11;
	v10 =	vsub.s32 v6, v0;
	[tilespmem:s10+$0x10] =	vst v1  }
0x7e: {  	v11 =	vld [tilespmem:s12+$0xFFFFFFF0];
	p0 =	slt.u32 s11, $0xC0;
	v12 =	vsub.s32 v7, v0  }
0x7f: {  	v1 =	vld.idx.msk [tilespmem:v8+s25+$0x0], $0xffff  }
.Ltmp3:
0x80: {  	v6 =	vld [tilespmem:s12+$0x0];
	[tilespmem:s10+$0xFFFFFFF0] =	vst v2;
	(pc) =	sbr.rel @p0 .LBB2_4-.Ltmp3, $4  }
0x81: {  	v7 =	vld [tilespmem:s12+$0xFFFFFFE0];
	[tilespmem:s10+$0xFFFFFFE0] =	vst v3  }
0x82: {  	v8 =	vsub.s32 v9, v0;
	v2 =	vld.idx.msk [tilespmem:v4+s25+$0x0], $0xffff;
	[tilespmem:s10+$0x0] =	vst v5  }
0x83: {  	v4 =	vsub.s32 v11, v0;
	v3 =	vld.idx.msk [tilespmem:v12+s25+$0x0], $0xffff  }
0x84: {  	s12 =	sadd.s32 $0x40, s12;
	s10 =	sadd.s32 $0x40, s10;
	v5 =	vld.idx.msk [tilespmem:v10+s25+$0x0], $0xffff  }
0x85: {  	_ = 	snop  }
0x86: {  	v60 =	vsub.s32 v6, v0  }
0x87: {  	v7 =	vsub.s32 v7, v0;
	_ =	sdelay $0x1  }
0x88: {  	v61 =	vld.idx.msk [tilespmem:v8+s25+$0x0], $0xffff  }
0x89: {  	[tilespmem:s10+$0x10] =	vst v1;
	v62 =	vld.idx.msk [tilespmem:v4+s25+$0x0], $0xffff  }
0x8a: {  	[tilespmem:s10+$0xFFFFFFF0] =	vst v2;
	v0 =	vld.idx.msk [tilespmem:v60+s25+$0x0], $0xffff  }
0x8b: {  	[tilespmem:s10+$0xFFFFFFE0] =	vst v3;
	v63 =	vld.idx.msk [tilespmem:v7+s25+$0x0], $0xffff  }
0x8c: {  	s17 =	sadd.s32 $0x40, s10;
	[tilespmem:s10+$0x0] =	vst v5  }
0x8d: {  	[tilespmem:s17+$0x10] =	vst v61  }
0x8e: {  	[tilespmem:s17+$0xFFFFFFF0] =	vst v62  }
0x8f: {  	[tilespmem:s17+$0x0] =	vst v0  }
0x90: {  	[tilespmem:s17+$0xFFFFFFE0] =	vst v63  }
0x91: {  	s10 =	rddreg [dreg:$0xb]  }
0x92: {  	[spmem:s10] =	stream.linear.scatter [tilespmem:s26], [sflag:$0x7], $0xC40, $0x200038;
	[tilespmem:$0x1FF80] =	vst v63  }
0x93: {  	_ =	swait.ge [sflag:s24], $0xC40  }
0x94: {  	[sflag:s24] =	ssyncset.done $0x0  }
0x95: {  	[sflag:s24] =	ssyncadd.s32 $0xFFFFF3C0  }
0x96: {  	_ =	strace $0x9000004B  }
0x97: {  	[bflag:$0x0] =	sbarrier.arrive $0xFFFF  }
0x98: {  	s10 =	simm.s32 $0x0;
	s11 =	rddreg [dreg:$0xc]  }
0x99: {  	[tilespmem:s13], [sflag:$0x1] =	stream.linear.gather [hbm4b:s11+s10], $0xFA0, $0x38;
	[tilespmem:$0x1FF80] =	vst v63  }
0x9a: {  	s20 =	rddreg [dreg:$0xd]  }
0x9b: {  	[tilespmem:s25], [sflag:$0x2] =	stream.linear.gather [hbm4b:s20+s10], $0xFA0, $0x38;
	[tilespmem:$0x1FF80] =	vst v63  }
0x9c: {  	_ =	strace $0x8000004C  }
0x9d: {  	s23 =	rddreg [dreg:$0x4]  }
0x9e: {  	[tilespmem:s10], [sflag:$0x7] =	stream.linear.gather [spmem:s23], $0x186A0, $0x200038;
	[tilespmem:$0x1FF80] =	vst v63  }
0x9f: {  	_ =	swait.ge [sflag:s24], $0x186A0  }
0xa0: {  	[sflag:s24] =	ssyncset.done $0x0  }
0xa1: {  	[sflag:s24] =	ssyncadd.s32 $0xFFFE7960  }
0xa2: {  	s11 =	simm.s32 $0x0;
	_ =	strace $0x9000004C  }
.LBB2_6:
0xa3: {  	_ =	swait.ge [sflag:s28], $0xFA0  }
0xa4: {  	[sflag:s28] =	ssyncset.done $0x0  }
0xa5: {  	[sflag:s28] =	ssyncadd.s32 $0xFFFFF060  }
0xa6: {  	_ =	swait.ge [sflag:s29], $0xFA0  }
0xa7: {  	p0 =	seq.s32 s11, $0x0;
	[sflag:s29] =	ssyncset.done $0x0  }
0xa8: {  	s12 =	simm.s32 @!p0 $0x5;
	[sflag:s29] =	ssyncadd.s32 $0xFFFFF060  }
0xa9: {  	_ =	swait.ge @!p0 [sflag:s12], $0xFA0  }
0xaa: {  	[sflag:s12] =	ssyncset.done @!p0 $0x0  }
0xab: {  	s23 =	simm.s32 $0x18750;
	[sflag:s12] =	ssyncadd.s32 @!p0 $0xFFFFF060  }
0xac: {  	s16 =	sand.u32 $0xFE0, s10;
	v0 =	vld [tilespmem:s23+$0x40]  }
0xad: {  	v1 =	vld [tilespmem:s16+$0x18780]  }
0xae: {  	v2 =	vld [tilespmem:s23+$0xFFFFFFC0]  }
0xaf: {  	v3 =	vld [tilespmem:s23+$0xFFFFFFD0]  }
0xb0: {  	v4 =	vld [tilespmem:s23+$0xFFFFFFE0]  }
0xb1: {  	v5 =	vld [tilespmem:s23+$0xFFFFFFF0]  }
0xb2: {  	s13 =	simm.s32 $0x1A750;
	v6 =	vld [tilespmem:s23+$0x0]  }
0xb3: {  	v7 =	vld [tilespmem:s13+$0x40]  }
0xb4: {  	v10 =	vld [tilespmem:s16+$0x1A780]  }
0xb5: {  	v11 =	vld [tilespmem:s23+$0x20]  }
0xb6: {  	v12 =	vld [tilespmem:s23+$0xFFFFFFB0]  }
0xb7: {  	v8 =	vld.idx.msk [tilespmem:v0+s6+$0x0], $0xffff  }
0xb8: {  	v0 =	vld [tilespmem:s23+$0x10]  }
0xb9: {  	v63 =	vld [tilespmem:s13+$0xFFFFFFC0]  }
0xba: {  	v15 =	vld [tilespmem:s13+$0xFFFFFFD0]  }
0xbb: {  	v9 =	vld.idx.msk [tilespmem:v1+s6+$0x0], $0xffff  }
0xbc: {  	v13 =	vld.idx.msk [tilespmem:v2+s6+$0x0], $0xffff  }
0xbd: {  	v14 =	vld.idx.msk [tilespmem:v3+s6+$0x0], $0xffff  }
0xbe: {  	v2 =	vld.idx.msk [tilespmem:v6+s6+$0x0], $0xffff  }
0xbf: {  	v6 =	vld.idx.msk [tilespmem:v12+s6+$0x0], $0xffff  }
0xc0: {  	v1 =	vld.idx.msk [tilespmem:v0+s6+$0x0], $0xffff  }
0xc1: {  	v0 =	vld.idx.msk [tilespmem:v11+s6+$0x0], $0xffff  }
0xc2: {  	v11 =	vld [tilespmem:s13+$0xFFFFFFB0]  }
0xc3: {  	v4 =	vld.idx.msk [tilespmem:v4+s6+$0x0], $0xffff  }
0xc4: {  	v3 =	vld.idx.msk [tilespmem:v5+s6+$0x0], $0xffff  }
0xc5: {  	v7 =	vsub.f32 v8, v7;
	v8 =	vld [tilespmem:s13+$0xFFFFFFE0]  }
0xc6: {  	s14 =	simm.s32 $0x1C750;
	v5 =	vld [tilespmem:s13+$0xFFFFFFF0];
	v9 =	vsub.f32 v9, v10  }
0xc7: {  	s12 =	smul.u32 $0x1F40, s11;
	[tilespmem:s14+$0x40] =	vst v7;
	v11 =	vsub.f32 v6, v11;
	v6 =	vld [tilespmem:s13+$0x0]  }
0xc8: {  	s17 =	simm.s32 $0x187F0;
	v10 =	vsub.f32 v13, v63;
	[tilespmem:s16+$0x1C780] =	vst v9;
	v7 =	vld [tilespmem:s13+$0x10]  }
0xc9: {  	s20 =	simm.s32 $0xA0;
	s15 =	sadd.s32 s7, s12;
	s16 =	simm.s32 $0x0;
	v9 =	vld [tilespmem:s13+$0x20];
	[tilespmem:s14+$0xFFFFFFB0] =	vst v11;
	v11 =	vsub.f32 v14, v15  }
.LBB2_7:
0xca: {  	s23 =	sand.u32 $0xFE0, s20;
	v12 =	vld [tilespmem:s17+$0x40];
	s16 =	sadd.s32 $0xA, s16;
	[tilespmem:s14+$0xFFFFFFC0] =	vst v10;
	v4 =	vsub.f32 v4, v8  }
0xcb: {  	v8 =	vld [tilespmem:s23+$0x18780];
	p1 =	slt.u32 s16, $0xF0;
	[tilespmem:s14+$0xFFFFFFD0] =	vst v11;
	v3 =	vsub.f32 v3, v5  }
0xcc: {  	v5 =	vld [tilespmem:s17+$0xFFFFFFC0];
	[tilespmem:s14+$0xFFFFFFE0] =	vst v4;
	v2 =	vsub.f32 v2, v6  }
0xcd: {  	v4 =	vld [tilespmem:s17+$0xFFFFFFD0];
	[tilespmem:s14+$0xFFFFFFF0] =	vst v3;
	v1 =	vsub.f32 v1, v7  }
0xce: {  	v3 =	vld [tilespmem:s17+$0xFFFFFFE0];
	[tilespmem:s14+$0x0] =	vst v2;
	v0 =	vsub.f32 v0, v9  }
0xcf: {  	v2 =	vld [tilespmem:s17+$0xFFFFFFF0];
	[tilespmem:s14+$0x10] =	vst v1  }
0xd0: {  	s13 =	sadd.s32 $0xA0, s13;
	v1 =	vld [tilespmem:s17+$0x0];
	[tilespmem:s14+$0x20] =	vst v0  }
0xd1: {  	v0 =	vld [tilespmem:s13+$0x40]  }
0xd2: {  	v6 =	vld.idx.msk [tilespmem:v12+s6+$0x0], $0xffff  }
0xd3: {  	v7 =	vld.idx.msk [tilespmem:v8+s6+$0x0], $0xffff  }
0xd4: {  	v8 =	vld [tilespmem:s23+$0x1A780]  }
0xd5: {  	v9 =	vld [tilespmem:s17+$0x10]  }
0xd6: {  	v10 =	vld [tilespmem:s17+$0x20]  }
0xd7: {  	v11 =	vld [tilespmem:s17+$0xFFFFFFB0]  }
0xd8: {  	v0 =	vsub.f32 v6, v0;
	v12 =	vld.idx.msk [tilespmem:v5+s6+$0x0], $0xffff  }
0xd9: {  	s14 =	sadd.s32 $0xA0, s14;
	v13 =	vld.idx.msk [tilespmem:v4+s6+$0x0], $0xffff;
	v5 =	vsub.f32 v7, v8  }
0xda: {  	v4 =	vld.idx.msk [tilespmem:v3+s6+$0x0], $0xffff;
	[tilespmem:s14+$0x40] =	vst v0  }
0xdb: {  	v3 =	vld.idx.msk [tilespmem:v2+s6+$0x0], $0xffff;
	[tilespmem:s23+$0x1C780] =	vst v5  }
0xdc: {  	v2 =	vld.idx.msk [tilespmem:v1+s6+$0x0], $0xffff  }
0xdd: {  	v1 =	vld.idx.msk [tilespmem:v9+s6+$0x0], $0xffff  }
0xde: {  	v0 =	vld.idx.msk [tilespmem:v10+s6+$0x0], $0xffff  }
0xdf: {  	v6 =	vld.idx.msk [tilespmem:v11+s6+$0x0], $0xffff  }
0xe0: {  	v7 =	vld [tilespmem:s13+$0xFFFFFFB0]  }
0xe1: {  	v9 =	vld [tilespmem:s13+$0xFFFFFFC0]  }
0xe2: {  	v11 =	vld [tilespmem:s13+$0xFFFFFFD0]  }
.Ltmp4:
0xe3: {  	v8 =	vld [tilespmem:s13+$0xFFFFFFE0];
	(pc) =	sbr.rel @p1 .LBB2_7-.Ltmp4, $4  }
0xe4: {  	v5 =	vld [tilespmem:s13+$0xFFFFFFF0]  }
0xe5: {  	v14 =	vsub.f32 v6, v7;
	v6 =	vld [tilespmem:s13+$0x0]  }
0xe6: {  	v10 =	vsub.f32 v12, v9;
	v7 =	vld [tilespmem:s13+$0x10]  }
0xe7: {  	s20 =	sadd.s32 $0xA0, s20;
	s17 =	sadd.s32 $0xA0, s17;
	[tilespmem:s14+$0xFFFFFFB0] =	vst v14;
	v11 =	vsub.f32 v13, v11;
	v9 =	vld [tilespmem:s13+$0x20]  }
0xe8: {  	[tilespmem:s14+$0xFFFFFFC0] =	vst v10;
	v4 =	vsub.f32 v4, v8  }
0xe9: {  	[tilespmem:s14+$0xFFFFFFD0] =	vst v11;
	v3 =	vsub.f32 v3, v5  }
0xea: {  	[tilespmem:s14+$0xFFFFFFE0] =	vst v4;
	v2 =	vsub.f32 v2, v6  }
0xeb: {  	[tilespmem:s14+$0xFFFFFFF0] =	vst v3;
	v1 =	vsub.f32 v1, v7  }
0xec: {  	[tilespmem:s14+$0x0] =	vst v2;
	v0 =	vsub.f32 v0, v9  }
0xed: {  	s13 =	sshrl.u32 s15, $0x3;
	[tilespmem:s14+$0x10] =	vst v1  }
0xee: {  	p1 =	seq.s32 s11, $0x18;
	s13 =	sadd.s32 s4, s13;
	[tilespmem:s14+$0x20] =	vst v0  }
0xef: {  	[hbm4b:s13+s6] =	stream.linear.scatter [tilespmem:s26], [sflag:$0x5], $0xFA0, $0x38;
	[tilespmem:$0x1FF80] =	vst v63  }
0xf0: {  	s13 =	sadd.s32 @!p1 s12, s18  }
0xf1: {  	s13 =	sshrl.u32 @!p1 s13, $0x3  }
0xf2: {  	s15 =	simm.s32 @!p1 $0x0;
	s16 =	simm.s32 @!p1 $0x18700;
	s14 =	sadd.s32 @!p1 s1, s13  }
0xf3: {  	[tilespmem:s16], [sflag:$0x1] =	stream.linear.gather @!p1 [hbm4b:s14+s15], $0xFA0, $0x38;
	[tilespmem:$0x1FF80] =	vst v63  }
0xf4: {  	s13 =	sadd.s32 @!p1 s2, s13;
	s14 =	simm.s32 @!p1 $0x1A700  }
0xf5: {  	[tilespmem:s14], [sflag:$0x3] =	stream.linear.gather @!p1 [hbm4b:s13+s15], $0xFA0, $0x38;
	[tilespmem:$0x1FF80] =	vst v63  }
0xf6: {  	_ =	swait.ge [sflag:s30], $0xFA0  }
0xf7: {  	[sflag:s30] =	ssyncset.done $0x0  }
0xf8: {  	[sflag:s30] =	ssyncadd.s32 $0xFFFFF060  }
0xf9: {  	_ =	swait.ge [sflag:s31], $0xFA0  }
0xfa: {  	[sflag:s31] =	ssyncset.done $0x0  }
0xfb: {  	s13 =	simm.s32 @!p0 $0x6;
	[sflag:s31] =	ssyncadd.s32 $0xFFFFF060  }
0xfc: {  	_ =	swait.ge @!p0 [sflag:s13], $0xFA0  }
0xfd: {  	[sflag:s13] =	ssyncset.done @!p0 $0x0  }
0xfe: {  	s17 =	simm.s32 $0x19750;
	s20 =	simm.s32 $0x0;
	[sflag:s13] =	ssyncadd.s32 @!p0 $0xFFFFF060  }
0xff: {  	s23 =	sand.u32 $0xFE0, s20;
	v0 =	vld [tilespmem:s17+$0x40]  }
0x100: {  	v1 =	vld [tilespmem:s23+$0x19780]  }
0x101: {  	v2 =	vld [tilespmem:s17+$0xFFFFFFC0]  }
0x102: {  	v3 =	vld [tilespmem:s17+$0xFFFFFFD0]  }
0x103: {  	v4 =	vld [tilespmem:s17+$0xFFFFFFE0]  }
0x104: {  	v5 =	vld [tilespmem:s17+$0xFFFFFFF0]  }
0x105: {  	s13 =	simm.s32 $0x1B750;
	v6 =	vld [tilespmem:s17+$0x0]  }
0x106: {  	v7 =	vld [tilespmem:s13+$0x40]  }
0x107: {  	v10 =	vld [tilespmem:s23+$0x1B780]  }
0x108: {  	v11 =	vld [tilespmem:s17+$0x20]  }
0x109: {  	v12 =	vld [tilespmem:s17+$0xFFFFFFB0]  }
0x10a: {  	v8 =	vld.idx.msk [tilespmem:v0+s6+$0x0], $0xffff  }
0x10b: {  	v0 =	vld [tilespmem:s17+$0x10]  }
0x10c: {  	v63 =	vld [tilespmem:s13+$0xFFFFFFC0]  }
0x10d: {  	v15 =	vld [tilespmem:s13+$0xFFFFFFD0]  }
0x10e: {  	v9 =	vld.idx.msk [tilespmem:v1+s6+$0x0], $0xffff  }
0x10f: {  	v13 =	vld.idx.msk [tilespmem:v2+s6+$0x0], $0xffff  }
0x110: {  	v14 =	vld.idx.msk [tilespmem:v3+s6+$0x0], $0xffff  }
0x111: {  	v2 =	vld.idx.msk [tilespmem:v6+s6+$0x0], $0xffff  }
0x112: {  	v6 =	vld.idx.msk [tilespmem:v12+s6+$0x0], $0xffff  }
0x113: {  	v1 =	vld.idx.msk [tilespmem:v0+s6+$0x0], $0xffff  }
0x114: {  	v0 =	vld.idx.msk [tilespmem:v11+s6+$0x0], $0xffff  }
0x115: {  	v11 =	vld [tilespmem:s13+$0xFFFFFFB0]  }
0x116: {  	v4 =	vld.idx.msk [tilespmem:v4+s6+$0x0], $0xffff  }
0x117: {  	v3 =	vld.idx.msk [tilespmem:v5+s6+$0x0], $0xffff  }
0x118: {  	v7 =	vsub.f32 v8, v7;
	v8 =	vld [tilespmem:s13+$0xFFFFFFE0]  }
0x119: {  	s14 =	simm.s32 $0x1D750;
	v5 =	vld [tilespmem:s13+$0xFFFFFFF0];
	v9 =	vsub.f32 v9, v10  }
0x11a: {  	[tilespmem:s14+$0x40] =	vst v7;
	v11 =	vsub.f32 v6, v11;
	v6 =	vld [tilespmem:s13+$0x0]  }
0x11b: {  	s20 =	simm.s32 $0xA0;
	v10 =	vsub.f32 v13, v63;
	[tilespmem:s23+$0x1D780] =	vst v9;
	v7 =	vld [tilespmem:s13+$0x10]  }
0x11c: {  	s16 =	simm.s32 $0x0;
	s15 =	sadd.s32 s12, s9;
	s17 =	simm.s32 $0x197F0;
	v9 =	vld [tilespmem:s13+$0x20];
	[tilespmem:s14+$0xFFFFFFB0] =	vst v11;
	v11 =	vsub.f32 v14, v15  }
.LBB2_9:
0x11d: {  	s23 =	sand.u32 $0xFE0, s20;
	v12 =	vld [tilespmem:s17+$0x40];
	s16 =	sadd.s32 $0xA, s16;
	[tilespmem:s14+$0xFFFFFFC0] =	vst v10;
	v4 =	vsub.f32 v4, v8  }
0x11e: {  	v8 =	vld [tilespmem:s23+$0x19780];
	p0 =	slt.u32 s16, $0xF0;
	[tilespmem:s14+$0xFFFFFFD0] =	vst v11;
	v3 =	vsub.f32 v3, v5  }
0x11f: {  	v5 =	vld [tilespmem:s17+$0xFFFFFFC0];
	[tilespmem:s14+$0xFFFFFFE0] =	vst v4;
	v2 =	vsub.f32 v2, v6  }
0x120: {  	v4 =	vld [tilespmem:s17+$0xFFFFFFD0];
	[tilespmem:s14+$0xFFFFFFF0] =	vst v3;
	v1 =	vsub.f32 v1, v7  }
0x121: {  	v3 =	vld [tilespmem:s17+$0xFFFFFFE0];
	[tilespmem:s14+$0x0] =	vst v2;
	v0 =	vsub.f32 v0, v9  }
0x122: {  	v2 =	vld [tilespmem:s17+$0xFFFFFFF0];
	[tilespmem:s14+$0x10] =	vst v1  }
0x123: {  	s13 =	sadd.s32 $0xA0, s13;
	v1 =	vld [tilespmem:s17+$0x0];
	[tilespmem:s14+$0x20] =	vst v0  }
0x124: {  	v0 =	vld [tilespmem:s13+$0x40]  }
0x125: {  	v6 =	vld.idx.msk [tilespmem:v12+s6+$0x0], $0xffff  }
0x126: {  	v7 =	vld.idx.msk [tilespmem:v8+s6+$0x0], $0xffff  }
0x127: {  	v8 =	vld [tilespmem:s23+$0x1B780]  }
0x128: {  	v9 =	vld [tilespmem:s17+$0x10]  }
0x129: {  	v10 =	vld [tilespmem:s17+$0x20]  }
0x12a: {  	v11 =	vld [tilespmem:s17+$0xFFFFFFB0]  }
0x12b: {  	v0 =	vsub.f32 v6, v0;
	v12 =	vld.idx.msk [tilespmem:v5+s6+$0x0], $0xffff  }
0x12c: {  	s14 =	sadd.s32 $0xA0, s14;
	v13 =	vld.idx.msk [tilespmem:v4+s6+$0x0], $0xffff;
	v5 =	vsub.f32 v7, v8  }
0x12d: {  	v4 =	vld.idx.msk [tilespmem:v3+s6+$0x0], $0xffff;
	[tilespmem:s14+$0x40] =	vst v0  }
0x12e: {  	v3 =	vld.idx.msk [tilespmem:v2+s6+$0x0], $0xffff;
	[tilespmem:s23+$0x1D780] =	vst v5  }
0x12f: {  	v2 =	vld.idx.msk [tilespmem:v1+s6+$0x0], $0xffff  }
0x130: {  	v1 =	vld.idx.msk [tilespmem:v9+s6+$0x0], $0xffff  }
0x131: {  	v0 =	vld.idx.msk [tilespmem:v10+s6+$0x0], $0xffff  }
0x132: {  	v6 =	vld.idx.msk [tilespmem:v11+s6+$0x0], $0xffff  }
0x133: {  	v7 =	vld [tilespmem:s13+$0xFFFFFFB0]  }
0x134: {  	v9 =	vld [tilespmem:s13+$0xFFFFFFC0]  }
0x135: {  	v11 =	vld [tilespmem:s13+$0xFFFFFFD0]  }
.Ltmp5:
0x136: {  	v8 =	vld [tilespmem:s13+$0xFFFFFFE0];
	(pc) =	sbr.rel @p0 .LBB2_9-.Ltmp5, $4  }
0x137: {  	v5 =	vld [tilespmem:s13+$0xFFFFFFF0]  }
0x138: {  	v14 =	vsub.f32 v6, v7;
	v6 =	vld [tilespmem:s13+$0x0]  }
0x139: {  	v10 =	vsub.f32 v12, v9;
	v7 =	vld [tilespmem:s13+$0x10]  }
0x13a: {  	s20 =	sadd.s32 $0xA0, s20;
	s17 =	sadd.s32 $0xA0, s17;
	[tilespmem:s14+$0xFFFFFFB0] =	vst v14;
	v11 =	vsub.f32 v13, v11;
	v9 =	vld [tilespmem:s13+$0x20]  }
0x13b: {  	[tilespmem:s14+$0xFFFFFFC0] =	vst v10;
	v4 =	vsub.f32 v4, v8  }
0x13c: {  	[tilespmem:s14+$0xFFFFFFD0] =	vst v11;
	v3 =	vsub.f32 v3, v5  }
0x13d: {  	[tilespmem:s14+$0xFFFFFFE0] =	vst v4;
	v2 =	vsub.f32 v2, v6  }
.Ltmp6:
0x13e: {  	[tilespmem:s14+$0xFFFFFFF0] =	vst v3;
	v1 =	vsub.f32 v1, v7;
	(pc) =	sbr.rel @p1 .LBB2_12-.Ltmp6, $4  }
0x13f: {  	[tilespmem:s14+$0x0] =	vst v2;
	v0 =	vsub.f32 v0, v9  }
0x140: {  	s13 =	sshrl.u32 s15, $0x3;
	[tilespmem:s14+$0x10] =	vst v1  }
0x141: {  	s13 =	sadd.s32 s4, s13;
	[tilespmem:s14+$0x20] =	vst v0  }
0x142: {  	[hbm4b:s13+s6] =	stream.linear.scatter [tilespmem:s0], [sflag:$0x6], $0xFA0, $0x38;
	[tilespmem:$0x1FF80] =	vst v63  }
0x143: {  	s12 =	sadd.s32 s12, s19  }
.Ltmp7:
0x144: {  	s12 =	sshrl.u32 s12, $0x3;
	(pc) =	sbr.rel .LBB2_6-.Ltmp7, $4  }
0x145: {  	s13 =	sadd.s32 s1, s12  }
0x146: {  	[tilespmem:s25], [sflag:$0x2] =	stream.linear.gather [hbm4b:s13+s6], $0xFA0, $0x38;
	[tilespmem:$0x1FF80] =	vst v63  }
0x147: {  	s11 =	sadd.s32 $0x1, s11;
	s12 =	sadd.s32 s2, s12  }
0x148: {  	[tilespmem:s22], [sflag:$0x4] =	stream.linear.gather [hbm4b:s12+s6], $0xFA0, $0x38;
	[tilespmem:$0x1FF80] =	vst v63  }
.LBB2_13:
0x149: {  	_ =	sfence.sel $0x180000  }
0x14a: {  	[bflag:$0x0] =	sbarrier.arrive $0xFFFF  }
0x14b: {  	_ =	strace $0x9000004A  }
0x14c: {  	s0 =	stileid.u32;
	[bflag:$0x2] =	sbarrier.arrive $0xFFFF  }
0x14d: {  	p0 =	sne.s32 s0, $0x0;
	s0 =	rddreg [dreg:$0x5]  }
0x14e: {  	s0 =	sadd.s32 @!p0 $0x100000, s0  }
0x14f: {  	[sflag:s0] =	ssyncadd.tile.s32 @!p0 $0x1;
	_ =	shalt  }
.Lfunc_end2:
_tile_overlayer_lowered:
.L_overlay_start_2:
0x150: {  	(tag) =	ssettag $0x2  }
0x151: {  	s0 =	rddreg [dreg:$0x0];
	s2 =	stileid.u32  }
0x152: {  	s1 =	rddreg [dreg:$0x1];
	p0 =	sne.s32 s2, $0x0  }
0x153: {  	s3 =	rddreg [dreg:$0x2];
	[bflag:$0x3] =	sbarrier.arrive $0xFFFF;
	s2 =	simm.s32 @!p0 $0x1C07  }
0x154: {  	[timem:s3], [sflag:s2] =	dma.local @!p0 [hbm:s0], s1  }
0x155: {  	s0 =	simm.s32 @!p0 $0x7  }
0x156: {  	_ =	swait.ge @!p0 [sflag:s0], s1  }
0x157: {  	s1 =	ssub.s32 @!p0 $0x0, s1;
	[sflag:s0] =	ssyncset.done @!p0 $0x0  }
0x158: {  	[sflag:s0] =	ssyncadd.s32 @!p0 s1  }
0x159: {  	[bflag:$0x3] =	sbarrier.arrive $0xFFFF  }
0x15a: {  	_ =	shalt  }

</sc_bundles>
